<compile_context>
chip_gen: v7x
topology: tpu7x:2x2x1
jax: 0.10.2.dev20260603
libtpu: 0.0.44.dev20260713+nightly
codegen_flags: <defaults>
</compile_context>

<pallas_src>
import functools

import jax
import jax.numpy as jnp
from jax import lax
from jax.experimental import pallas as pl
from jax.experimental.pallas import tpu as pltpu
from jax.experimental.pallas import tpu_sc as plsc

NW = 32
LANES = 16
RCH = 256
UNROLL = 4


def _sc_loss_partials(b: int, c: int):
    bw = b // NW
    nch = bw // RCH
    npair = nch // 2
    mesh = plsc.VectorSubcoreMesh(core_axis_name="c", subcore_axis_name="s")

    @functools.partial(
        pl.kernel,
        mesh=mesh,
        out_type=jax.ShapeDtypeStruct((NW, LANES), jnp.float32),
        scratch_types=[
            pltpu.VMEM((bw,), jnp.int32),
            pltpu.VMEM((2, RCH, 100), jnp.float32),
            pltpu.VMEM((LANES,), jnp.float32),
            pltpu.SemaphoreType.DMA,
            pltpu.SemaphoreType.DMA,
        ],
    )
    def k(yt_hbm, yp_hbm, part_hbm, lab_v, buf_v, acc_v, sem_a, sem_b):
        wid = lax.axis_index("s") * 2 + lax.axis_index("c")
        base = wid * bw
        pltpu.sync_copy(yt_hbm.at[pl.ds(base, bw)], lab_v)
        lo = jnp.float32(1e-06)
        hi = jnp.float32(1.0 - 1e-06)

        def fire(ch, p, sem):
            pltpu.async_copy(
                yp_hbm.at[pl.ds(base + ch * RCH, RCH)], buf_v.at[p], sem
            )

        def drain(p, sem):
            pltpu.make_async_copy(
                yp_hbm.at[pl.ds(0, RCH)], buf_v.at[p], sem
            ).wait()

        def process(ch, p, accs):
            def rbody(t, accs):
                labs = lab_v[pl.ds(ch * RCH + t * LANES, LANES)]
                rbase = t * LANES
                out = list(accs)
                for u in range(LANES):
                    cu = labs[u]
                    v16 = buf_v[p, rbase + u, pl.ds(cu, LANES)]
                    v = v16[0]
                    out[u % UNROLL] = out[u % UNROLL] + (
                        1.0 - jnp.minimum(jnp.maximum(v, lo), hi)
                    )
                return tuple(out)

            return lax.fori_loop(0, RCH // LANES, rbody, accs)

        zeros4 = tuple(jnp.float32(0.0) for _ in range(UNROLL))
        fire(0, 0, sem_a)

        def body(i, accs):
            ch = i * 2
            fire(ch + 1, 1, sem_b)
            drain(0, sem_a)
            accs = process(ch, 0, accs)
            fire(ch + 2, 0, sem_a)
            drain(1, sem_b)
            accs = process(ch + 1, 1, accs)
            return accs

        accs = lax.fori_loop(0, npair - 1, body, zeros4)
        fire(nch - 1, 1, sem_b)
        drain(0, sem_a)
        accs = process(nch - 2, 0, accs)
        drain(1, sem_b)
        accs = process(nch - 1, 1, accs)

        total = accs[0] + accs[1] + accs[2] + accs[3]
        iota = lax.iota(jnp.int32, LANES)
        acc_v[...] = jnp.where(iota == 0, total, jnp.float32(0.0))
        pltpu.sync_copy(acc_v, part_hbm.at[wid])

    return k


def kernel(y_true, y_pred, class_weight):
    b, c = y_pred.shape
    yt = y_true.reshape(b).astype(jnp.int32)
    partials = _sc_loss_partials(b, c)(yt, y_pred)
    return jnp.sum(partials) / (jnp.sum(class_weight) * b)

# --- scband reference (transcript-rebuilt; emitter-appended) ---
"""Pipeline reference for scband-active-contour-loss-89670327206310 (READ-ONLY COPY).

The authoritative reference and input builder live on the scoring server;
editing this copy changes nothing except your own understanding.
"""

import jax, jax.numpy as jnp
import numpy as np

B = 262144
C = 100

def setup_inputs(seed: int = 0) -> dict:
    key = jax.random.key(seed)
    k1, k2 = jax.random.split(key)
    y_true = jax.random.randint(k1, (B, 1), 0, C, dtype=jnp.int64) if jax.config.jax_enable_x64 else jax.random.randint(k1, (B, 1), 0, C, dtype=jnp.int32)
    y_pred = jax.random.uniform(k2, (B, C), dtype=jnp.float32)
    class_weight = jnp.ones((C,), dtype=jnp.float32)
    return {"y_true": y_true, "y_pred": y_pred, "class_weight": class_weight}

def reference(y_true, y_pred, class_weight):
    b = y_true.shape[0]
    c = class_weight.shape[0]
    # torch.scatter(zeros(B,C), 1, y_true, 1) -> one-hot along dim 1
    onehot = jnp.zeros((b, c), dtype=jnp.float32)
    rows = jnp.arange(b)[:, None]
    onehot = onehot.at[rows, y_true].set(1.0)
    yp = jnp.clip(y_pred, 1e-06, 1 - 1e-06)
    active = onehot * (1.0 - yp)
    loss = active * class_weight
    return jnp.sum(loss) / (jnp.sum(class_weight) * b)

if __name__ == "__main__":
    import jax
    _d = setup_inputs()
    print(jax.jit(kernel)(*tuple(_d.values())))

</pallas_src>

<mosaic_0001>
#map = affine_map<(d0, d1) -> (0)>
#map1 = affine_map<(d0, d1) -> (0, 0)>
module attributes {stable_mosaic.version = 14 : i64} {
  func.func @k(%arg0: i32, %arg1: i32, %arg2: memref<262144xi32, #tpu.memory_space<hbm>>, %arg3: memref<262144x100xf32, #tpu.memory_space<hbm>>, %arg4: memref<32x16xf32, #tpu.memory_space<hbm>>, %arg5: memref<8192xi32, #tpu.memory_space<vmem>>, %arg6: memref<2x256x100xf32, #tpu.memory_space<vmem>>, %arg7: memref<16xf32, #tpu.memory_space<vmem>>, %arg8: memref<!tpu.dma_semaphore, #tpu.memory_space<semaphore_mem>>, %arg9: memref<!tpu.dma_semaphore, #tpu.memory_space<semaphore_mem>>) attributes {dimension_semantics = [#tpu.dimension_semantics<core_parallel>, #tpu.dimension_semantics<subcore_parallel>], iteration_bounds = array<i64: 2, 16>, scalar_prefetch = 0 : i64, scratch_operands = 5 : i64, tpu.core_type = #tpu.core_type<sc_vector_subcore>, window_params = [{transform_indices = #map}, {transform_indices = #map1}, {transform_indices = #map1}]} {
    %mul3A = arith.constant 2 : i32
    %mul3A_0 = arith.muli %arg1, %mul3A : i32
    %add3A = arith.addi %mul3A_0, %arg0 : i32
    %mul3A_1 = arith.constant 8192 : i32
    %mul3A_2 = arith.muli %add3A, %mul3A_1 : i32
    "tpu.region"() ({
      %run_scoped3A = tpu.sem_alloc : memref<!tpu.dma_semaphore, #tpu.memory_space<semaphore_mem>>
      %dma_start3A_97 = tpu.memref_slice %arg2[%mul3A_2] : memref<262144xi32, #tpu.memory_space<hbm>> -> memref<8192xi32, #tpu.memory_space<hbm>>
      %dma_start3A_98 = tpu.memref_slice %arg2[%mul3A_2] : memref<262144xi32, #tpu.memory_space<hbm>> -> memref<8192xi32, #tpu.memory_space<hbm>>
      tpu.enqueue_dma source(%dma_start3A_98 : memref<8192xi32, #tpu.memory_space<hbm>>) target(%arg5 : memref<8192xi32, #tpu.memory_space<vmem>>) target_semaphore(%run_scoped3A : memref<!tpu.dma_semaphore, #tpu.memory_space<semaphore_mem>>)
      %dma_wait3A_99 = tpu.memref_slice %arg2[%mul3A_2] : memref<262144xi32, #tpu.memory_space<hbm>> -> memref<8192xi32, #tpu.memory_space<hbm>>
      %dma_wait3A_100 = tpu.memref_slice %arg2[%mul3A_2] : memref<262144xi32, #tpu.memory_space<hbm>> -> memref<8192xi32, #tpu.memory_space<hbm>>
      tpu.wait_dma2 semaphore(%run_scoped3A : memref<!tpu.dma_semaphore, #tpu.memory_space<semaphore_mem>>) src(%dma_wait3A_100 : memref<8192xi32, #tpu.memory_space<hbm>>) dst(%arg5 : memref<8192xi32, #tpu.memory_space<vmem>>)
      tpu.yield
    }) : () -> ()
    %add3A_3 = arith.constant 0 : i32
    %add3A_4 = arith.addi %mul3A_2, %add3A_3 : i32
    %dma_start3A = arith.constant 0 : i32
    %dma_start3A_5 = arith.constant 0 : i32
    %dma_start3A_6 = arith.constant 0 : i32
    %dma_start3A_7 = tpu.memref_slice %arg6[%dma_start3A, %dma_start3A_5, %dma_start3A_6] : memref<2x256x100xf32, #tpu.memory_space<vmem>> -> memref<1x256x100xf32, #tpu.memory_space<vmem>>
    %dma_start3A_8 = tpu.memref_squeeze %dma_start3A_7 : memref<1x256x100xf32, #tpu.memory_space<vmem>> -> memref<256x100xf32, #tpu.memory_space<vmem>>
    %dma_start3A_9 = arith.constant 0 : i32
    %dma_start3A_10 = tpu.memref_slice %arg3[%add3A_4, %dma_start3A_9] : memref<262144x100xf32, #tpu.memory_space<hbm>> -> memref<256x100xf32, #tpu.memory_space<hbm>>
    %dma_start3A_11 = arith.constant 0 : i32
    %dma_start3A_12 = arith.constant 0 : i32
    %dma_start3A_13 = tpu.memref_slice %arg6[%dma_start3A, %dma_start3A_11, %dma_start3A_12] : memref<2x256x100xf32, #tpu.memory_space<vmem>> -> memref<1x256x100xf32, #tpu.memory_space<vmem>>
    %dma_start3A_14 = tpu.memref_squeeze %dma_start3A_13 : memref<1x256x100xf32, #tpu.memory_space<vmem>> -> memref<256x100xf32, #tpu.memory_space<vmem>>
    %dma_start3A_15 = arith.constant 0 : i32
    %dma_start3A_16 = tpu.memref_slice %arg3[%add3A_4, %dma_start3A_15] : memref<262144x100xf32, #tpu.memory_space<hbm>> -> memref<256x100xf32, #tpu.memory_space<hbm>>
    tpu.enqueue_dma source(%dma_start3A_16 : memref<256x100xf32, #tpu.memory_space<hbm>>) target(%dma_start3A_14 : memref<256x100xf32, #tpu.memory_space<vmem>>) target_semaphore(%arg8 : memref<!tpu.dma_semaphore, #tpu.memory_space<semaphore_mem>>)
    %scan3A = arith.constant 9.99999997E-7 : f32
    %scan3A_17 = arith.constant 0.999998986 : f32
    %scan3A_18 = arith.constant 0.000000e+00 : f32
    %scan3A_19 = arith.constant 0.000000e+00 : f32
    %scan3A_20 = arith.constant 0.000000e+00 : f32
    %scan3A_21 = arith.constant 0.000000e+00 : f32
    %scan3A_22 = arith.constant 0 : i32
    %scan3A_23 = arith.constant 15 : i32
    %scan3A_24 = arith.addi %scan3A_22, %scan3A_23 : i32
    %scan3A_25 = arith.constant 1 : i32
    %scan3A_26:4 = scf.for %scan3A_97 = %scan3A_22 to %scan3A_24 step %scan3A_25 iter_args(%scan3A_98 = %scan3A_18, %scan3A_99 = %scan3A_19, %scan3A_100 = %scan3A_20, %scan3A_101 = %scan3A_21) -> (f32, f32, f32, f32)  : i32 {
      %mul3A_102 = arith.constant 2 : i32
      %mul3A_103 = arith.muli %scan3A_97, %mul3A_102 : i32
      %add3A_104 = arith.constant 1 : i32
      %add3A_105 = arith.addi %mul3A_103, %add3A_104 : i32
      %mul3A_106 = arith.constant 256 : i32
      %mul3A_107 = arith.muli %add3A_105, %mul3A_106 : i32
      %add3A_108 = arith.addi %mul3A_2, %mul3A_107 : i32
      %dma_start3A_109 = arith.constant 1 : i32
      %dma_start3A_110 = arith.constant 0 : i32
      %dma_start3A_111 = arith.constant 0 : i32
      %dma_start3A_112 = tpu.memref_slice %arg6[%dma_start3A_109, %dma_start3A_110, %dma_start3A_111] : memref<2x256x100xf32, #tpu.memory_space<vmem>> -> memref<1x256x100xf32, #tpu.memory_space<vmem>>
      %dma_start3A_113 = tpu.memref_squeeze %dma_start3A_112 : memref<1x256x100xf32, #tpu.memory_space<vmem>> -> memref<256x100xf32, #tpu.memory_space<vmem>>
      %dma_start3A_114 = arith.constant 0 : i32
      %dma_start3A_115 = tpu.memref_slice %arg3[%add3A_108, %dma_start3A_114] : memref<262144x100xf32, #tpu.memory_space<hbm>> -> memref<256x100xf32, #tpu.memory_space<hbm>>
      %dma_start3A_116 = arith.constant 0 : i32
      %dma_start3A_117 = arith.constant 0 : i32
      %dma_start3A_118 = tpu.memref_slice %arg6[%dma_start3A_109, %dma_start3A_116, %dma_start3A_117] : memref<2x256x100xf32, #tpu.memory_space<vmem>> -> memref<1x256x100xf32, #tpu.memory_space<vmem>>
      %dma_start3A_119 = tpu.memref_squeeze %dma_start3A_118 : memref<1x256x100xf32, #tpu.memory_space<vmem>> -> memref<256x100xf32, #tpu.memory_space<vmem>>
      %dma_start3A_120 = arith.constant 0 : i32
      %dma_start3A_121 = tpu.memref_slice %arg3[%add3A_108, %dma_start3A_120] : memref<262144x100xf32, #tpu.memory_space<hbm>> -> memref<256x100xf32, #tpu.memory_space<hbm>>
      tpu.enqueue_dma source(%dma_start3A_121 : memref<256x100xf32, #tpu.memory_space<hbm>>) target(%dma_start3A_119 : memref<256x100xf32, #tpu.memory_space<vmem>>) target_semaphore(%arg9 : memref<!tpu.dma_semaphore, #tpu.memory_space<semaphore_mem>>)
      %dma_wait3A_122 = arith.constant 0 : i32
      %dma_wait3A_123 = arith.constant 0 : i32
      %dma_wait3A_124 = arith.constant 0 : i32
      %dma_wait3A_125 = tpu.memref_slice %arg6[%dma_wait3A_122, %dma_wait3A_123, %dma_wait3A_124] : memref<2x256x100xf32, #tpu.memory_space<vmem>> -> memref<1x256x100xf32, #tpu.memory_space<vmem>>
      %dma_wait3A_126 = tpu.memref_squeeze %dma_wait3A_125 : memref<1x256x100xf32, #tpu.memory_space<vmem>> -> memref<256x100xf32, #tpu.memory_space<vmem>>
      %dma_wait3A_127 = arith.constant 0 : i32
      %dma_wait3A_128 = arith.constant 0 : i32
      %dma_wait3A_129 = tpu.memref_slice %arg3[%dma_wait3A_127, %dma_wait3A_128] : memref<262144x100xf32, #tpu.memory_space<hbm>> -> memref<256x100xf32, #tpu.memory_space<hbm>>
      %dma_wait3A_130 = arith.constant 0 : i32
      %dma_wait3A_131 = arith.constant 0 : i32
      %dma_wait3A_132 = tpu.memref_slice %arg6[%dma_wait3A_122, %dma_wait3A_130, %dma_wait3A_131] : memref<2x256x100xf32, #tpu.memory_space<vmem>> -> memref<1x256x100xf32, #tpu.memory_space<vmem>>
      %dma_wait3A_133 = tpu.memref_squeeze %dma_wait3A_132 : memref<1x256x100xf32, #tpu.memory_space<vmem>> -> memref<256x100xf32, #tpu.memory_space<vmem>>
      %dma_wait3A_134 = arith.constant 0 : i32
      %dma_wait3A_135 = arith.constant 0 : i32
      %dma_wait3A_136 = tpu.memref_slice %arg3[%dma_wait3A_134, %dma_wait3A_135] : memref<262144x100xf32, #tpu.memory_space<hbm>> -> memref<256x100xf32, #tpu.memory_space<hbm>>
      tpu.wait_dma2 semaphore(%arg8 : memref<!tpu.dma_semaphore, #tpu.memory_space<semaphore_mem>>) src(%dma_wait3A_136 : memref<256x100xf32, #tpu.memory_space<hbm>>) dst(%dma_wait3A_133 : memref<256x100xf32, #tpu.memory_space<vmem>>)
      %scan3A_137 = arith.constant 0 : i32
      %scan3A_138 = arith.constant 16 : i32
      %scan3A_139 = arith.addi %scan3A_137, %scan3A_138 : i32
      %scan3A_140 = arith.constant 1 : i32
      %scan3A_141:4 = scf.for %scan3A_184 = %scan3A_137 to %scan3A_139 step %scan3A_140 iter_args(%scan3A_185 = %scan3A_98, %scan3A_186 = %scan3A_99, %scan3A_187 = %scan3A_100, %scan3A_188 = %scan3A_101) -> (f32, f32, f32, f32)  : i32 {
        %mul3A_189 = arith.constant 256 : i32
        %mul3A_190 = arith.muli %mul3A_103, %mul3A_189 : i32
        %mul3A_191 = arith.constant 16 : i32
        %mul3A_192 = arith.muli %scan3A_184, %mul3A_191 : i32
        %add3A_193 = arith.addi %mul3A_190, %mul3A_192 : i32
        %get3A = arith.index_cast %add3A_193 : i32 to index
        %get3A_194 = tpu.vector_load %arg5[%get3A] {strides = array<i32>} : memref<8192xi32, #tpu.memory_space<vmem>>, vector<16xi32>,
        %get3A_195 = vector.shape_cast %get3A_194 : vector<16xi32> to vector<16xi32>
        %mul3A_196 = arith.constant 16 : i32
        %mul3A_197 = arith.muli %scan3A_184, %mul3A_196 : i32
        %slice3A = vector.extract_strided_slice %get3A_195 {offsets = [0], sizes = [1], strides = [1]} : vector<16xi32> to vector<1xi32>
        %squeeze3A = vector.extract %slice3A[0] : i32 from vector<1xi32>
        %add3A_198 = arith.constant 0 : i32
        %add3A_199 = arith.addi %mul3A_197, %add3A_198 : i32
        %get3A_200 = arith.constant 0 : i32
        %get3A_201 = arith.index_cast %get3A_200 : i32 to index
        %get3A_202 = arith.index_cast %add3A_199 : i32 to index
        %get3A_203 = arith.index_cast %squeeze3A : i32 to index
        %get3A_204 = tpu.vector_load %arg6[%get3A_201, %get3A_202, %get3A_203] {strides = array<i32>} : memref<2x256x100xf32, #tpu.memory_space<vmem>>, vector<1x1x16xf32>,
        %get3A_205 = vector.shape_cast %get3A_204 : vector<1x1x16xf32> to vector<16xf32>
        %slice3A_206 = vector.extract_strided_slice %get3A_205 {offsets = [0], sizes = [1], strides = [1]} : vector<16xf32> to vector<1xf32>
        %squeeze3A_207 = vector.extract %slice3A_206[0] : f32 from vector<1xf32>
        %max3A = arith.maximumf %squeeze3A_207, %scan3A : f32
        %min3A = arith.minimumf %max3A, %scan3A_17 : f32
        %sub3A = arith.constant 1.000000e+00 : f32
        %sub3A_208 = arith.subf %sub3A, %min3A : f32
        %add3A_209 = arith.addf %scan3A_185, %sub3A_208 : f32
        %slice3A_210 = vector.extract_strided_slice %get3A_195 {offsets = [1], sizes = [1], strides = [1]} : vector<16xi32> to vector<1xi32>
        %squeeze3A_211 = vector.extract %slice3A_210[0] : i32 from vector<1xi32>
        %add3A_212 = arith.constant 1 : i32
        %add3A_213 = arith.addi %mul3A_197, %add3A_212 : i32
        %get3A_214 = arith.constant 0 : i32
        %get3A_215 = arith.index_cast %get3A_214 : i32 to index
        %get3A_216 = arith.index_cast %add3A_213 : i32 to index
        %get3A_217 = arith.index_cast %squeeze3A_211 : i32 to index
        %get3A_218 = tpu.vector_load %arg6[%get3A_215, %get3A_216, %get3A_217] {strides = array<i32>} : memref<2x256x100xf32, #tpu.memory_space<vmem>>, vector<1x1x16xf32>,
        %get3A_219 = vector.shape_cast %get3A_218 : vector<1x1x16xf32> to vector<16xf32>
        %slice3A_220 = vector.extract_strided_slice %get3A_219 {offsets = [0], sizes = [1], strides = [1]} : vector<16xf32> to vector<1xf32>
        %squeeze3A_221 = vector.extract %slice3A_220[0] : f32 from vector<1xf32>
        %max3A_222 = arith.maximumf %squeeze3A_221, %scan3A : f32
        %min3A_223 = arith.minimumf %max3A_222, %scan3A_17 : f32
        %sub3A_224 = arith.constant 1.000000e+00 : f32
        %sub3A_225 = arith.subf %sub3A_224, %min3A_223 : f32
        %add3A_226 = arith.addf %scan3A_186, %sub3A_225 : f32
        %slice3A_227 = vector.extract_strided_slice %get3A_195 {offsets = [2], sizes = [1], strides = [1]} : vector<16xi32> to vector<1xi32>
        %squeeze3A_228 = vector.extract %slice3A_227[0] : i32 from vector<1xi32>
        %add3A_229 = arith.constant 2 : i32
        %add3A_230 = arith.addi %mul3A_197, %add3A_229 : i32
        %get3A_231 = arith.constant 0 : i32
        %get3A_232 = arith.index_cast %get3A_231 : i32 to index
        %get3A_233 = arith.index_cast %add3A_230 : i32 to index
        %get3A_234 = arith.index_cast %squeeze3A_228 : i32 to index
        %get3A_235 = tpu.vector_load %arg6[%get3A_232, %get3A_233, %get3A_234] {strides = array<i32>} : memref<2x256x100xf32, #tpu.memory_space<vmem>>, vector<1x1x16xf32>,
        %get3A_236 = vector.shape_cast %get3A_235 : vector<1x1x16xf32> to vector<16xf32>
        %slice3A_237 = vector.extract_strided_slice %get3A_236 {offsets = [0], sizes = [1], strides = [1]} : vector<16xf32> to vector<1xf32>
        %squeeze3A_238 = vector.extract %slice3A_237[0] : f32 from vector<1xf32>
        %max3A_239 = arith.maximumf %squeeze3A_238, %scan3A : f32
        %min3A_240 = arith.minimumf %max3A_239, %scan3A_17 : f32
        %sub3A_241 = arith.constant 1.000000e+00 : f32
        %sub3A_242 = arith.subf %sub3A_241, %min3A_240 : f32
        %add3A_243 = arith.addf %scan3A_187, %sub3A_242 : f32
        %slice3A_244 = vector.extract_strided_slice %get3A_195 {offsets = [3], sizes = [1], strides = [1]} : vector<16xi32> to vector<1xi32>
        %squeeze3A_245 = vector.extract %slice3A_244[0] : i32 from vector<1xi32>
        %add3A_246 = arith.constant 3 : i32
        %add3A_247 = arith.addi %mul3A_197, %add3A_246 : i32
        %get3A_248 = arith.constant 0 : i32
        %get3A_249 = arith.index_cast %get3A_248 : i32 to index
        %get3A_250 = arith.index_cast %add3A_247 : i32 to index
        %get3A_251 = arith.index_cast %squeeze3A_245 : i32 to index
        %get3A_252 = tpu.vector_load %arg6[%get3A_249, %get3A_250, %get3A_251] {strides = array<i32>} : memref<2x256x100xf32, #tpu.memory_space<vmem>>, vector<1x1x16xf32>,
        %get3A_253 = vector.shape_cast %get3A_252 : vector<1x1x16xf32> to vector<16xf32>
        %slice3A_254 = vector.extract_strided_slice %get3A_253 {offsets = [0], sizes = [1], strides = [1]} : vector<16xf32> to vector<1xf32>
        %squeeze3A_255 = vector.extract %slice3A_254[0] : f32 from vector<1xf32>
        %max3A_256 = arith.maximumf %squeeze3A_255, %scan3A : f32
        %min3A_257 = arith.minimumf %max3A_256, %scan3A_17 : f32
        %sub3A_258 = arith.constant 1.000000e+00 : f32
        %sub3A_259 = arith.subf %sub3A_258, %min3A_257 : f32
        %add3A_260 = arith.addf %scan3A_188, %sub3A_259 : f32
        %slice3A_261 = vector.extract_strided_slice %get3A_195 {offsets = [4], sizes = [1], strides = [1]} : vector<16xi32> to vector<1xi32>
        %squeeze3A_262 = vector.extract %slice3A_261[0] : i32 from vector<1xi32>
        %add3A_263 = arith.constant 4 : i32
        %add3A_264 = arith.addi %mul3A_197, %add3A_263 : i32
        %get3A_265 = arith.constant 0 : i32
        %get3A_266 = arith.index_cast %get3A_265 : i32 to index
        %get3A_267 = arith.index_cast %add3A_264 : i32 to index
        %get3A_268 = arith.index_cast %squeeze3A_262 : i32 to index
        %get3A_269 = tpu.vector_load %arg6[%get3A_266, %get3A_267, %get3A_268] {strides = array<i32>} : memref<2x256x100xf32, #tpu.memory_space<vmem>>, vector<1x1x16xf32>,
        %get3A_270 = vector.shape_cast %get3A_269 : vector<1x1x16xf32> to vector<16xf32>
        %slice3A_271 = vector.extract_strided_slice %get3A_270 {offsets = [0], sizes = [1], strides = [1]} : vector<16xf32> to vector<1xf32>
        %squeeze3A_272 = vector.extract %slice3A_271[0] : f32 from vector<1xf32>
        %max3A_273 = arith.maximumf %squeeze3A_272, %scan3A : f32
        %min3A_274 = arith.minimumf %max3A_273, %scan3A_17 : f32
        %sub3A_275 = arith.constant 1.000000e+00 : f32
        %sub3A_276 = arith.subf %sub3A_275, %min3A_274 : f32
        %add3A_277 = arith.addf %add3A_209, %sub3A_276 : f32
        %slice3A_278 = vector.extract_strided_slice %get3A_195 {offsets = [5], sizes = [1], strides = [1]} : vector<16xi32> to vector<1xi32>
        %squeeze3A_279 = vector.extract %slice3A_278[0] : i32 from vector<1xi32>
        %add3A_280 = arith.constant 5 : i32
        %add3A_281 = arith.addi %mul3A_197, %add3A_280 : i32
        %get3A_282 = arith.constant 0 : i32
        %get3A_283 = arith.index_cast %get3A_282 : i32 to index
        %get3A_284 = arith.index_cast %add3A_281 : i32 to index
        %get3A_285 = arith.index_cast %squeeze3A_279 : i32 to index
        %get3A_286 = tpu.vector_load %arg6[%get3A_283, %get3A_284, %get3A_285] {strides = array<i32>} : memref<2x256x100xf32, #tpu.memory_space<vmem>>, vector<1x1x16xf32>,
        %get3A_287 = vector.shape_cast %get3A_286 : vector<1x1x16xf32> to vector<16xf32>
        %slice3A_288 = vector.extract_strided_slice %get3A_287 {offsets = [0], sizes = [1], strides = [1]} : vector<16xf32> to vector<1xf32>
        %squeeze3A_289 = vector.extract %slice3A_288[0] : f32 from vector<1xf32>
        %max3A_290 = arith.maximumf %squeeze3A_289, %scan3A : f32
        %min3A_291 = arith.minimumf %max3A_290, %scan3A_17 : f32
        %sub3A_292 = arith.constant 1.000000e+00 : f32
        %sub3A_293 = arith.subf %sub3A_292, %min3A_291 : f32
        %add3A_294 = arith.addf %add3A_226, %sub3A_293 : f32
        %slice3A_295 = vector.extract_strided_slice %get3A_195 {offsets = [6], sizes = [1], strides = [1]} : vector<16xi32> to vector<1xi32>
        %squeeze3A_296 = vector.extract %slice3A_295[0] : i32 from vector<1xi32>
        %add3A_297 = arith.constant 6 : i32
        %add3A_298 = arith.addi %mul3A_197, %add3A_297 : i32
        %get3A_299 = arith.constant 0 : i32
        %get3A_300 = arith.index_cast %get3A_299 : i32 to index
        %get3A_301 = arith.index_cast %add3A_298 : i32 to index
        %get3A_302 = arith.index_cast %squeeze3A_296 : i32 to index
        %get3A_303 = tpu.vector_load %arg6[%get3A_300, %get3A_301, %get3A_302] {strides = array<i32>} : memref<2x256x100xf32, #tpu.memory_space<vmem>>, vector<1x1x16xf32>,
        %get3A_304 = vector.shape_cast %get3A_303 : vector<1x1x16xf32> to vector<16xf32>
        %slice3A_305 = vector.extract_strided_slice %get3A_304 {offsets = [0], sizes = [1], strides = [1]} : vector<16xf32> to vector<1xf32>
        %squeeze3A_306 = vector.extract %slice3A_305[0] : f32 from vector<1xf32>
        %max3A_307 = arith.maximumf %squeeze3A_306, %scan3A : f32
        %min3A_308 = arith.minimumf %max3A_307, %scan3A_17 : f32
        %sub3A_309 = arith.constant 1.000000e+00 : f32
        %sub3A_310 = arith.subf %sub3A_309, %min3A_308 : f32
        %add3A_311 = arith.addf %add3A_243, %sub3A_310 : f32
        %slice3A_312 = vector.extract_strided_slice %get3A_195 {offsets = [7], sizes = [1], strides = [1]} : vector<16xi32> to vector<1xi32>
        %squeeze3A_313 = vector.extract %slice3A_312[0] : i32 from vector<1xi32>
        %add3A_314 = arith.constant 7 : i32
        %add3A_315 = arith.addi %mul3A_197, %add3A_314 : i32
        %get3A_316 = arith.constant 0 : i32
        %get3A_317 = arith.index_cast %get3A_316 : i32 to index
        %get3A_318 = arith.index_cast %add3A_315 : i32 to index
        %get3A_319 = arith.index_cast %squeeze3A_313 : i32 to index
        %get3A_320 = tpu.vector_load %arg6[%get3A_317, %get3A_318, %get3A_319] {strides = array<i32>} : memref<2x256x100xf32, #tpu.memory_space<vmem>>, vector<1x1x16xf32>,
        %get3A_321 = vector.shape_cast %get3A_320 : vector<1x1x16xf32> to vector<16xf32>
        %slice3A_322 = vector.extract_strided_slice %get3A_321 {offsets = [0], sizes = [1], strides = [1]} : vector<16xf32> to vector<1xf32>
        %squeeze3A_323 = vector.extract %slice3A_322[0] : f32 from vector<1xf32>
        %max3A_324 = arith.maximumf %squeeze3A_323, %scan3A : f32
        %min3A_325 = arith.minimumf %max3A_324, %scan3A_17 : f32
        %sub3A_326 = arith.constant 1.000000e+00 : f32
        %sub3A_327 = arith.subf %sub3A_326, %min3A_325 : f32
        %add3A_328 = arith.addf %add3A_260, %sub3A_327 : f32
        %slice3A_329 = vector.extract_strided_slice %get3A_195 {offsets = [8], sizes = [1], strides = [1]} : vector<16xi32> to vector<1xi32>
        %squeeze3A_330 = vector.extract %slice3A_329[0] : i32 from vector<1xi32>
        %add3A_331 = arith.constant 8 : i32
        %add3A_332 = arith.addi %mul3A_197, %add3A_331 : i32
        %get3A_333 = arith.constant 0 : i32
        %get3A_334 = arith.index_cast %get3A_333 : i32 to index
        %get3A_335 = arith.index_cast %add3A_332 : i32 to index
        %get3A_336 = arith.index_cast %squeeze3A_330 : i32 to index
        %get3A_337 = tpu.vector_load %arg6[%get3A_334, %get3A_335, %get3A_336] {strides = array<i32>} : memref<2x256x100xf32, #tpu.memory_space<vmem>>, vector<1x1x16xf32>,
        %get3A_338 = vector.shape_cast %get3A_337 : vector<1x1x16xf32> to vector<16xf32>
        %slice3A_339 = vector.extract_strided_slice %get3A_338 {offsets = [0], sizes = [1], strides = [1]} : vector<16xf32> to vector<1xf32>
        %squeeze3A_340 = vector.extract %slice3A_339[0] : f32 from vector<1xf32>
        %max3A_341 = arith.maximumf %squeeze3A_340, %scan3A : f32
        %min3A_342 = arith.minimumf %max3A_341, %scan3A_17 : f32
        %sub3A_343 = arith.constant 1.000000e+00 : f32
        %sub3A_344 = arith.subf %sub3A_343, %min3A_342 : f32
        %add3A_345 = arith.addf %add3A_277, %sub3A_344 : f32
        %slice3A_346 = vector.extract_strided_slice %get3A_195 {offsets = [9], sizes = [1], strides = [1]} : vector<16xi32> to vector<1xi32>
        %squeeze3A_347 = vector.extract %slice3A_346[0] : i32 from vector<1xi32>
        %add3A_348 = arith.constant 9 : i32
        %add3A_349 = arith.addi %mul3A_197, %add3A_348 : i32
        %get3A_350 = arith.constant 0 : i32
        %get3A_351 = arith.index_cast %get3A_350 : i32 to index
        %get3A_352 = arith.index_cast %add3A_349 : i32 to index
        %get3A_353 = arith.index_cast %squeeze3A_347 : i32 to index
        %get3A_354 = tpu.vector_load %arg6[%get3A_351, %get3A_352, %get3A_353] {strides = array<i32>} : memref<2x256x100xf32, #tpu.memory_space<vmem>>, vector<1x1x16xf32>,
        %get3A_355 = vector.shape_cast %get3A_354 : vector<1x1x16xf32> to vector<16xf32>
        %slice3A_356 = vector.extract_strided_slice %get3A_355 {offsets = [0], sizes = [1], strides = [1]} : vector<16xf32> to vector<1xf32>
        %squeeze3A_357 = vector.extract %slice3A_356[0] : f32 from vector<1xf32>
        %max3A_358 = arith.maximumf %squeeze3A_357, %scan3A : f32
        %min3A_359 = arith.minimumf %max3A_358, %scan3A_17 : f32
        %sub3A_360 = arith.constant 1.000000e+00 : f32
        %sub3A_361 = arith.subf %sub3A_360, %min3A_359 : f32
        %add3A_362 = arith.addf %add3A_294, %sub3A_361 : f32
        %slice3A_363 = vector.extract_strided_slice %get3A_195 {offsets = [10], sizes = [1], strides = [1]} : vector<16xi32> to vector<1xi32>
        %squeeze3A_364 = vector.extract %slice3A_363[0] : i32 from vector<1xi32>
        %add3A_365 = arith.constant 10 : i32
        %add3A_366 = arith.addi %mul3A_197, %add3A_365 : i32
        %get3A_367 = arith.constant 0 : i32
        %get3A_368 = arith.index_cast %get3A_367 : i32 to index
        %get3A_369 = arith.index_cast %add3A_366 : i32 to index
        %get3A_370 = arith.index_cast %squeeze3A_364 : i32 to index
        %get3A_371 = tpu.vector_load %arg6[%get3A_368, %get3A_369, %get3A_370] {strides = array<i32>} : memref<2x256x100xf32, #tpu.memory_space<vmem>>, vector<1x1x16xf32>,
        %get3A_372 = vector.shape_cast %get3A_371 : vector<1x1x16xf32> to vector<16xf32>
        %slice3A_373 = vector.extract_strided_slice %get3A_372 {offsets = [0], sizes = [1], strides = [1]} : vector<16xf32> to vector<1xf32>
        %squeeze3A_374 = vector.extract %slice3A_373[0] : f32 from vector<1xf32>
        %max3A_375 = arith.maximumf %squeeze3A_374, %scan3A : f32
        %min3A_376 = arith.minimumf %max3A_375, %scan3A_17 : f32
        %sub3A_377 = arith.constant 1.000000e+00 : f32
        %sub3A_378 = arith.subf %sub3A_377, %min3A_376 : f32
        %add3A_379 = arith.addf %add3A_311, %sub3A_378 : f32
        %slice3A_380 = vector.extract_strided_slice %get3A_195 {offsets = [11], sizes = [1], strides = [1]} : vector<16xi32> to vector<1xi32>
        %squeeze3A_381 = vector.extract %slice3A_380[0] : i32 from vector<1xi32>
        %add3A_382 = arith.constant 11 : i32
        %add3A_383 = arith.addi %mul3A_197, %add3A_382 : i32
        %get3A_384 = arith.constant 0 : i32
        %get3A_385 = arith.index_cast %get3A_384 : i32 to index
        %get3A_386 = arith.index_cast %add3A_383 : i32 to index
        %get3A_387 = arith.index_cast %squeeze3A_381 : i32 to index
        %get3A_388 = tpu.vector_load %arg6[%get3A_385, %get3A_386, %get3A_387] {strides = array<i32>} : memref<2x256x100xf32, #tpu.memory_space<vmem>>, vector<1x1x16xf32>,
        %get3A_389 = vector.shape_cast %get3A_388 : vector<1x1x16xf32> to vector<16xf32>
        %slice3A_390 = vector.extract_strided_slice %get3A_389 {offsets = [0], sizes = [1], strides = [1]} : vector<16xf32> to vector<1xf32>
        %squeeze3A_391 = vector.extract %slice3A_390[0] : f32 from vector<1xf32>
        %max3A_392 = arith.maximumf %squeeze3A_391, %scan3A : f32
        %min3A_393 = arith.minimumf %max3A_392, %scan3A_17 : f32
        %sub3A_394 = arith.constant 1.000000e+00 : f32
        %sub3A_395 = arith.subf %sub3A_394, %min3A_393 : f32
        %add3A_396 = arith.addf %add3A_328, %sub3A_395 : f32
        %slice3A_397 = vector.extract_strided_slice %get3A_195 {offsets = [12], sizes = [1], strides = [1]} : vector<16xi32> to vector<1xi32>
        %squeeze3A_398 = vector.extract %slice3A_397[0] : i32 from vector<1xi32>
        %add3A_399 = arith.constant 12 : i32
        %add3A_400 = arith.addi %mul3A_197, %add3A_399 : i32
        %get3A_401 = arith.constant 0 : i32
        %get3A_402 = arith.index_cast %get3A_401 : i32 to index
        %get3A_403 = arith.index_cast %add3A_400 : i32 to index
        %get3A_404 = arith.index_cast %squeeze3A_398 : i32 to index
        %get3A_405 = tpu.vector_load %arg6[%get3A_402, %get3A_403, %get3A_404] {strides = array<i32>} : memref<2x256x100xf32, #tpu.memory_space<vmem>>, vector<1x1x16xf32>,
        %get3A_406 = vector.shape_cast %get3A_405 : vector<1x1x16xf32> to vector<16xf32>
        %slice3A_407 = vector.extract_strided_slice %get3A_406 {offsets = [0], sizes = [1], strides = [1]} : vector<16xf32> to vector<1xf32>
        %squeeze3A_408 = vector.extract %slice3A_407[0] : f32 from vector<1xf32>
        %max3A_409 = arith.maximumf %squeeze3A_408, %scan3A : f32
        %min3A_410 = arith.minimumf %max3A_409, %scan3A_17 : f32
        %sub3A_411 = arith.constant 1.000000e+00 : f32
        %sub3A_412 = arith.subf %sub3A_411, %min3A_410 : f32
        %add3A_413 = arith.addf %add3A_345, %sub3A_412 : f32
        %slice3A_414 = vector.extract_strided_slice %get3A_195 {offsets = [13], sizes = [1], strides = [1]} : vector<16xi32> to vector<1xi32>
        %squeeze3A_415 = vector.extract %slice3A_414[0] : i32 from vector<1xi32>
        %add3A_416 = arith.constant 13 : i32
        %add3A_417 = arith.addi %mul3A_197, %add3A_416 : i32
        %get3A_418 = arith.constant 0 : i32
        %get3A_419 = arith.index_cast %get3A_418 : i32 to index
        %get3A_420 = arith.index_cast %add3A_417 : i32 to index
        %get3A_421 = arith.index_cast %squeeze3A_415 : i32 to index
        %get3A_422 = tpu.vector_load %arg6[%get3A_419, %get3A_420, %get3A_421] {strides = array<i32>} : memref<2x256x100xf32, #tpu.memory_space<vmem>>, vector<1x1x16xf32>,
        %get3A_423 = vector.shape_cast %get3A_422 : vector<1x1x16xf32> to vector<16xf32>
        %slice3A_424 = vector.extract_strided_slice %get3A_423 {offsets = [0], sizes = [1], strides = [1]} : vector<16xf32> to vector<1xf32>
        %squeeze3A_425 = vector.extract %slice3A_424[0] : f32 from vector<1xf32>
        %max3A_426 = arith.maximumf %squeeze3A_425, %scan3A : f32
        %min3A_427 = arith.minimumf %max3A_426, %scan3A_17 : f32
        %sub3A_428 = arith.constant 1.000000e+00 : f32
        %sub3A_429 = arith.subf %sub3A_428, %min3A_427 : f32
        %add3A_430 = arith.addf %add3A_362, %sub3A_429 : f32
        %slice3A_431 = vector.extract_strided_slice %get3A_195 {offsets = [14], sizes = [1], strides = [1]} : vector<16xi32> to vector<1xi32>
        %squeeze3A_432 = vector.extract %slice3A_431[0] : i32 from vector<1xi32>
        %add3A_433 = arith.constant 14 : i32
        %add3A_434 = arith.addi %mul3A_197, %add3A_433 : i32
        %get3A_435 = arith.constant 0 : i32
        %get3A_436 = arith.index_cast %get3A_435 : i32 to index
        %get3A_437 = arith.index_cast %add3A_434 : i32 to index
        %get3A_438 = arith.index_cast %squeeze3A_432 : i32 to index
        %get3A_439 = tpu.vector_load %arg6[%get3A_436, %get3A_437, %get3A_438] {strides = array<i32>} : memref<2x256x100xf32, #tpu.memory_space<vmem>>, vector<1x1x16xf32>,
        %get3A_440 = vector.shape_cast %get3A_439 : vector<1x1x16xf32> to vector<16xf32>
        %slice3A_441 = vector.extract_strided_slice %get3A_440 {offsets = [0], sizes = [1], strides = [1]} : vector<16xf32> to vector<1xf32>
        %squeeze3A_442 = vector.extract %slice3A_441[0] : f32 from vector<1xf32>
        %max3A_443 = arith.maximumf %squeeze3A_442, %scan3A : f32
        %min3A_444 = arith.minimumf %max3A_443, %scan3A_17 : f32
        %sub3A_445 = arith.constant 1.000000e+00 : f32
        %sub3A_446 = arith.subf %sub3A_445, %min3A_444 : f32
        %add3A_447 = arith.addf %add3A_379, %sub3A_446 : f32
        %slice3A_448 = vector.extract_strided_slice %get3A_195 {offsets = [15], sizes = [1], strides = [1]} : vector<16xi32> to vector<1xi32>
        %squeeze3A_449 = vector.extract %slice3A_448[0] : i32 from vector<1xi32>
        %add3A_450 = arith.constant 15 : i32
        %add3A_451 = arith.addi %mul3A_197, %add3A_450 : i32
        %get3A_452 = arith.constant 0 : i32
        %get3A_453 = arith.index_cast %get3A_452 : i32 to index
        %get3A_454 = arith.index_cast %add3A_451 : i32 to index
        %get3A_455 = arith.index_cast %squeeze3A_449 : i32 to index
        %get3A_456 = tpu.vector_load %arg6[%get3A_453, %get3A_454, %get3A_455] {strides = array<i32>} : memref<2x256x100xf32, #tpu.memory_space<vmem>>, vector<1x1x16xf32>,
        %get3A_457 = vector.shape_cast %get3A_456 : vector<1x1x16xf32> to vector<16xf32>
        %slice3A_458 = vector.extract_strided_slice %get3A_457 {offsets = [0], sizes = [1], strides = [1]} : vector<16xf32> to vector<1xf32>
        %squeeze3A_459 = vector.extract %slice3A_458[0] : f32 from vector<1xf32>
        %max3A_460 = arith.maximumf %squeeze3A_459, %scan3A : f32
        %min3A_461 = arith.minimumf %max3A_460, %scan3A_17 : f32
        %sub3A_462 = arith.constant 1.000000e+00 : f32
        %sub3A_463 = arith.subf %sub3A_462, %min3A_461 : f32
        %add3A_464 = arith.addf %add3A_396, %sub3A_463 : f32
        scf.yield %add3A_413, %add3A_430, %add3A_447, %add3A_464 : f32, f32, f32, f32
      }
      %scan3A_142 = arith.constant 16 : i32
      %add3A_143 = arith.constant 2 : i32
      %add3A_144 = arith.addi %mul3A_103, %add3A_143 : i32
      %mul3A_145 = arith.constant 256 : i32
      %mul3A_146 = arith.muli %add3A_144, %mul3A_145 : i32
      %add3A_147 = arith.addi %mul3A_2, %mul3A_146 : i32
      %dma_start3A_148 = arith.constant 0 : i32
      %dma_start3A_149 = arith.constant 0 : i32
      %dma_start3A_150 = arith.constant 0 : i32
      %dma_start3A_151 = tpu.memref_slice %arg6[%dma_start3A_148, %dma_start3A_149, %dma_start3A_150] : memref<2x256x100xf32, #tpu.memory_space<vmem>> -> memref<1x256x100xf32, #tpu.memory_space<vmem>>
      %dma_start3A_152 = tpu.memref_squeeze %dma_start3A_151 : memref<1x256x100xf32, #tpu.memory_space<vmem>> -> memref<256x100xf32, #tpu.memory_space<vmem>>
      %dma_start3A_153 = arith.constant 0 : i32
      %dma_start3A_154 = tpu.memref_slice %arg3[%add3A_147, %dma_start3A_153] : memref<262144x100xf32, #tpu.memory_space<hbm>> -> memref<256x100xf32, #tpu.memory_space<hbm>>
      %dma_start3A_155 = arith.constant 0 : i32
      %dma_start3A_156 = arith.constant 0 : i32
      %dma_start3A_157 = tpu.memref_slice %arg6[%dma_start3A_148, %dma_start3A_155, %dma_start3A_156] : memref<2x256x100xf32, #tpu.memory_space<vmem>> -> memref<1x256x100xf32, #tpu.memory_space<vmem>>
      %dma_start3A_158 = tpu.memref_squeeze %dma_start3A_157 : memref<1x256x100xf32, #tpu.memory_space<vmem>> -> memref<256x100xf32, #tpu.memory_space<vmem>>
      %dma_start3A_159 = arith.constant 0 : i32
      %dma_start3A_160 = tpu.memref_slice %arg3[%add3A_147, %dma_start3A_159] : memref<262144x100xf32, #tpu.memory_space<hbm>> -> memref<256x100xf32, #tpu.memory_space<hbm>>
      tpu.enqueue_dma source(%dma_start3A_160 : memref<256x100xf32, #tpu.memory_space<hbm>>) target(%dma_start3A_158 : memref<256x100xf32, #tpu.memory_space<vmem>>) target_semaphore(%arg8 : memref<!tpu.dma_semaphore, #tpu.memory_space<semaphore_mem>>)
      %dma_wait3A_161 = arith.constant 1 : i32
      %dma_wait3A_162 = arith.constant 0 : i32
      %dma_wait3A_163 = arith.constant 0 : i32
      %dma_wait3A_164 = tpu.memref_slice %arg6[%dma_wait3A_161, %dma_wait3A_162, %dma_wait3A_163] : memref<2x256x100xf32, #tpu.memory_space<vmem>> -> memref<1x256x100xf32, #tpu.memory_space<vmem>>
      %dma_wait3A_165 = tpu.memref_squeeze %dma_wait3A_164 : memref<1x256x100xf32, #tpu.memory_space<vmem>> -> memref<256x100xf32, #tpu.memory_space<vmem>>
      %dma_wait3A_166 = arith.constant 0 : i32
      %dma_wait3A_167 = arith.constant 0 : i32
      %dma_wait3A_168 = tpu.memref_slice %arg3[%dma_wait3A_166, %dma_wait3A_167] : memref<262144x100xf32, #tpu.memory_space<hbm>> -> memref<256x100xf32, #tpu.memory_space<hbm>>
      %dma_wait3A_169 = arith.constant 0 : i32
      %dma_wait3A_170 = arith.constant 0 : i32
      %dma_wait3A_171 = tpu.memref_slice %arg6[%dma_wait3A_161, %dma_wait3A_169, %dma_wait3A_170] : memref<2x256x100xf32, #tpu.memory_space<vmem>> -> memref<1x256x100xf32, #tpu.memory_space<vmem>>
      %dma_wait3A_172 = tpu.memref_squeeze %dma_wait3A_171 : memref<1x256x100xf32, #tpu.memory_space<vmem>> -> memref<256x100xf32, #tpu.memory_space<vmem>>
      %dma_wait3A_173 = arith.constant 0 : i32
      %dma_wait3A_174 = arith.constant 0 : i32
      %dma_wait3A_175 = tpu.memref_slice %arg3[%dma_wait3A_173, %dma_wait3A_174] : memref<262144x100xf32, #tpu.memory_space<hbm>> -> memref<256x100xf32, #tpu.memory_space<hbm>>
      tpu.wait_dma2 semaphore(%arg9 : memref<!tpu.dma_semaphore, #tpu.memory_space<semaphore_mem>>) src(%dma_wait3A_175 : memref<256x100xf32, #tpu.memory_space<hbm>>) dst(%dma_wait3A_172 : memref<256x100xf32, #tpu.memory_space<vmem>>)
      %add3A_176 = arith.constant 1 : i32
      %add3A_177 = arith.addi %mul3A_103, %add3A_176 : i32
      %scan3A_178 = arith.constant 0 : i32
      %scan3A_179 = arith.constant 16 : i32
      %scan3A_180 = arith.addi %scan3A_178, %scan3A_179 : i32
      %scan3A_181 = arith.constant 1 : i32
      %scan3A_182:4 = scf.for %scan3A_184 = %scan3A_178 to %scan3A_180 step %scan3A_181 iter_args(%scan3A_185 = %scan3A_141#0, %scan3A_186 = %scan3A_141#1, %scan3A_187 = %scan3A_141#2, %scan3A_188 = %scan3A_141#3) -> (f32, f32, f32, f32)  : i32 {
        %mul3A_189 = arith.constant 256 : i32
        %mul3A_190 = arith.muli %add3A_177, %mul3A_189 : i32
        %mul3A_191 = arith.constant 16 : i32
        %mul3A_192 = arith.muli %scan3A_184, %mul3A_191 : i32
        %add3A_193 = arith.addi %mul3A_190, %mul3A_192 : i32
        %get3A = arith.index_cast %add3A_193 : i32 to index
        %get3A_194 = tpu.vector_load %arg5[%get3A] {strides = array<i32>} : memref<8192xi32, #tpu.memory_space<vmem>>, vector<16xi32>,
        %get3A_195 = vector.shape_cast %get3A_194 : vector<16xi32> to vector<16xi32>
        %mul3A_196 = arith.constant 16 : i32
        %mul3A_197 = arith.muli %scan3A_184, %mul3A_196 : i32
        %slice3A = vector.extract_strided_slice %get3A_195 {offsets = [0], sizes = [1], strides = [1]} : vector<16xi32> to vector<1xi32>
        %squeeze3A = vector.extract %slice3A[0] : i32 from vector<1xi32>
        %add3A_198 = arith.constant 0 : i32
        %add3A_199 = arith.addi %mul3A_197, %add3A_198 : i32
        %get3A_200 = arith.constant 1 : i32
        %get3A_201 = arith.index_cast %get3A_200 : i32 to index
        %get3A_202 = arith.index_cast %add3A_199 : i32 to index
        %get3A_203 = arith.index_cast %squeeze3A : i32 to index
        %get3A_204 = tpu.vector_load %arg6[%get3A_201, %get3A_202, %get3A_203] {strides = array<i32>} : memref<2x256x100xf32, #tpu.memory_space<vmem>>, vector<1x1x16xf32>,
        %get3A_205 = vector.shape_cast %get3A_204 : vector<1x1x16xf32> to vector<16xf32>
        %slice3A_206 = vector.extract_strided_slice %get3A_205 {offsets = [0], sizes = [1], strides = [1]} : vector<16xf32> to vector<1xf32>
        %squeeze3A_207 = vector.extract %slice3A_206[0] : f32 from vector<1xf32>
        %max3A = arith.maximumf %squeeze3A_207, %scan3A : f32
        %min3A = arith.minimumf %max3A, %scan3A_17 : f32
        %sub3A = arith.constant 1.000000e+00 : f32
        %sub3A_208 = arith.subf %sub3A, %min3A : f32
        %add3A_209 = arith.addf %scan3A_185, %sub3A_208 : f32
        %slice3A_210 = vector.extract_strided_slice %get3A_195 {offsets = [1], sizes = [1], strides = [1]} : vector<16xi32> to vector<1xi32>
        %squeeze3A_211 = vector.extract %slice3A_210[0] : i32 from vector<1xi32>
        %add3A_212 = arith.constant 1 : i32
        %add3A_213 = arith.addi %mul3A_197, %add3A_212 : i32
        %get3A_214 = arith.constant 1 : i32
        %get3A_215 = arith.index_cast %get3A_214 : i32 to index
        %get3A_216 = arith.index_cast %add3A_213 : i32 to index
        %get3A_217 = arith.index_cast %squeeze3A_211 : i32 to index
        %get3A_218 = tpu.vector_load %arg6[%get3A_215, %get3A_216, %get3A_217] {strides = array<i32>} : memref<2x256x100xf32, #tpu.memory_space<vmem>>, vector<1x1x16xf32>,
        %get3A_219 = vector.shape_cast %get3A_218 : vector<1x1x16xf32> to vector<16xf32>
        %slice3A_220 = vector.extract_strided_slice %get3A_219 {offsets = [0], sizes = [1], strides = [1]} : vector<16xf32> to vector<1xf32>
        %squeeze3A_221 = vector.extract %slice3A_220[0] : f32 from vector<1xf32>
        %max3A_222 = arith.maximumf %squeeze3A_221, %scan3A : f32
        %min3A_223 = arith.minimumf %max3A_222, %scan3A_17 : f32
        %sub3A_224 = arith.constant 1.000000e+00 : f32
        %sub3A_225 = arith.subf %sub3A_224, %min3A_223 : f32
        %add3A_226 = arith.addf %scan3A_186, %sub3A_225 : f32
        %slice3A_227 = vector.extract_strided_slice %get3A_195 {offsets = [2], sizes = [1], strides = [1]} : vector<16xi32> to vector<1xi32>
        %squeeze3A_228 = vector.extract %slice3A_227[0] : i32 from vector<1xi32>
        %add3A_229 = arith.constant 2 : i32
        %add3A_230 = arith.addi %mul3A_197, %add3A_229 : i32
        %get3A_231 = arith.constant 1 : i32
        %get3A_232 = arith.index_cast %get3A_231 : i32 to index
        %get3A_233 = arith.index_cast %add3A_230 : i32 to index
        %get3A_234 = arith.index_cast %squeeze3A_228 : i32 to index
        %get3A_235 = tpu.vector_load %arg6[%get3A_232, %get3A_233, %get3A_234] {strides = array<i32>} : memref<2x256x100xf32, #tpu.memory_space<vmem>>, vector<1x1x16xf32>,
        %get3A_236 = vector.shape_cast %get3A_235 : vector<1x1x16xf32> to vector<16xf32>
        %slice3A_237 = vector.extract_strided_slice %get3A_236 {offsets = [0], sizes = [1], strides = [1]} : vector<16xf32> to vector<1xf32>
        %squeeze3A_238 = vector.extract %slice3A_237[0] : f32 from vector<1xf32>
        %max3A_239 = arith.maximumf %squeeze3A_238, %scan3A : f32
        %min3A_240 = arith.minimumf %max3A_239, %scan3A_17 : f32
        %sub3A_241 = arith.constant 1.000000e+00 : f32
        %sub3A_242 = arith.subf %sub3A_241, %min3A_240 : f32
        %add3A_243 = arith.addf %scan3A_187, %sub3A_242 : f32
        %slice3A_244 = vector.extract_strided_slice %get3A_195 {offsets = [3], sizes = [1], strides = [1]} : vector<16xi32> to vector<1xi32>
        %squeeze3A_245 = vector.extract %slice3A_244[0] : i32 from vector<1xi32>
        %add3A_246 = arith.constant 3 : i32
        %add3A_247 = arith.addi %mul3A_197, %add3A_246 : i32
        %get3A_248 = arith.constant 1 : i32
        %get3A_249 = arith.index_cast %get3A_248 : i32 to index
        %get3A_250 = arith.index_cast %add3A_247 : i32 to index
        %get3A_251 = arith.index_cast %squeeze3A_245 : i32 to index
        %get3A_252 = tpu.vector_load %arg6[%get3A_249, %get3A_250, %get3A_251] {strides = array<i32>} : memref<2x256x100xf32, #tpu.memory_space<vmem>>, vector<1x1x16xf32>,
        %get3A_253 = vector.shape_cast %get3A_252 : vector<1x1x16xf32> to vector<16xf32>
        %slice3A_254 = vector.extract_strided_slice %get3A_253 {offsets = [0], sizes = [1], strides = [1]} : vector<16xf32> to vector<1xf32>
        %squeeze3A_255 = vector.extract %slice3A_254[0] : f32 from vector<1xf32>
        %max3A_256 = arith.maximumf %squeeze3A_255, %scan3A : f32
        %min3A_257 = arith.minimumf %max3A_256, %scan3A_17 : f32
        %sub3A_258 = arith.constant 1.000000e+00 : f32
        %sub3A_259 = arith.subf %sub3A_258, %min3A_257 : f32
        %add3A_260 = arith.addf %scan3A_188, %sub3A_259 : f32
        %slice3A_261 = vector.extract_strided_slice %get3A_195 {offsets = [4], sizes = [1], strides = [1]} : vector<16xi32> to vector<1xi32>
        %squeeze3A_262 = vector.extract %slice3A_261[0] : i32 from vector<1xi32>
        %add3A_263 = arith.constant 4 : i32
        %add3A_264 = arith.addi %mul3A_197, %add3A_263 : i32
        %get3A_265 = arith.constant 1 : i32
        %get3A_266 = arith.index_cast %get3A_265 : i32 to index
        %get3A_267 = arith.index_cast %add3A_264 : i32 to index
        %get3A_268 = arith.index_cast %squeeze3A_262 : i32 to index
        %get3A_269 = tpu.vector_load %arg6[%get3A_266, %get3A_267, %get3A_268] {strides = array<i32>} : memref<2x256x100xf32, #tpu.memory_space<vmem>>, vector<1x1x16xf32>,
        %get3A_270 = vector.shape_cast %get3A_269 : vector<1x1x16xf32> to vector<16xf32>
        %slice3A_271 = vector.extract_strided_slice %get3A_270 {offsets = [0], sizes = [1], strides = [1]} : vector<16xf32> to vector<1xf32>
        %squeeze3A_272 = vector.extract %slice3A_271[0] : f32 from vector<1xf32>
        %max3A_273 = arith.maximumf %squeeze3A_272, %scan3A : f32
        %min3A_274 = arith.minimumf %max3A_273, %scan3A_17 : f32
        %sub3A_275 = arith.constant 1.000000e+00 : f32
        %sub3A_276 = arith.subf %sub3A_275, %min3A_274 : f32
        %add3A_277 = arith.addf %add3A_209, %sub3A_276 : f32
        %slice3A_278 = vector.extract_strided_slice %get3A_195 {offsets = [5], sizes = [1], strides = [1]} : vector<16xi32> to vector<1xi32>
        %squeeze3A_279 = vector.extract %slice3A_278[0] : i32 from vector<1xi32>
        %add3A_280 = arith.constant 5 : i32
        %add3A_281 = arith.addi %mul3A_197, %add3A_280 : i32
        %get3A_282 = arith.constant 1 : i32
        %get3A_283 = arith.index_cast %get3A_282 : i32 to index
        %get3A_284 = arith.index_cast %add3A_281 : i32 to index
        %get3A_285 = arith.index_cast %squeeze3A_279 : i32 to index
        %get3A_286 = tpu.vector_load %arg6[%get3A_283, %get3A_284, %get3A_285] {strides = array<i32>} : memref<2x256x100xf32, #tpu.memory_space<vmem>>, vector<1x1x16xf32>,
        %get3A_287 = vector.shape_cast %get3A_286 : vector<1x1x16xf32> to vector<16xf32>
        %slice3A_288 = vector.extract_strided_slice %get3A_287 {offsets = [0], sizes = [1], strides = [1]} : vector<16xf32> to vector<1xf32>
        %squeeze3A_289 = vector.extract %slice3A_288[0] : f32 from vector<1xf32>
        %max3A_290 = arith.maximumf %squeeze3A_289, %scan3A : f32
        %min3A_291 = arith.minimumf %max3A_290, %scan3A_17 : f32
        %sub3A_292 = arith.constant 1.000000e+00 : f32
        %sub3A_293 = arith.subf %sub3A_292, %min3A_291 : f32
        %add3A_294 = arith.addf %add3A_226, %sub3A_293 : f32
        %slice3A_295 = vector.extract_strided_slice %get3A_195 {offsets = [6], sizes = [1], strides = [1]} : vector<16xi32> to vector<1xi32>
        %squeeze3A_296 = vector.extract %slice3A_295[0] : i32 from vector<1xi32>
        %add3A_297 = arith.constant 6 : i32
        %add3A_298 = arith.addi %mul3A_197, %add3A_297 : i32
        %get3A_299 = arith.constant 1 : i32
        %get3A_300 = arith.index_cast %get3A_299 : i32 to index
        %get3A_301 = arith.index_cast %add3A_298 : i32 to index
        %get3A_302 = arith.index_cast %squeeze3A_296 : i32 to index
        %get3A_303 = tpu.vector_load %arg6[%get3A_300, %get3A_301, %get3A_302] {strides = array<i32>} : memref<2x256x100xf32, #tpu.memory_space<vmem>>, vector<1x1x16xf32>,
        %get3A_304 = vector.shape_cast %get3A_303 : vector<1x1x16xf32> to vector<16xf32>
        %slice3A_305 = vector.extract_strided_slice %get3A_304 {offsets = [0], sizes = [1], strides = [1]} : vector<16xf32> to vector<1xf32>
        %squeeze3A_306 = vector.extract %slice3A_305[0] : f32 from vector<1xf32>
        %max3A_307 = arith.maximumf %squeeze3A_306, %scan3A : f32
        %min3A_308 = arith.minimumf %max3A_307, %scan3A_17 : f32
        %sub3A_309 = arith.constant 1.000000e+00 : f32
        %sub3A_310 = arith.subf %sub3A_309, %min3A_308 : f32
        %add3A_311 = arith.addf %add3A_243, %sub3A_310 : f32
        %slice3A_312 = vector.extract_strided_slice %get3A_195 {offsets = [7], sizes = [1], strides = [1]} : vector<16xi32> to vector<1xi32>
        %squeeze3A_313 = vector.extract %slice3A_312[0] : i32 from vector<1xi32>
        %add3A_314 = arith.constant 7 : i32
        %add3A_315 = arith.addi %mul3A_197, %add3A_314 : i32
        %get3A_316 = arith.constant 1 : i32
        %get3A_317 = arith.index_cast %get3A_316 : i32 to index
        %get3A_318 = arith.index_cast %add3A_315 : i32 to index
        %get3A_319 = arith.index_cast %squeeze3A_313 : i32 to index
        %get3A_320 = tpu.vector_load %arg6[%get3A_317, %get3A_318, %get3A_319] {strides = array<i32>} : memref<2x256x100xf32, #tpu.memory_space<vmem>>, vector<1x1x16xf32>,
        %get3A_321 = vector.shape_cast %get3A_320 : vector<1x1x16xf32> to vector<16xf32>
        %slice3A_322 = vector.extract_strided_slice %get3A_321 {offsets = [0], sizes = [1], strides = [1]} : vector<16xf32> to vector<1xf32>
        %squeeze3A_323 = vector.extract %slice3A_322[0] : f32 from vector<1xf32>
        %max3A_324 = arith.maximumf %squeeze3A_323, %scan3A : f32
        %min3A_325 = arith.minimumf %max3A_324, %scan3A_17 : f32
        %sub3A_326 = arith.constant 1.000000e+00 : f32
        %sub3A_327 = arith.subf %sub3A_326, %min3A_325 : f32
        %add3A_328 = arith.addf %add3A_260, %sub3A_327 : f32
        %slice3A_329 = vector.extract_strided_slice %get3A_195 {offsets = [8], sizes = [1], strides = [1]} : vector<16xi32> to vector<1xi32>
        %squeeze3A_330 = vector.extract %slice3A_329[0] : i32 from vector<1xi32>
        %add3A_331 = arith.constant 8 : i32
        %add3A_332 = arith.addi %mul3A_197, %add3A_331 : i32
        %get3A_333 = arith.constant 1 : i32
        %get3A_334 = arith.index_cast %get3A_333 : i32 to index
        %get3A_335 = arith.index_cast %add3A_332 : i32 to index
        %get3A_336 = arith.index_cast %squeeze3A_330 : i32 to index
        %get3A_337 = tpu.vector_load %arg6[%get3A_334, %get3A_335, %get3A_336] {strides = array<i32>} : memref<2x256x100xf32, #tpu.memory_space<vmem>>, vector<1x1x16xf32>,
        %get3A_338 = vector.shape_cast %get3A_337 : vector<1x1x16xf32> to vector<16xf32>
        %slice3A_339 = vector.extract_strided_slice %get3A_338 {offsets = [0], sizes = [1], strides = [1]} : vector<16xf32> to vector<1xf32>
        %squeeze3A_340 = vector.extract %slice3A_339[0] : f32 from vector<1xf32>
        %max3A_341 = arith.maximumf %squeeze3A_340, %scan3A : f32
        %min3A_342 = arith.minimumf %max3A_341, %scan3A_17 : f32
        %sub3A_343 = arith.constant 1.000000e+00 : f32
        %sub3A_344 = arith.subf %sub3A_343, %min3A_342 : f32
        %add3A_345 = arith.addf %add3A_277, %sub3A_344 : f32
        %slice3A_346 = vector.extract_strided_slice %get3A_195 {offsets = [9], sizes = [1], strides = [1]} : vector<16xi32> to vector<1xi32>
        %squeeze3A_347 = vector.extract %slice3A_346[0] : i32 from vector<1xi32>
        %add3A_348 = arith.constant 9 : i32
        %add3A_349 = arith.addi %mul3A_197, %add3A_348 : i32
        %get3A_350 = arith.constant 1 : i32
        %get3A_351 = arith.index_cast %get3A_350 : i32 to index
        %get3A_352 = arith.index_cast %add3A_349 : i32 to index
        %get3A_353 = arith.index_cast %squeeze3A_347 : i32 to index
        %get3A_354 = tpu.vector_load %arg6[%get3A_351, %get3A_352, %get3A_353] {strides = array<i32>} : memref<2x256x100xf32, #tpu.memory_space<vmem>>, vector<1x1x16xf32>,
        %get3A_355 = vector.shape_cast %get3A_354 : vector<1x1x16xf32> to vector<16xf32>
        %slice3A_356 = vector.extract_strided_slice %get3A_355 {offsets = [0], sizes = [1], strides = [1]} : vector<16xf32> to vector<1xf32>
        %squeeze3A_357 = vector.extract %slice3A_356[0] : f32 from vector<1xf32>
        %max3A_358 = arith.maximumf %squeeze3A_357, %scan3A : f32
        %min3A_359 = arith.minimumf %max3A_358, %scan3A_17 : f32
        %sub3A_360 = arith.constant 1.000000e+00 : f32
        %sub3A_361 = arith.subf %sub3A_360, %min3A_359 : f32
        %add3A_362 = arith.addf %add3A_294, %sub3A_361 : f32
        %slice3A_363 = vector.extract_strided_slice %get3A_195 {offsets = [10], sizes = [1], strides = [1]} : vector<16xi32> to vector<1xi32>
        %squeeze3A_364 = vector.extract %slice3A_363[0] : i32 from vector<1xi32>
        %add3A_365 = arith.constant 10 : i32
        %add3A_366 = arith.addi %mul3A_197, %add3A_365 : i32
        %get3A_367 = arith.constant 1 : i32
        %get3A_368 = arith.index_cast %get3A_367 : i32 to index
        %get3A_369 = arith.index_cast %add3A_366 : i32 to index
        %get3A_370 = arith.index_cast %squeeze3A_364 : i32 to index
        %get3A_371 = tpu.vector_load %arg6[%get3A_368, %get3A_369, %get3A_370] {strides = array<i32>} : memref<2x256x100xf32, #tpu.memory_space<vmem>>, vector<1x1x16xf32>,
        %get3A_372 = vector.shape_cast %get3A_371 : vector<1x1x16xf32> to vector<16xf32>
        %slice3A_373 = vector.extract_strided_slice %get3A_372 {offsets = [0], sizes = [1], strides = [1]} : vector<16xf32> to vector<1xf32>
        %squeeze3A_374 = vector.extract %slice3A_373[0] : f32 from vector<1xf32>
        %max3A_375 = arith.maximumf %squeeze3A_374, %scan3A : f32
        %min3A_376 = arith.minimumf %max3A_375, %scan3A_17 : f32
        %sub3A_377 = arith.constant 1.000000e+00 : f32
        %sub3A_378 = arith.subf %sub3A_377, %min3A_376 : f32
        %add3A_379 = arith.addf %add3A_311, %sub3A_378 : f32
        %slice3A_380 = vector.extract_strided_slice %get3A_195 {offsets = [11], sizes = [1], strides = [1]} : vector<16xi32> to vector<1xi32>
        %squeeze3A_381 = vector.extract %slice3A_380[0] : i32 from vector<1xi32>
        %add3A_382 = arith.constant 11 : i32
        %add3A_383 = arith.addi %mul3A_197, %add3A_382 : i32
        %get3A_384 = arith.constant 1 : i32
        %get3A_385 = arith.index_cast %get3A_384 : i32 to index
        %get3A_386 = arith.index_cast %add3A_383 : i32 to index
        %get3A_387 = arith.index_cast %squeeze3A_381 : i32 to index
        %get3A_388 = tpu.vector_load %arg6[%get3A_385, %get3A_386, %get3A_387] {strides = array<i32>} : memref<2x256x100xf32, #tpu.memory_space<vmem>>, vector<1x1x16xf32>,
        %get3A_389 = vector.shape_cast %get3A_388 : vector<1x1x16xf32> to vector<16xf32>
        %slice3A_390 = vector.extract_strided_slice %get3A_389 {offsets = [0], sizes = [1], strides = [1]} : vector<16xf32> to vector<1xf32>
        %squeeze3A_391 = vector.extract %slice3A_390[0] : f32 from vector<1xf32>
        %max3A_392 = arith.maximumf %squeeze3A_391, %scan3A : f32
        %min3A_393 = arith.minimumf %max3A_392, %scan3A_17 : f32
        %sub3A_394 = arith.constant 1.000000e+00 : f32
        %sub3A_395 = arith.subf %sub3A_394, %min3A_393 : f32
        %add3A_396 = arith.addf %add3A_328, %sub3A_395 : f32
        %slice3A_397 = vector.extract_strided_slice %get3A_195 {offsets = [12], sizes = [1], strides = [1]} : vector<16xi32> to vector<1xi32>
        %squeeze3A_398 = vector.extract %slice3A_397[0] : i32 from vector<1xi32>
        %add3A_399 = arith.constant 12 : i32
        %add3A_400 = arith.addi %mul3A_197, %add3A_399 : i32
        %get3A_401 = arith.constant 1 : i32
        %get3A_402 = arith.index_cast %get3A_401 : i32 to index
        %get3A_403 = arith.index_cast %add3A_400 : i32 to index
        %get3A_404 = arith.index_cast %squeeze3A_398 : i32 to index
        %get3A_405 = tpu.vector_load %arg6[%get3A_402, %get3A_403, %get3A_404] {strides = array<i32>} : memref<2x256x100xf32, #tpu.memory_space<vmem>>, vector<1x1x16xf32>,
        %get3A_406 = vector.shape_cast %get3A_405 : vector<1x1x16xf32> to vector<16xf32>
        %slice3A_407 = vector.extract_strided_slice %get3A_406 {offsets = [0], sizes = [1], strides = [1]} : vector<16xf32> to vector<1xf32>
        %squeeze3A_408 = vector.extract %slice3A_407[0] : f32 from vector<1xf32>
        %max3A_409 = arith.maximumf %squeeze3A_408, %scan3A : f32
        %min3A_410 = arith.minimumf %max3A_409, %scan3A_17 : f32
        %sub3A_411 = arith.constant 1.000000e+00 : f32
        %sub3A_412 = arith.subf %sub3A_411, %min3A_410 : f32
        %add3A_413 = arith.addf %add3A_345, %sub3A_412 : f32
        %slice3A_414 = vector.extract_strided_slice %get3A_195 {offsets = [13], sizes = [1], strides = [1]} : vector<16xi32> to vector<1xi32>
        %squeeze3A_415 = vector.extract %slice3A_414[0] : i32 from vector<1xi32>
        %add3A_416 = arith.constant 13 : i32
        %add3A_417 = arith.addi %mul3A_197, %add3A_416 : i32
        %get3A_418 = arith.constant 1 : i32
        %get3A_419 = arith.index_cast %get3A_418 : i32 to index
        %get3A_420 = arith.index_cast %add3A_417 : i32 to index
        %get3A_421 = arith.index_cast %squeeze3A_415 : i32 to index
        %get3A_422 = tpu.vector_load %arg6[%get3A_419, %get3A_420, %get3A_421] {strides = array<i32>} : memref<2x256x100xf32, #tpu.memory_space<vmem>>, vector<1x1x16xf32>,
        %get3A_423 = vector.shape_cast %get3A_422 : vector<1x1x16xf32> to vector<16xf32>
        %slice3A_424 = vector.extract_strided_slice %get3A_423 {offsets = [0], sizes = [1], strides = [1]} : vector<16xf32> to vector<1xf32>
        %squeeze3A_425 = vector.extract %slice3A_424[0] : f32 from vector<1xf32>
        %max3A_426 = arith.maximumf %squeeze3A_425, %scan3A : f32
        %min3A_427 = arith.minimumf %max3A_426, %scan3A_17 : f32
        %sub3A_428 = arith.constant 1.000000e+00 : f32
        %sub3A_429 = arith.subf %sub3A_428, %min3A_427 : f32
        %add3A_430 = arith.addf %add3A_362, %sub3A_429 : f32
        %slice3A_431 = vector.extract_strided_slice %get3A_195 {offsets = [14], sizes = [1], strides = [1]} : vector<16xi32> to vector<1xi32>
        %squeeze3A_432 = vector.extract %slice3A_431[0] : i32 from vector<1xi32>
        %add3A_433 = arith.constant 14 : i32
        %add3A_434 = arith.addi %mul3A_197, %add3A_433 : i32
        %get3A_435 = arith.constant 1 : i32
        %get3A_436 = arith.index_cast %get3A_435 : i32 to index
        %get3A_437 = arith.index_cast %add3A_434 : i32 to index
        %get3A_438 = arith.index_cast %squeeze3A_432 : i32 to index
        %get3A_439 = tpu.vector_load %arg6[%get3A_436, %get3A_437, %get3A_438] {strides = array<i32>} : memref<2x256x100xf32, #tpu.memory_space<vmem>>, vector<1x1x16xf32>,
        %get3A_440 = vector.shape_cast %get3A_439 : vector<1x1x16xf32> to vector<16xf32>
        %slice3A_441 = vector.extract_strided_slice %get3A_440 {offsets = [0], sizes = [1], strides = [1]} : vector<16xf32> to vector<1xf32>
        %squeeze3A_442 = vector.extract %slice3A_441[0] : f32 from vector<1xf32>
        %max3A_443 = arith.maximumf %squeeze3A_442, %scan3A : f32
        %min3A_444 = arith.minimumf %max3A_443, %scan3A_17 : f32
        %sub3A_445 = arith.constant 1.000000e+00 : f32
        %sub3A_446 = arith.subf %sub3A_445, %min3A_444 : f32
        %add3A_447 = arith.addf %add3A_379, %sub3A_446 : f32
        %slice3A_448 = vector.extract_strided_slice %get3A_195 {offsets = [15], sizes = [1], strides = [1]} : vector<16xi32> to vector<1xi32>
        %squeeze3A_449 = vector.extract %slice3A_448[0] : i32 from vector<1xi32>
        %add3A_450 = arith.constant 15 : i32
        %add3A_451 = arith.addi %mul3A_197, %add3A_450 : i32
        %get3A_452 = arith.constant 1 : i32
        %get3A_453 = arith.index_cast %get3A_452 : i32 to index
        %get3A_454 = arith.index_cast %add3A_451 : i32 to index
        %get3A_455 = arith.index_cast %squeeze3A_449 : i32 to index
        %get3A_456 = tpu.vector_load %arg6[%get3A_453, %get3A_454, %get3A_455] {strides = array<i32>} : memref<2x256x100xf32, #tpu.memory_space<vmem>>, vector<1x1x16xf32>,
        %get3A_457 = vector.shape_cast %get3A_456 : vector<1x1x16xf32> to vector<16xf32>
        %slice3A_458 = vector.extract_strided_slice %get3A_457 {offsets = [0], sizes = [1], strides = [1]} : vector<16xf32> to vector<1xf32>
        %squeeze3A_459 = vector.extract %slice3A_458[0] : f32 from vector<1xf32>
        %max3A_460 = arith.maximumf %squeeze3A_459, %scan3A : f32
        %min3A_461 = arith.minimumf %max3A_460, %scan3A_17 : f32
        %sub3A_462 = arith.constant 1.000000e+00 : f32
        %sub3A_463 = arith.subf %sub3A_462, %min3A_461 : f32
        %add3A_464 = arith.addf %add3A_396, %sub3A_463 : f32
        scf.yield %add3A_413, %add3A_430, %add3A_447, %add3A_464 : f32, f32, f32, f32
      }
      %scan3A_183 = arith.constant 16 : i32
      scf.yield %scan3A_182#0, %scan3A_182#1, %scan3A_182#2, %scan3A_182#3 : f32, f32, f32, f32
    }
    %scan3A_27 = arith.constant 15 : i32
    %add3A_28 = arith.constant 7936 : i32
    %add3A_29 = arith.addi %mul3A_2, %add3A_28 : i32
    %dma_start3A_30 = arith.constant 1 : i32
    %dma_start3A_31 = arith.constant 0 : i32
    %dma_start3A_32 = arith.constant 0 : i32
    %dma_start3A_33 = tpu.memref_slice %arg6[%dma_start3A_30, %dma_start3A_31, %dma_start3A_32] : memref<2x256x100xf32, #tpu.memory_space<vmem>> -> memref<1x256x100xf32, #tpu.memory_space<vmem>>
    %dma_start3A_34 = tpu.memref_squeeze %dma_start3A_33 : memref<1x256x100xf32, #tpu.memory_space<vmem>> -> memref<256x100xf32, #tpu.memory_space<vmem>>
    %dma_start3A_35 = arith.constant 0 : i32
    %dma_start3A_36 = tpu.memref_slice %arg3[%add3A_29, %dma_start3A_35] : memref<262144x100xf32, #tpu.memory_space<hbm>> -> memref<256x100xf32, #tpu.memory_space<hbm>>
    %dma_start3A_37 = arith.constant 0 : i32
    %dma_start3A_38 = arith.constant 0 : i32
    %dma_start3A_39 = tpu.memref_slice %arg6[%dma_start3A_30, %dma_start3A_37, %dma_start3A_38] : memref<2x256x100xf32, #tpu.memory_space<vmem>> -> memref<1x256x100xf32, #tpu.memory_space<vmem>>
    %dma_start3A_40 = tpu.memref_squeeze %dma_start3A_39 : memref<1x256x100xf32, #tpu.memory_space<vmem>> -> memref<256x100xf32, #tpu.memory_space<vmem>>
    %dma_start3A_41 = arith.constant 0 : i32
    %dma_start3A_42 = tpu.memref_slice %arg3[%add3A_29, %dma_start3A_41] : memref<262144x100xf32, #tpu.memory_space<hbm>> -> memref<256x100xf32, #tpu.memory_space<hbm>>
    tpu.enqueue_dma source(%dma_start3A_42 : memref<256x100xf32, #tpu.memory_space<hbm>>) target(%dma_start3A_40 : memref<256x100xf32, #tpu.memory_space<vmem>>) target_semaphore(%arg9 : memref<!tpu.dma_semaphore, #tpu.memory_space<semaphore_mem>>)
    %dma_wait3A = arith.constant 0 : i32
    %dma_wait3A_43 = arith.constant 0 : i32
    %dma_wait3A_44 = arith.constant 0 : i32
    %dma_wait3A_45 = tpu.memref_slice %arg6[%dma_wait3A, %dma_wait3A_43, %dma_wait3A_44] : memref<2x256x100xf32, #tpu.memory_space<vmem>> -> memref<1x256x100xf32, #tpu.memory_space<vmem>>
    %dma_wait3A_46 = tpu.memref_squeeze %dma_wait3A_45 : memref<1x256x100xf32, #tpu.memory_space<vmem>> -> memref<256x100xf32, #tpu.memory_space<vmem>>
    %dma_wait3A_47 = arith.constant 0 : i32
    %dma_wait3A_48 = arith.constant 0 : i32
    %dma_wait3A_49 = tpu.memref_slice %arg3[%dma_wait3A_47, %dma_wait3A_48] : memref<262144x100xf32, #tpu.memory_space<hbm>> -> memref<256x100xf32, #tpu.memory_space<hbm>>
    %dma_wait3A_50 = arith.constant 0 : i32
    %dma_wait3A_51 = arith.constant 0 : i32
    %dma_wait3A_52 = tpu.memref_slice %arg6[%dma_wait3A, %dma_wait3A_50, %dma_wait3A_51] : memref<2x256x100xf32, #tpu.memory_space<vmem>> -> memref<1x256x100xf32, #tpu.memory_space<vmem>>
    %dma_wait3A_53 = tpu.memref_squeeze %dma_wait3A_52 : memref<1x256x100xf32, #tpu.memory_space<vmem>> -> memref<256x100xf32, #tpu.memory_space<vmem>>
    %dma_wait3A_54 = arith.constant 0 : i32
    %dma_wait3A_55 = arith.constant 0 : i32
    %dma_wait3A_56 = tpu.memref_slice %arg3[%dma_wait3A_54, %dma_wait3A_55] : memref<262144x100xf32, #tpu.memory_space<hbm>> -> memref<256x100xf32, #tpu.memory_space<hbm>>
    tpu.wait_dma2 semaphore(%arg8 : memref<!tpu.dma_semaphore, #tpu.memory_space<semaphore_mem>>) src(%dma_wait3A_56 : memref<256x100xf32, #tpu.memory_space<hbm>>) dst(%dma_wait3A_53 : memref<256x100xf32, #tpu.memory_space<vmem>>)
    %scan3A_57 = arith.constant 9.99999997E-7 : f32
    %scan3A_58 = arith.constant 0.999998986 : f32
    %scan3A_59 = arith.constant 0 : i32
    %scan3A_60 = arith.constant 16 : i32
    %scan3A_61 = arith.addi %scan3A_59, %scan3A_60 : i32
    %scan3A_62 = arith.constant 1 : i32
    %scan3A_63:4 = scf.for %scan3A_97 = %scan3A_59 to %scan3A_61 step %scan3A_62 iter_args(%scan3A_98 = %scan3A_26#0, %scan3A_99 = %scan3A_26#1, %scan3A_100 = %scan3A_26#2, %scan3A_101 = %scan3A_26#3) -> (f32, f32, f32, f32)  : i32 {
      %mul3A_102 = arith.constant 16 : i32
      %mul3A_103 = arith.muli %scan3A_97, %mul3A_102 : i32
      %add3A_104 = arith.constant 7680 : i32
      %add3A_105 = arith.addi %add3A_104, %mul3A_103 : i32
      %get3A = arith.index_cast %add3A_105 : i32 to index
      %get3A_106 = tpu.vector_load %arg5[%get3A] {strides = array<i32>} : memref<8192xi32, #tpu.memory_space<vmem>>, vector<16xi32>,
      %get3A_107 = vector.shape_cast %get3A_106 : vector<16xi32> to vector<16xi32>
      %mul3A_108 = arith.constant 16 : i32
      %mul3A_109 = arith.muli %scan3A_97, %mul3A_108 : i32
      %slice3A = vector.extract_strided_slice %get3A_107 {offsets = [0], sizes = [1], strides = [1]} : vector<16xi32> to vector<1xi32>
      %squeeze3A = vector.extract %slice3A[0] : i32 from vector<1xi32>
      %add3A_110 = arith.constant 0 : i32
      %add3A_111 = arith.addi %mul3A_109, %add3A_110 : i32
      %get3A_112 = arith.constant 0 : i32
      %get3A_113 = arith.index_cast %get3A_112 : i32 to index
      %get3A_114 = arith.index_cast %add3A_111 : i32 to index
      %get3A_115 = arith.index_cast %squeeze3A : i32 to index
      %get3A_116 = tpu.vector_load %arg6[%get3A_113, %get3A_114, %get3A_115] {strides = array<i32>} : memref<2x256x100xf32, #tpu.memory_space<vmem>>, vector<1x1x16xf32>,
      %get3A_117 = vector.shape_cast %get3A_116 : vector<1x1x16xf32> to vector<16xf32>
      %slice3A_118 = vector.extract_strided_slice %get3A_117 {offsets = [0], sizes = [1], strides = [1]} : vector<16xf32> to vector<1xf32>
      %squeeze3A_119 = vector.extract %slice3A_118[0] : f32 from vector<1xf32>
      %max3A = arith.maximumf %squeeze3A_119, %scan3A_57 : f32
      %min3A = arith.minimumf %max3A, %scan3A_58 : f32
      %sub3A = arith.constant 1.000000e+00 : f32
      %sub3A_120 = arith.subf %sub3A, %min3A : f32
      %add3A_121 = arith.addf %scan3A_98, %sub3A_120 : f32
      %slice3A_122 = vector.extract_strided_slice %get3A_107 {offsets = [1], sizes = [1], strides = [1]} : vector<16xi32> to vector<1xi32>
      %squeeze3A_123 = vector.extract %slice3A_122[0] : i32 from vector<1xi32>
      %add3A_124 = arith.constant 1 : i32
      %add3A_125 = arith.addi %mul3A_109, %add3A_124 : i32
      %get3A_126 = arith.constant 0 : i32
      %get3A_127 = arith.index_cast %get3A_126 : i32 to index
      %get3A_128 = arith.index_cast %add3A_125 : i32 to index
      %get3A_129 = arith.index_cast %squeeze3A_123 : i32 to index
      %get3A_130 = tpu.vector_load %arg6[%get3A_127, %get3A_128, %get3A_129] {strides = array<i32>} : memref<2x256x100xf32, #tpu.memory_space<vmem>>, vector<1x1x16xf32>,
      %get3A_131 = vector.shape_cast %get3A_130 : vector<1x1x16xf32> to vector<16xf32>
      %slice3A_132 = vector.extract_strided_slice %get3A_131 {offsets = [0], sizes = [1], strides = [1]} : vector<16xf32> to vector<1xf32>
      %squeeze3A_133 = vector.extract %slice3A_132[0] : f32 from vector<1xf32>
      %max3A_134 = arith.maximumf %squeeze3A_133, %scan3A_57 : f32
      %min3A_135 = arith.minimumf %max3A_134, %scan3A_58 : f32
      %sub3A_136 = arith.constant 1.000000e+00 : f32
      %sub3A_137 = arith.subf %sub3A_136, %min3A_135 : f32
      %add3A_138 = arith.addf %scan3A_99, %sub3A_137 : f32
      %slice3A_139 = vector.extract_strided_slice %get3A_107 {offsets = [2], sizes = [1], strides = [1]} : vector<16xi32> to vector<1xi32>
      %squeeze3A_140 = vector.extract %slice3A_139[0] : i32 from vector<1xi32>
      %add3A_141 = arith.constant 2 : i32
      %add3A_142 = arith.addi %mul3A_109, %add3A_141 : i32
      %get3A_143 = arith.constant 0 : i32
      %get3A_144 = arith.index_cast %get3A_143 : i32 to index
      %get3A_145 = arith.index_cast %add3A_142 : i32 to index
      %get3A_146 = arith.index_cast %squeeze3A_140 : i32 to index
      %get3A_147 = tpu.vector_load %arg6[%get3A_144, %get3A_145, %get3A_146] {strides = array<i32>} : memref<2x256x100xf32, #tpu.memory_space<vmem>>, vector<1x1x16xf32>,
      %get3A_148 = vector.shape_cast %get3A_147 : vector<1x1x16xf32> to vector<16xf32>
      %slice3A_149 = vector.extract_strided_slice %get3A_148 {offsets = [0], sizes = [1], strides = [1]} : vector<16xf32> to vector<1xf32>
      %squeeze3A_150 = vector.extract %slice3A_149[0] : f32 from vector<1xf32>
      %max3A_151 = arith.maximumf %squeeze3A_150, %scan3A_57 : f32
      %min3A_152 = arith.minimumf %max3A_151, %scan3A_58 : f32
      %sub3A_153 = arith.constant 1.000000e+00 : f32
      %sub3A_154 = arith.subf %sub3A_153, %min3A_152 : f32
      %add3A_155 = arith.addf %scan3A_100, %sub3A_154 : f32
      %slice3A_156 = vector.extract_strided_slice %get3A_107 {offsets = [3], sizes = [1], strides = [1]} : vector<16xi32> to vector<1xi32>
      %squeeze3A_157 = vector.extract %slice3A_156[0] : i32 from vector<1xi32>
      %add3A_158 = arith.constant 3 : i32
      %add3A_159 = arith.addi %mul3A_109, %add3A_158 : i32
      %get3A_160 = arith.constant 0 : i32
      %get3A_161 = arith.index_cast %get3A_160 : i32 to index
      %get3A_162 = arith.index_cast %add3A_159 : i32 to index
      %get3A_163 = arith.index_cast %squeeze3A_157 : i32 to index
      %get3A_164 = tpu.vector_load %arg6[%get3A_161, %get3A_162, %get3A_163] {strides = array<i32>} : memref<2x256x100xf32, #tpu.memory_space<vmem>>, vector<1x1x16xf32>,
      %get3A_165 = vector.shape_cast %get3A_164 : vector<1x1x16xf32> to vector<16xf32>
      %slice3A_166 = vector.extract_strided_slice %get3A_165 {offsets = [0], sizes = [1], strides = [1]} : vector<16xf32> to vector<1xf32>
      %squeeze3A_167 = vector.extract %slice3A_166[0] : f32 from vector<1xf32>
      %max3A_168 = arith.maximumf %squeeze3A_167, %scan3A_57 : f32
      %min3A_169 = arith.minimumf %max3A_168, %scan3A_58 : f32
      %sub3A_170 = arith.constant 1.000000e+00 : f32
      %sub3A_171 = arith.subf %sub3A_170, %min3A_169 : f32
      %add3A_172 = arith.addf %scan3A_101, %sub3A_171 : f32
      %slice3A_173 = vector.extract_strided_slice %get3A_107 {offsets = [4], sizes = [1], strides = [1]} : vector<16xi32> to vector<1xi32>
      %squeeze3A_174 = vector.extract %slice3A_173[0] : i32 from vector<1xi32>
      %add3A_175 = arith.constant 4 : i32
      %add3A_176 = arith.addi %mul3A_109, %add3A_175 : i32
      %get3A_177 = arith.constant 0 : i32
      %get3A_178 = arith.index_cast %get3A_177 : i32 to index
      %get3A_179 = arith.index_cast %add3A_176 : i32 to index
      %get3A_180 = arith.index_cast %squeeze3A_174 : i32 to index
      %get3A_181 = tpu.vector_load %arg6[%get3A_178, %get3A_179, %get3A_180] {strides = array<i32>} : memref<2x256x100xf32, #tpu.memory_space<vmem>>, vector<1x1x16xf32>,
      %get3A_182 = vector.shape_cast %get3A_181 : vector<1x1x16xf32> to vector<16xf32>
      %slice3A_183 = vector.extract_strided_slice %get3A_182 {offsets = [0], sizes = [1], strides = [1]} : vector<16xf32> to vector<1xf32>
      %squeeze3A_184 = vector.extract %slice3A_183[0] : f32 from vector<1xf32>
      %max3A_185 = arith.maximumf %squeeze3A_184, %scan3A_57 : f32
      %min3A_186 = arith.minimumf %max3A_185, %scan3A_58 : f32
      %sub3A_187 = arith.constant 1.000000e+00 : f32
      %sub3A_188 = arith.subf %sub3A_187, %min3A_186 : f32
      %add3A_189 = arith.addf %add3A_121, %sub3A_188 : f32
      %slice3A_190 = vector.extract_strided_slice %get3A_107 {offsets = [5], sizes = [1], strides = [1]} : vector<16xi32> to vector<1xi32>
      %squeeze3A_191 = vector.extract %slice3A_190[0] : i32 from vector<1xi32>
      %add3A_192 = arith.constant 5 : i32
      %add3A_193 = arith.addi %mul3A_109, %add3A_192 : i32
      %get3A_194 = arith.constant 0 : i32
      %get3A_195 = arith.index_cast %get3A_194 : i32 to index
      %get3A_196 = arith.index_cast %add3A_193 : i32 to index
      %get3A_197 = arith.index_cast %squeeze3A_191 : i32 to index
      %get3A_198 = tpu.vector_load %arg6[%get3A_195, %get3A_196, %get3A_197] {strides = array<i32>} : memref<2x256x100xf32, #tpu.memory_space<vmem>>, vector<1x1x16xf32>,
      %get3A_199 = vector.shape_cast %get3A_198 : vector<1x1x16xf32> to vector<16xf32>
      %slice3A_200 = vector.extract_strided_slice %get3A_199 {offsets = [0], sizes = [1], strides = [1]} : vector<16xf32> to vector<1xf32>
      %squeeze3A_201 = vector.extract %slice3A_200[0] : f32 from vector<1xf32>
      %max3A_202 = arith.maximumf %squeeze3A_201, %scan3A_57 : f32
      %min3A_203 = arith.minimumf %max3A_202, %scan3A_58 : f32
      %sub3A_204 = arith.constant 1.000000e+00 : f32
      %sub3A_205 = arith.subf %sub3A_204, %min3A_203 : f32
      %add3A_206 = arith.addf %add3A_138, %sub3A_205 : f32
      %slice3A_207 = vector.extract_strided_slice %get3A_107 {offsets = [6], sizes = [1], strides = [1]} : vector<16xi32> to vector<1xi32>
      %squeeze3A_208 = vector.extract %slice3A_207[0] : i32 from vector<1xi32>
      %add3A_209 = arith.constant 6 : i32
      %add3A_210 = arith.addi %mul3A_109, %add3A_209 : i32
      %get3A_211 = arith.constant 0 : i32
      %get3A_212 = arith.index_cast %get3A_211 : i32 to index
      %get3A_213 = arith.index_cast %add3A_210 : i32 to index
      %get3A_214 = arith.index_cast %squeeze3A_208 : i32 to index
      %get3A_215 = tpu.vector_load %arg6[%get3A_212, %get3A_213, %get3A_214] {strides = array<i32>} : memref<2x256x100xf32, #tpu.memory_space<vmem>>, vector<1x1x16xf32>,
      %get3A_216 = vector.shape_cast %get3A_215 : vector<1x1x16xf32> to vector<16xf32>
      %slice3A_217 = vector.extract_strided_slice %get3A_216 {offsets = [0], sizes = [1], strides = [1]} : vector<16xf32> to vector<1xf32>
      %squeeze3A_218 = vector.extract %slice3A_217[0] : f32 from vector<1xf32>
      %max3A_219 = arith.maximumf %squeeze3A_218, %scan3A_57 : f32
      %min3A_220 = arith.minimumf %max3A_219, %scan3A_58 : f32
      %sub3A_221 = arith.constant 1.000000e+00 : f32
      %sub3A_222 = arith.subf %sub3A_221, %min3A_220 : f32
      %add3A_223 = arith.addf %add3A_155, %sub3A_222 : f32
      %slice3A_224 = vector.extract_strided_slice %get3A_107 {offsets = [7], sizes = [1], strides = [1]} : vector<16xi32> to vector<1xi32>
      %squeeze3A_225 = vector.extract %slice3A_224[0] : i32 from vector<1xi32>
      %add3A_226 = arith.constant 7 : i32
      %add3A_227 = arith.addi %mul3A_109, %add3A_226 : i32
      %get3A_228 = arith.constant 0 : i32
      %get3A_229 = arith.index_cast %get3A_228 : i32 to index
      %get3A_230 = arith.index_cast %add3A_227 : i32 to index
      %get3A_231 = arith.index_cast %squeeze3A_225 : i32 to index
      %get3A_232 = tpu.vector_load %arg6[%get3A_229, %get3A_230, %get3A_231] {strides = array<i32>} : memref<2x256x100xf32, #tpu.memory_space<vmem>>, vector<1x1x16xf32>,
      %get3A_233 = vector.shape_cast %get3A_232 : vector<1x1x16xf32> to vector<16xf32>
      %slice3A_234 = vector.extract_strided_slice %get3A_233 {offsets = [0], sizes = [1], strides = [1]} : vector<16xf32> to vector<1xf32>
      %squeeze3A_235 = vector.extract %slice3A_234[0] : f32 from vector<1xf32>
      %max3A_236 = arith.maximumf %squeeze3A_235, %scan3A_57 : f32
      %min3A_237 = arith.minimumf %max3A_236, %scan3A_58 : f32
      %sub3A_238 = arith.constant 1.000000e+00 : f32
      %sub3A_239 = arith.subf %sub3A_238, %min3A_237 : f32
      %add3A_240 = arith.addf %add3A_172, %sub3A_239 : f32
      %slice3A_241 = vector.extract_strided_slice %get3A_107 {offsets = [8], sizes = [1], strides = [1]} : vector<16xi32> to vector<1xi32>
      %squeeze3A_242 = vector.extract %slice3A_241[0] : i32 from vector<1xi32>
      %add3A_243 = arith.constant 8 : i32
      %add3A_244 = arith.addi %mul3A_109, %add3A_243 : i32
      %get3A_245 = arith.constant 0 : i32
      %get3A_246 = arith.index_cast %get3A_245 : i32 to index
      %get3A_247 = arith.index_cast %add3A_244 : i32 to index
      %get3A_248 = arith.index_cast %squeeze3A_242 : i32 to index
      %get3A_249 = tpu.vector_load %arg6[%get3A_246, %get3A_247, %get3A_248] {strides = array<i32>} : memref<2x256x100xf32, #tpu.memory_space<vmem>>, vector<1x1x16xf32>,
      %get3A_250 = vector.shape_cast %get3A_249 : vector<1x1x16xf32> to vector<16xf32>
      %slice3A_251 = vector.extract_strided_slice %get3A_250 {offsets = [0], sizes = [1], strides = [1]} : vector<16xf32> to vector<1xf32>
      %squeeze3A_252 = vector.extract %slice3A_251[0] : f32 from vector<1xf32>
      %max3A_253 = arith.maximumf %squeeze3A_252, %scan3A_57 : f32
      %min3A_254 = arith.minimumf %max3A_253, %scan3A_58 : f32
      %sub3A_255 = arith.constant 1.000000e+00 : f32
      %sub3A_256 = arith.subf %sub3A_255, %min3A_254 : f32
      %add3A_257 = arith.addf %add3A_189, %sub3A_256 : f32
      %slice3A_258 = vector.extract_strided_slice %get3A_107 {offsets = [9], sizes = [1], strides = [1]} : vector<16xi32> to vector<1xi32>
      %squeeze3A_259 = vector.extract %slice3A_258[0] : i32 from vector<1xi32>
      %add3A_260 = arith.constant 9 : i32
      %add3A_261 = arith.addi %mul3A_109, %add3A_260 : i32
      %get3A_262 = arith.constant 0 : i32
      %get3A_263 = arith.index_cast %get3A_262 : i32 to index
      %get3A_264 = arith.index_cast %add3A_261 : i32 to index
      %get3A_265 = arith.index_cast %squeeze3A_259 : i32 to index
      %get3A_266 = tpu.vector_load %arg6[%get3A_263, %get3A_264, %get3A_265] {strides = array<i32>} : memref<2x256x100xf32, #tpu.memory_space<vmem>>, vector<1x1x16xf32>,
      %get3A_267 = vector.shape_cast %get3A_266 : vector<1x1x16xf32> to vector<16xf32>
      %slice3A_268 = vector.extract_strided_slice %get3A_267 {offsets = [0], sizes = [1], strides = [1]} : vector<16xf32> to vector<1xf32>
      %squeeze3A_269 = vector.extract %slice3A_268[0] : f32 from vector<1xf32>
      %max3A_270 = arith.maximumf %squeeze3A_269, %scan3A_57 : f32
      %min3A_271 = arith.minimumf %max3A_270, %scan3A_58 : f32
      %sub3A_272 = arith.constant 1.000000e+00 : f32
      %sub3A_273 = arith.subf %sub3A_272, %min3A_271 : f32
      %add3A_274 = arith.addf %add3A_206, %sub3A_273 : f32
      %slice3A_275 = vector.extract_strided_slice %get3A_107 {offsets = [10], sizes = [1], strides = [1]} : vector<16xi32> to vector<1xi32>
      %squeeze3A_276 = vector.extract %slice3A_275[0] : i32 from vector<1xi32>
      %add3A_277 = arith.constant 10 : i32
      %add3A_278 = arith.addi %mul3A_109, %add3A_277 : i32
      %get3A_279 = arith.constant 0 : i32
      %get3A_280 = arith.index_cast %get3A_279 : i32 to index
      %get3A_281 = arith.index_cast %add3A_278 : i32 to index
      %get3A_282 = arith.index_cast %squeeze3A_276 : i32 to index
      %get3A_283 = tpu.vector_load %arg6[%get3A_280, %get3A_281, %get3A_282] {strides = array<i32>} : memref<2x256x100xf32, #tpu.memory_space<vmem>>, vector<1x1x16xf32>,
      %get3A_284 = vector.shape_cast %get3A_283 : vector<1x1x16xf32> to vector<16xf32>
      %slice3A_285 = vector.extract_strided_slice %get3A_284 {offsets = [0], sizes = [1], strides = [1]} : vector<16xf32> to vector<1xf32>
      %squeeze3A_286 = vector.extract %slice3A_285[0] : f32 from vector<1xf32>
      %max3A_287 = arith.maximumf %squeeze3A_286, %scan3A_57 : f32
      %min3A_288 = arith.minimumf %max3A_287, %scan3A_58 : f32
      %sub3A_289 = arith.constant 1.000000e+00 : f32
      %sub3A_290 = arith.subf %sub3A_289, %min3A_288 : f32
      %add3A_291 = arith.addf %add3A_223, %sub3A_290 : f32
      %slice3A_292 = vector.extract_strided_slice %get3A_107 {offsets = [11], sizes = [1], strides = [1]} : vector<16xi32> to vector<1xi32>
      %squeeze3A_293 = vector.extract %slice3A_292[0] : i32 from vector<1xi32>
      %add3A_294 = arith.constant 11 : i32
      %add3A_295 = arith.addi %mul3A_109, %add3A_294 : i32
      %get3A_296 = arith.constant 0 : i32
      %get3A_297 = arith.index_cast %get3A_296 : i32 to index
      %get3A_298 = arith.index_cast %add3A_295 : i32 to index
      %get3A_299 = arith.index_cast %squeeze3A_293 : i32 to index
      %get3A_300 = tpu.vector_load %arg6[%get3A_297, %get3A_298, %get3A_299] {strides = array<i32>} : memref<2x256x100xf32, #tpu.memory_space<vmem>>, vector<1x1x16xf32>,
      %get3A_301 = vector.shape_cast %get3A_300 : vector<1x1x16xf32> to vector<16xf32>
      %slice3A_302 = vector.extract_strided_slice %get3A_301 {offsets = [0], sizes = [1], strides = [1]} : vector<16xf32> to vector<1xf32>
      %squeeze3A_303 = vector.extract %slice3A_302[0] : f32 from vector<1xf32>
      %max3A_304 = arith.maximumf %squeeze3A_303, %scan3A_57 : f32
      %min3A_305 = arith.minimumf %max3A_304, %scan3A_58 : f32
      %sub3A_306 = arith.constant 1.000000e+00 : f32
      %sub3A_307 = arith.subf %sub3A_306, %min3A_305 : f32
      %add3A_308 = arith.addf %add3A_240, %sub3A_307 : f32
      %slice3A_309 = vector.extract_strided_slice %get3A_107 {offsets = [12], sizes = [1], strides = [1]} : vector<16xi32> to vector<1xi32>
      %squeeze3A_310 = vector.extract %slice3A_309[0] : i32 from vector<1xi32>
      %add3A_311 = arith.constant 12 : i32
      %add3A_312 = arith.addi %mul3A_109, %add3A_311 : i32
      %get3A_313 = arith.constant 0 : i32
      %get3A_314 = arith.index_cast %get3A_313 : i32 to index
      %get3A_315 = arith.index_cast %add3A_312 : i32 to index
      %get3A_316 = arith.index_cast %squeeze3A_310 : i32 to index
      %get3A_317 = tpu.vector_load %arg6[%get3A_314, %get3A_315, %get3A_316] {strides = array<i32>} : memref<2x256x100xf32, #tpu.memory_space<vmem>>, vector<1x1x16xf32>,
      %get3A_318 = vector.shape_cast %get3A_317 : vector<1x1x16xf32> to vector<16xf32>
      %slice3A_319 = vector.extract_strided_slice %get3A_318 {offsets = [0], sizes = [1], strides = [1]} : vector<16xf32> to vector<1xf32>
      %squeeze3A_320 = vector.extract %slice3A_319[0] : f32 from vector<1xf32>
      %max3A_321 = arith.maximumf %squeeze3A_320, %scan3A_57 : f32
      %min3A_322 = arith.minimumf %max3A_321, %scan3A_58 : f32
      %sub3A_323 = arith.constant 1.000000e+00 : f32
      %sub3A_324 = arith.subf %sub3A_323, %min3A_322 : f32
      %add3A_325 = arith.addf %add3A_257, %sub3A_324 : f32
      %slice3A_326 = vector.extract_strided_slice %get3A_107 {offsets = [13], sizes = [1], strides = [1]} : vector<16xi32> to vector<1xi32>
      %squeeze3A_327 = vector.extract %slice3A_326[0] : i32 from vector<1xi32>
      %add3A_328 = arith.constant 13 : i32
      %add3A_329 = arith.addi %mul3A_109, %add3A_328 : i32
      %get3A_330 = arith.constant 0 : i32
      %get3A_331 = arith.index_cast %get3A_330 : i32 to index
      %get3A_332 = arith.index_cast %add3A_329 : i32 to index
      %get3A_333 = arith.index_cast %squeeze3A_327 : i32 to index
      %get3A_334 = tpu.vector_load %arg6[%get3A_331, %get3A_332, %get3A_333] {strides = array<i32>} : memref<2x256x100xf32, #tpu.memory_space<vmem>>, vector<1x1x16xf32>,
      %get3A_335 = vector.shape_cast %get3A_334 : vector<1x1x16xf32> to vector<16xf32>
      %slice3A_336 = vector.extract_strided_slice %get3A_335 {offsets = [0], sizes = [1], strides = [1]} : vector<16xf32> to vector<1xf32>
      %squeeze3A_337 = vector.extract %slice3A_336[0] : f32 from vector<1xf32>
      %max3A_338 = arith.maximumf %squeeze3A_337, %scan3A_57 : f32
      %min3A_339 = arith.minimumf %max3A_338, %scan3A_58 : f32
      %sub3A_340 = arith.constant 1.000000e+00 : f32
      %sub3A_341 = arith.subf %sub3A_340, %min3A_339 : f32
      %add3A_342 = arith.addf %add3A_274, %sub3A_341 : f32
      %slice3A_343 = vector.extract_strided_slice %get3A_107 {offsets = [14], sizes = [1], strides = [1]} : vector<16xi32> to vector<1xi32>
      %squeeze3A_344 = vector.extract %slice3A_343[0] : i32 from vector<1xi32>
      %add3A_345 = arith.constant 14 : i32
      %add3A_346 = arith.addi %mul3A_109, %add3A_345 : i32
      %get3A_347 = arith.constant 0 : i32
      %get3A_348 = arith.index_cast %get3A_347 : i32 to index
      %get3A_349 = arith.index_cast %add3A_346 : i32 to index
      %get3A_350 = arith.index_cast %squeeze3A_344 : i32 to index
      %get3A_351 = tpu.vector_load %arg6[%get3A_348, %get3A_349, %get3A_350] {strides = array<i32>} : memref<2x256x100xf32, #tpu.memory_space<vmem>>, vector<1x1x16xf32>,
      %get3A_352 = vector.shape_cast %get3A_351 : vector<1x1x16xf32> to vector<16xf32>
      %slice3A_353 = vector.extract_strided_slice %get3A_352 {offsets = [0], sizes = [1], strides = [1]} : vector<16xf32> to vector<1xf32>
      %squeeze3A_354 = vector.extract %slice3A_353[0] : f32 from vector<1xf32>
      %max3A_355 = arith.maximumf %squeeze3A_354, %scan3A_57 : f32
      %min3A_356 = arith.minimumf %max3A_355, %scan3A_58 : f32
      %sub3A_357 = arith.constant 1.000000e+00 : f32
      %sub3A_358 = arith.subf %sub3A_357, %min3A_356 : f32
      %add3A_359 = arith.addf %add3A_291, %sub3A_358 : f32
      %slice3A_360 = vector.extract_strided_slice %get3A_107 {offsets = [15], sizes = [1], strides = [1]} : vector<16xi32> to vector<1xi32>
      %squeeze3A_361 = vector.extract %slice3A_360[0] : i32 from vector<1xi32>
      %add3A_362 = arith.constant 15 : i32
      %add3A_363 = arith.addi %mul3A_109, %add3A_362 : i32
      %get3A_364 = arith.constant 0 : i32
      %get3A_365 = arith.index_cast %get3A_364 : i32 to index
      %get3A_366 = arith.index_cast %add3A_363 : i32 to index
      %get3A_367 = arith.index_cast %squeeze3A_361 : i32 to index
      %get3A_368 = tpu.vector_load %arg6[%get3A_365, %get3A_366, %get3A_367] {strides = array<i32>} : memref<2x256x100xf32, #tpu.memory_space<vmem>>, vector<1x1x16xf32>,
      %get3A_369 = vector.shape_cast %get3A_368 : vector<1x1x16xf32> to vector<16xf32>
      %slice3A_370 = vector.extract_strided_slice %get3A_369 {offsets = [0], sizes = [1], strides = [1]} : vector<16xf32> to vector<1xf32>
      %squeeze3A_371 = vector.extract %slice3A_370[0] : f32 from vector<1xf32>
      %max3A_372 = arith.maximumf %squeeze3A_371, %scan3A_57 : f32
      %min3A_373 = arith.minimumf %max3A_372, %scan3A_58 : f32
      %sub3A_374 = arith.constant 1.000000e+00 : f32
      %sub3A_375 = arith.subf %sub3A_374, %min3A_373 : f32
      %add3A_376 = arith.addf %add3A_308, %sub3A_375 : f32
      scf.yield %add3A_325, %add3A_342, %add3A_359, %add3A_376 : f32, f32, f32, f32
    }
    %scan3A_64 = arith.constant 16 : i32
    %dma_wait3A_65 = arith.constant 1 : i32
    %dma_wait3A_66 = arith.constant 0 : i32
    %dma_wait3A_67 = arith.constant 0 : i32
    %dma_wait3A_68 = tpu.memref_slice %arg6[%dma_wait3A_65, %dma_wait3A_66, %dma_wait3A_67] : memref<2x256x100xf32, #tpu.memory_space<vmem>> -> memref<1x256x100xf32, #tpu.memory_space<vmem>>
    %dma_wait3A_69 = tpu.memref_squeeze %dma_wait3A_68 : memref<1x256x100xf32, #tpu.memory_space<vmem>> -> memref<256x100xf32, #tpu.memory_space<vmem>>
    %dma_wait3A_70 = arith.constant 0 : i32
    %dma_wait3A_71 = arith.constant 0 : i32
    %dma_wait3A_72 = tpu.memref_slice %arg3[%dma_wait3A_70, %dma_wait3A_71] : memref<262144x100xf32, #tpu.memory_space<hbm>> -> memref<256x100xf32, #tpu.memory_space<hbm>>
    %dma_wait3A_73 = arith.constant 0 : i32
    %dma_wait3A_74 = arith.constant 0 : i32
    %dma_wait3A_75 = tpu.memref_slice %arg6[%dma_wait3A_65, %dma_wait3A_73, %dma_wait3A_74] : memref<2x256x100xf32, #tpu.memory_space<vmem>> -> memref<1x256x100xf32, #tpu.memory_space<vmem>>
    %dma_wait3A_76 = tpu.memref_squeeze %dma_wait3A_75 : memref<1x256x100xf32, #tpu.memory_space<vmem>> -> memref<256x100xf32, #tpu.memory_space<vmem>>
    %dma_wait3A_77 = arith.constant 0 : i32
    %dma_wait3A_78 = arith.constant 0 : i32
    %dma_wait3A_79 = tpu.memref_slice %arg3[%dma_wait3A_77, %dma_wait3A_78] : memref<262144x100xf32, #tpu.memory_space<hbm>> -> memref<256x100xf32, #tpu.memory_space<hbm>>
    tpu.wait_dma2 semaphore(%arg9 : memref<!tpu.dma_semaphore, #tpu.memory_space<semaphore_mem>>) src(%dma_wait3A_79 : memref<256x100xf32, #tpu.memory_space<hbm>>) dst(%dma_wait3A_76 : memref<256x100xf32, #tpu.memory_space<vmem>>)
    %scan3A_80 = arith.constant 9.99999997E-7 : f32
    %scan3A_81 = arith.constant 0.999998986 : f32
    %scan3A_82 = arith.constant 0 : i32
    %scan3A_83 = arith.constant 16 : i32
    %scan3A_84 = arith.addi %scan3A_82, %scan3A_83 : i32
    %scan3A_85 = arith.constant 1 : i32
    %scan3A_86:4 = scf.for %scan3A_97 = %scan3A_82 to %scan3A_84 step %scan3A_85 iter_args(%scan3A_98 = %scan3A_63#0, %scan3A_99 = %scan3A_63#1, %scan3A_100 = %scan3A_63#2, %scan3A_101 = %scan3A_63#3) -> (f32, f32, f32, f32)  : i32 {
      %mul3A_102 = arith.constant 16 : i32
      %mul3A_103 = arith.muli %scan3A_97, %mul3A_102 : i32
      %add3A_104 = arith.constant 7936 : i32
      %add3A_105 = arith.addi %add3A_104, %mul3A_103 : i32
      %get3A = arith.index_cast %add3A_105 : i32 to index
      %get3A_106 = tpu.vector_load %arg5[%get3A] {strides = array<i32>} : memref<8192xi32, #tpu.memory_space<vmem>>, vector<16xi32>,
      %get3A_107 = vector.shape_cast %get3A_106 : vector<16xi32> to vector<16xi32>
      %mul3A_108 = arith.constant 16 : i32
      %mul3A_109 = arith.muli %scan3A_97, %mul3A_108 : i32
      %slice3A = vector.extract_strided_slice %get3A_107 {offsets = [0], sizes = [1], strides = [1]} : vector<16xi32> to vector<1xi32>
      %squeeze3A = vector.extract %slice3A[0] : i32 from vector<1xi32>
      %add3A_110 = arith.constant 0 : i32
      %add3A_111 = arith.addi %mul3A_109, %add3A_110 : i32
      %get3A_112 = arith.constant 1 : i32
      %get3A_113 = arith.index_cast %get3A_112 : i32 to index
      %get3A_114 = arith.index_cast %add3A_111 : i32 to index
      %get3A_115 = arith.index_cast %squeeze3A : i32 to index
      %get3A_116 = tpu.vector_load %arg6[%get3A_113, %get3A_114, %get3A_115] {strides = array<i32>} : memref<2x256x100xf32, #tpu.memory_space<vmem>>, vector<1x1x16xf32>,
      %get3A_117 = vector.shape_cast %get3A_116 : vector<1x1x16xf32> to vector<16xf32>
      %slice3A_118 = vector.extract_strided_slice %get3A_117 {offsets = [0], sizes = [1], strides = [1]} : vector<16xf32> to vector<1xf32>
      %squeeze3A_119 = vector.extract %slice3A_118[0] : f32 from vector<1xf32>
      %max3A = arith.maximumf %squeeze3A_119, %scan3A_80 : f32
      %min3A = arith.minimumf %max3A, %scan3A_81 : f32
      %sub3A = arith.constant 1.000000e+00 : f32
      %sub3A_120 = arith.subf %sub3A, %min3A : f32
      %add3A_121 = arith.addf %scan3A_98, %sub3A_120 : f32
      %slice3A_122 = vector.extract_strided_slice %get3A_107 {offsets = [1], sizes = [1], strides = [1]} : vector<16xi32> to vector<1xi32>
      %squeeze3A_123 = vector.extract %slice3A_122[0] : i32 from vector<1xi32>
      %add3A_124 = arith.constant 1 : i32
      %add3A_125 = arith.addi %mul3A_109, %add3A_124 : i32
      %get3A_126 = arith.constant 1 : i32
      %get3A_127 = arith.index_cast %get3A_126 : i32 to index
      %get3A_128 = arith.index_cast %add3A_125 : i32 to index
      %get3A_129 = arith.index_cast %squeeze3A_123 : i32 to index
      %get3A_130 = tpu.vector_load %arg6[%get3A_127, %get3A_128, %get3A_129] {strides = array<i32>} : memref<2x256x100xf32, #tpu.memory_space<vmem>>, vector<1x1x16xf32>,
      %get3A_131 = vector.shape_cast %get3A_130 : vector<1x1x16xf32> to vector<16xf32>
      %slice3A_132 = vector.extract_strided_slice %get3A_131 {offsets = [0], sizes = [1], strides = [1]} : vector<16xf32> to vector<1xf32>
      %squeeze3A_133 = vector.extract %slice3A_132[0] : f32 from vector<1xf32>
      %max3A_134 = arith.maximumf %squeeze3A_133, %scan3A_80 : f32
      %min3A_135 = arith.minimumf %max3A_134, %scan3A_81 : f32
      %sub3A_136 = arith.constant 1.000000e+00 : f32
      %sub3A_137 = arith.subf %sub3A_136, %min3A_135 : f32
      %add3A_138 = arith.addf %scan3A_99, %sub3A_137 : f32
      %slice3A_139 = vector.extract_strided_slice %get3A_107 {offsets = [2], sizes = [1], strides = [1]} : vector<16xi32> to vector<1xi32>
      %squeeze3A_140 = vector.extract %slice3A_139[0] : i32 from vector<1xi32>
      %add3A_141 = arith.constant 2 : i32
      %add3A_142 = arith.addi %mul3A_109, %add3A_141 : i32
      %get3A_143 = arith.constant 1 : i32
      %get3A_144 = arith.index_cast %get3A_143 : i32 to index
      %get3A_145 = arith.index_cast %add3A_142 : i32 to index
      %get3A_146 = arith.index_cast %squeeze3A_140 : i32 to index
      %get3A_147 = tpu.vector_load %arg6[%get3A_144, %get3A_145, %get3A_146] {strides = array<i32>} : memref<2x256x100xf32, #tpu.memory_space<vmem>>, vector<1x1x16xf32>,
      %get3A_148 = vector.shape_cast %get3A_147 : vector<1x1x16xf32> to vector<16xf32>
      %slice3A_149 = vector.extract_strided_slice %get3A_148 {offsets = [0], sizes = [1], strides = [1]} : vector<16xf32> to vector<1xf32>
      %squeeze3A_150 = vector.extract %slice3A_149[0] : f32 from vector<1xf32>
      %max3A_151 = arith.maximumf %squeeze3A_150, %scan3A_80 : f32
      %min3A_152 = arith.minimumf %max3A_151, %scan3A_81 : f32
      %sub3A_153 = arith.constant 1.000000e+00 : f32
      %sub3A_154 = arith.subf %sub3A_153, %min3A_152 : f32
      %add3A_155 = arith.addf %scan3A_100, %sub3A_154 : f32
      %slice3A_156 = vector.extract_strided_slice %get3A_107 {offsets = [3], sizes = [1], strides = [1]} : vector<16xi32> to vector<1xi32>
      %squeeze3A_157 = vector.extract %slice3A_156[0] : i32 from vector<1xi32>
      %add3A_158 = arith.constant 3 : i32
      %add3A_159 = arith.addi %mul3A_109, %add3A_158 : i32
      %get3A_160 = arith.constant 1 : i32
      %get3A_161 = arith.index_cast %get3A_160 : i32 to index
      %get3A_162 = arith.index_cast %add3A_159 : i32 to index
      %get3A_163 = arith.index_cast %squeeze3A_157 : i32 to index
      %get3A_164 = tpu.vector_load %arg6[%get3A_161, %get3A_162, %get3A_163] {strides = array<i32>} : memref<2x256x100xf32, #tpu.memory_space<vmem>>, vector<1x1x16xf32>,
      %get3A_165 = vector.shape_cast %get3A_164 : vector<1x1x16xf32> to vector<16xf32>
      %slice3A_166 = vector.extract_strided_slice %get3A_165 {offsets = [0], sizes = [1], strides = [1]} : vector<16xf32> to vector<1xf32>
      %squeeze3A_167 = vector.extract %slice3A_166[0] : f32 from vector<1xf32>
      %max3A_168 = arith.maximumf %squeeze3A_167, %scan3A_80 : f32
      %min3A_169 = arith.minimumf %max3A_168, %scan3A_81 : f32
      %sub3A_170 = arith.constant 1.000000e+00 : f32
      %sub3A_171 = arith.subf %sub3A_170, %min3A_169 : f32
      %add3A_172 = arith.addf %scan3A_101, %sub3A_171 : f32
      %slice3A_173 = vector.extract_strided_slice %get3A_107 {offsets = [4], sizes = [1], strides = [1]} : vector<16xi32> to vector<1xi32>
      %squeeze3A_174 = vector.extract %slice3A_173[0] : i32 from vector<1xi32>
      %add3A_175 = arith.constant 4 : i32
      %add3A_176 = arith.addi %mul3A_109, %add3A_175 : i32
      %get3A_177 = arith.constant 1 : i32
      %get3A_178 = arith.index_cast %get3A_177 : i32 to index
      %get3A_179 = arith.index_cast %add3A_176 : i32 to index
      %get3A_180 = arith.index_cast %squeeze3A_174 : i32 to index
      %get3A_181 = tpu.vector_load %arg6[%get3A_178, %get3A_179, %get3A_180] {strides = array<i32>} : memref<2x256x100xf32, #tpu.memory_space<vmem>>, vector<1x1x16xf32>,
      %get3A_182 = vector.shape_cast %get3A_181 : vector<1x1x16xf32> to vector<16xf32>
      %slice3A_183 = vector.extract_strided_slice %get3A_182 {offsets = [0], sizes = [1], strides = [1]} : vector<16xf32> to vector<1xf32>
      %squeeze3A_184 = vector.extract %slice3A_183[0] : f32 from vector<1xf32>
      %max3A_185 = arith.maximumf %squeeze3A_184, %scan3A_80 : f32
      %min3A_186 = arith.minimumf %max3A_185, %scan3A_81 : f32
      %sub3A_187 = arith.constant 1.000000e+00 : f32
      %sub3A_188 = arith.subf %sub3A_187, %min3A_186 : f32
      %add3A_189 = arith.addf %add3A_121, %sub3A_188 : f32
      %slice3A_190 = vector.extract_strided_slice %get3A_107 {offsets = [5], sizes = [1], strides = [1]} : vector<16xi32> to vector<1xi32>
      %squeeze3A_191 = vector.extract %slice3A_190[0] : i32 from vector<1xi32>
      %add3A_192 = arith.constant 5 : i32
      %add3A_193 = arith.addi %mul3A_109, %add3A_192 : i32
      %get3A_194 = arith.constant 1 : i32
      %get3A_195 = arith.index_cast %get3A_194 : i32 to index
      %get3A_196 = arith.index_cast %add3A_193 : i32 to index
      %get3A_197 = arith.index_cast %squeeze3A_191 : i32 to index
      %get3A_198 = tpu.vector_load %arg6[%get3A_195, %get3A_196, %get3A_197] {strides = array<i32>} : memref<2x256x100xf32, #tpu.memory_space<vmem>>, vector<1x1x16xf32>,
      %get3A_199 = vector.shape_cast %get3A_198 : vector<1x1x16xf32> to vector<16xf32>
      %slice3A_200 = vector.extract_strided_slice %get3A_199 {offsets = [0], sizes = [1], strides = [1]} : vector<16xf32> to vector<1xf32>
      %squeeze3A_201 = vector.extract %slice3A_200[0] : f32 from vector<1xf32>
      %max3A_202 = arith.maximumf %squeeze3A_201, %scan3A_80 : f32
      %min3A_203 = arith.minimumf %max3A_202, %scan3A_81 : f32
      %sub3A_204 = arith.constant 1.000000e+00 : f32
      %sub3A_205 = arith.subf %sub3A_204, %min3A_203 : f32
      %add3A_206 = arith.addf %add3A_138, %sub3A_205 : f32
      %slice3A_207 = vector.extract_strided_slice %get3A_107 {offsets = [6], sizes = [1], strides = [1]} : vector<16xi32> to vector<1xi32>
      %squeeze3A_208 = vector.extract %slice3A_207[0] : i32 from vector<1xi32>
      %add3A_209 = arith.constant 6 : i32
      %add3A_210 = arith.addi %mul3A_109, %add3A_209 : i32
      %get3A_211 = arith.constant 1 : i32
      %get3A_212 = arith.index_cast %get3A_211 : i32 to index
      %get3A_213 = arith.index_cast %add3A_210 : i32 to index
      %get3A_214 = arith.index_cast %squeeze3A_208 : i32 to index
      %get3A_215 = tpu.vector_load %arg6[%get3A_212, %get3A_213, %get3A_214] {strides = array<i32>} : memref<2x256x100xf32, #tpu.memory_space<vmem>>, vector<1x1x16xf32>,
      %get3A_216 = vector.shape_cast %get3A_215 : vector<1x1x16xf32> to vector<16xf32>
      %slice3A_217 = vector.extract_strided_slice %get3A_216 {offsets = [0], sizes = [1], strides = [1]} : vector<16xf32> to vector<1xf32>
      %squeeze3A_218 = vector.extract %slice3A_217[0] : f32 from vector<1xf32>
      %max3A_219 = arith.maximumf %squeeze3A_218, %scan3A_80 : f32
      %min3A_220 = arith.minimumf %max3A_219, %scan3A_81 : f32
      %sub3A_221 = arith.constant 1.000000e+00 : f32
      %sub3A_222 = arith.subf %sub3A_221, %min3A_220 : f32
      %add3A_223 = arith.addf %add3A_155, %sub3A_222 : f32
      %slice3A_224 = vector.extract_strided_slice %get3A_107 {offsets = [7], sizes = [1], strides = [1]} : vector<16xi32> to vector<1xi32>
      %squeeze3A_225 = vector.extract %slice3A_224[0] : i32 from vector<1xi32>
      %add3A_226 = arith.constant 7 : i32
      %add3A_227 = arith.addi %mul3A_109, %add3A_226 : i32
      %get3A_228 = arith.constant 1 : i32
      %get3A_229 = arith.index_cast %get3A_228 : i32 to index
      %get3A_230 = arith.index_cast %add3A_227 : i32 to index
      %get3A_231 = arith.index_cast %squeeze3A_225 : i32 to index
      %get3A_232 = tpu.vector_load %arg6[%get3A_229, %get3A_230, %get3A_231] {strides = array<i32>} : memref<2x256x100xf32, #tpu.memory_space<vmem>>, vector<1x1x16xf32>,
      %get3A_233 = vector.shape_cast %get3A_232 : vector<1x1x16xf32> to vector<16xf32>
      %slice3A_234 = vector.extract_strided_slice %get3A_233 {offsets = [0], sizes = [1], strides = [1]} : vector<16xf32> to vector<1xf32>
      %squeeze3A_235 = vector.extract %slice3A_234[0] : f32 from vector<1xf32>
      %max3A_236 = arith.maximumf %squeeze3A_235, %scan3A_80 : f32
      %min3A_237 = arith.minimumf %max3A_236, %scan3A_81 : f32
      %sub3A_238 = arith.constant 1.000000e+00 : f32
      %sub3A_239 = arith.subf %sub3A_238, %min3A_237 : f32
      %add3A_240 = arith.addf %add3A_172, %sub3A_239 : f32
      %slice3A_241 = vector.extract_strided_slice %get3A_107 {offsets = [8], sizes = [1], strides = [1]} : vector<16xi32> to vector<1xi32>
      %squeeze3A_242 = vector.extract %slice3A_241[0] : i32 from vector<1xi32>
      %add3A_243 = arith.constant 8 : i32
      %add3A_244 = arith.addi %mul3A_109, %add3A_243 : i32
      %get3A_245 = arith.constant 1 : i32
      %get3A_246 = arith.index_cast %get3A_245 : i32 to index
      %get3A_247 = arith.index_cast %add3A_244 : i32 to index
      %get3A_248 = arith.index_cast %squeeze3A_242 : i32 to index
      %get3A_249 = tpu.vector_load %arg6[%get3A_246, %get3A_247, %get3A_248] {strides = array<i32>} : memref<2x256x100xf32, #tpu.memory_space<vmem>>, vector<1x1x16xf32>,
      %get3A_250 = vector.shape_cast %get3A_249 : vector<1x1x16xf32> to vector<16xf32>
      %slice3A_251 = vector.extract_strided_slice %get3A_250 {offsets = [0], sizes = [1], strides = [1]} : vector<16xf32> to vector<1xf32>
      %squeeze3A_252 = vector.extract %slice3A_251[0] : f32 from vector<1xf32>
      %max3A_253 = arith.maximumf %squeeze3A_252, %scan3A_80 : f32
      %min3A_254 = arith.minimumf %max3A_253, %scan3A_81 : f32
      %sub3A_255 = arith.constant 1.000000e+00 : f32
      %sub3A_256 = arith.subf %sub3A_255, %min3A_254 : f32
      %add3A_257 = arith.addf %add3A_189, %sub3A_256 : f32
      %slice3A_258 = vector.extract_strided_slice %get3A_107 {offsets = [9], sizes = [1], strides = [1]} : vector<16xi32> to vector<1xi32>
      %squeeze3A_259 = vector.extract %slice3A_258[0] : i32 from vector<1xi32>
      %add3A_260 = arith.constant 9 : i32
      %add3A_261 = arith.addi %mul3A_109, %add3A_260 : i32
      %get3A_262 = arith.constant 1 : i32
      %get3A_263 = arith.index_cast %get3A_262 : i32 to index
      %get3A_264 = arith.index_cast %add3A_261 : i32 to index
      %get3A_265 = arith.index_cast %squeeze3A_259 : i32 to index
      %get3A_266 = tpu.vector_load %arg6[%get3A_263, %get3A_264, %get3A_265] {strides = array<i32>} : memref<2x256x100xf32, #tpu.memory_space<vmem>>, vector<1x1x16xf32>,
      %get3A_267 = vector.shape_cast %get3A_266 : vector<1x1x16xf32> to vector<16xf32>
      %slice3A_268 = vector.extract_strided_slice %get3A_267 {offsets = [0], sizes = [1], strides = [1]} : vector<16xf32> to vector<1xf32>
      %squeeze3A_269 = vector.extract %slice3A_268[0] : f32 from vector<1xf32>
      %max3A_270 = arith.maximumf %squeeze3A_269, %scan3A_80 : f32
      %min3A_271 = arith.minimumf %max3A_270, %scan3A_81 : f32
      %sub3A_272 = arith.constant 1.000000e+00 : f32
      %sub3A_273 = arith.subf %sub3A_272, %min3A_271 : f32
      %add3A_274 = arith.addf %add3A_206, %sub3A_273 : f32
      %slice3A_275 = vector.extract_strided_slice %get3A_107 {offsets = [10], sizes = [1], strides = [1]} : vector<16xi32> to vector<1xi32>
      %squeeze3A_276 = vector.extract %slice3A_275[0] : i32 from vector<1xi32>
      %add3A_277 = arith.constant 10 : i32
      %add3A_278 = arith.addi %mul3A_109, %add3A_277 : i32
      %get3A_279 = arith.constant 1 : i32
      %get3A_280 = arith.index_cast %get3A_279 : i32 to index
      %get3A_281 = arith.index_cast %add3A_278 : i32 to index
      %get3A_282 = arith.index_cast %squeeze3A_276 : i32 to index
      %get3A_283 = tpu.vector_load %arg6[%get3A_280, %get3A_281, %get3A_282] {strides = array<i32>} : memref<2x256x100xf32, #tpu.memory_space<vmem>>, vector<1x1x16xf32>,
      %get3A_284 = vector.shape_cast %get3A_283 : vector<1x1x16xf32> to vector<16xf32>
      %slice3A_285 = vector.extract_strided_slice %get3A_284 {offsets = [0], sizes = [1], strides = [1]} : vector<16xf32> to vector<1xf32>
      %squeeze3A_286 = vector.extract %slice3A_285[0] : f32 from vector<1xf32>
      %max3A_287 = arith.maximumf %squeeze3A_286, %scan3A_80 : f32
      %min3A_288 = arith.minimumf %max3A_287, %scan3A_81 : f32
      %sub3A_289 = arith.constant 1.000000e+00 : f32
      %sub3A_290 = arith.subf %sub3A_289, %min3A_288 : f32
      %add3A_291 = arith.addf %add3A_223, %sub3A_290 : f32
      %slice3A_292 = vector.extract_strided_slice %get3A_107 {offsets = [11], sizes = [1], strides = [1]} : vector<16xi32> to vector<1xi32>
      %squeeze3A_293 = vector.extract %slice3A_292[0] : i32 from vector<1xi32>
      %add3A_294 = arith.constant 11 : i32
      %add3A_295 = arith.addi %mul3A_109, %add3A_294 : i32
      %get3A_296 = arith.constant 1 : i32
      %get3A_297 = arith.index_cast %get3A_296 : i32 to index
      %get3A_298 = arith.index_cast %add3A_295 : i32 to index
      %get3A_299 = arith.index_cast %squeeze3A_293 : i32 to index
      %get3A_300 = tpu.vector_load %arg6[%get3A_297, %get3A_298, %get3A_299] {strides = array<i32>} : memref<2x256x100xf32, #tpu.memory_space<vmem>>, vector<1x1x16xf32>,
      %get3A_301 = vector.shape_cast %get3A_300 : vector<1x1x16xf32> to vector<16xf32>
      %slice3A_302 = vector.extract_strided_slice %get3A_301 {offsets = [0], sizes = [1], strides = [1]} : vector<16xf32> to vector<1xf32>
      %squeeze3A_303 = vector.extract %slice3A_302[0] : f32 from vector<1xf32>
      %max3A_304 = arith.maximumf %squeeze3A_303, %scan3A_80 : f32
      %min3A_305 = arith.minimumf %max3A_304, %scan3A_81 : f32
      %sub3A_306 = arith.constant 1.000000e+00 : f32
      %sub3A_307 = arith.subf %sub3A_306, %min3A_305 : f32
      %add3A_308 = arith.addf %add3A_240, %sub3A_307 : f32
      %slice3A_309 = vector.extract_strided_slice %get3A_107 {offsets = [12], sizes = [1], strides = [1]} : vector<16xi32> to vector<1xi32>
      %squeeze3A_310 = vector.extract %slice3A_309[0] : i32 from vector<1xi32>
      %add3A_311 = arith.constant 12 : i32
      %add3A_312 = arith.addi %mul3A_109, %add3A_311 : i32
      %get3A_313 = arith.constant 1 : i32
      %get3A_314 = arith.index_cast %get3A_313 : i32 to index
      %get3A_315 = arith.index_cast %add3A_312 : i32 to index
      %get3A_316 = arith.index_cast %squeeze3A_310 : i32 to index
      %get3A_317 = tpu.vector_load %arg6[%get3A_314, %get3A_315, %get3A_316] {strides = array<i32>} : memref<2x256x100xf32, #tpu.memory_space<vmem>>, vector<1x1x16xf32>,
      %get3A_318 = vector.shape_cast %get3A_317 : vector<1x1x16xf32> to vector<16xf32>
      %slice3A_319 = vector.extract_strided_slice %get3A_318 {offsets = [0], sizes = [1], strides = [1]} : vector<16xf32> to vector<1xf32>
      %squeeze3A_320 = vector.extract %slice3A_319[0] : f32 from vector<1xf32>
      %max3A_321 = arith.maximumf %squeeze3A_320, %scan3A_80 : f32
      %min3A_322 = arith.minimumf %max3A_321, %scan3A_81 : f32
      %sub3A_323 = arith.constant 1.000000e+00 : f32
      %sub3A_324 = arith.subf %sub3A_323, %min3A_322 : f32
      %add3A_325 = arith.addf %add3A_257, %sub3A_324 : f32
      %slice3A_326 = vector.extract_strided_slice %get3A_107 {offsets = [13], sizes = [1], strides = [1]} : vector<16xi32> to vector<1xi32>
      %squeeze3A_327 = vector.extract %slice3A_326[0] : i32 from vector<1xi32>
      %add3A_328 = arith.constant 13 : i32
      %add3A_329 = arith.addi %mul3A_109, %add3A_328 : i32
      %get3A_330 = arith.constant 1 : i32
      %get3A_331 = arith.index_cast %get3A_330 : i32 to index
      %get3A_332 = arith.index_cast %add3A_329 : i32 to index
      %get3A_333 = arith.index_cast %squeeze3A_327 : i32 to index
      %get3A_334 = tpu.vector_load %arg6[%get3A_331, %get3A_332, %get3A_333] {strides = array<i32>} : memref<2x256x100xf32, #tpu.memory_space<vmem>>, vector<1x1x16xf32>,
      %get3A_335 = vector.shape_cast %get3A_334 : vector<1x1x16xf32> to vector<16xf32>
      %slice3A_336 = vector.extract_strided_slice %get3A_335 {offsets = [0], sizes = [1], strides = [1]} : vector<16xf32> to vector<1xf32>
      %squeeze3A_337 = vector.extract %slice3A_336[0] : f32 from vector<1xf32>
      %max3A_338 = arith.maximumf %squeeze3A_337, %scan3A_80 : f32
      %min3A_339 = arith.minimumf %max3A_338, %scan3A_81 : f32
      %sub3A_340 = arith.constant 1.000000e+00 : f32
      %sub3A_341 = arith.subf %sub3A_340, %min3A_339 : f32
      %add3A_342 = arith.addf %add3A_274, %sub3A_341 : f32
      %slice3A_343 = vector.extract_strided_slice %get3A_107 {offsets = [14], sizes = [1], strides = [1]} : vector<16xi32> to vector<1xi32>
      %squeeze3A_344 = vector.extract %slice3A_343[0] : i32 from vector<1xi32>
      %add3A_345 = arith.constant 14 : i32
      %add3A_346 = arith.addi %mul3A_109, %add3A_345 : i32
      %get3A_347 = arith.constant 1 : i32
      %get3A_348 = arith.index_cast %get3A_347 : i32 to index
      %get3A_349 = arith.index_cast %add3A_346 : i32 to index
      %get3A_350 = arith.index_cast %squeeze3A_344 : i32 to index
      %get3A_351 = tpu.vector_load %arg6[%get3A_348, %get3A_349, %get3A_350] {strides = array<i32>} : memref<2x256x100xf32, #tpu.memory_space<vmem>>, vector<1x1x16xf32>,
      %get3A_352 = vector.shape_cast %get3A_351 : vector<1x1x16xf32> to vector<16xf32>
      %slice3A_353 = vector.extract_strided_slice %get3A_352 {offsets = [0], sizes = [1], strides = [1]} : vector<16xf32> to vector<1xf32>
      %squeeze3A_354 = vector.extract %slice3A_353[0] : f32 from vector<1xf32>
      %max3A_355 = arith.maximumf %squeeze3A_354, %scan3A_80 : f32
      %min3A_356 = arith.minimumf %max3A_355, %scan3A_81 : f32
      %sub3A_357 = arith.constant 1.000000e+00 : f32
      %sub3A_358 = arith.subf %sub3A_357, %min3A_356 : f32
      %add3A_359 = arith.addf %add3A_291, %sub3A_358 : f32
      %slice3A_360 = vector.extract_strided_slice %get3A_107 {offsets = [15], sizes = [1], strides = [1]} : vector<16xi32> to vector<1xi32>
      %squeeze3A_361 = vector.extract %slice3A_360[0] : i32 from vector<1xi32>
      %add3A_362 = arith.constant 15 : i32
      %add3A_363 = arith.addi %mul3A_109, %add3A_362 : i32
      %get3A_364 = arith.constant 1 : i32
      %get3A_365 = arith.index_cast %get3A_364 : i32 to index
      %get3A_366 = arith.index_cast %add3A_363 : i32 to index
      %get3A_367 = arith.index_cast %squeeze3A_361 : i32 to index
      %get3A_368 = tpu.vector_load %arg6[%get3A_365, %get3A_366, %get3A_367] {strides = array<i32>} : memref<2x256x100xf32, #tpu.memory_space<vmem>>, vector<1x1x16xf32>,
      %get3A_369 = vector.shape_cast %get3A_368 : vector<1x1x16xf32> to vector<16xf32>
      %slice3A_370 = vector.extract_strided_slice %get3A_369 {offsets = [0], sizes = [1], strides = [1]} : vector<16xf32> to vector<1xf32>
      %squeeze3A_371 = vector.extract %slice3A_370[0] : f32 from vector<1xf32>
      %max3A_372 = arith.maximumf %squeeze3A_371, %scan3A_80 : f32
      %min3A_373 = arith.minimumf %max3A_372, %scan3A_81 : f32
      %sub3A_374 = arith.constant 1.000000e+00 : f32
      %sub3A_375 = arith.subf %sub3A_374, %min3A_373 : f32
      %add3A_376 = arith.addf %add3A_308, %sub3A_375 : f32
      scf.yield %add3A_325, %add3A_342, %add3A_359, %add3A_376 : f32, f32, f32, f32
    }
    %scan3A_87 = arith.constant 16 : i32
    %add3A_88 = arith.addf %scan3A_86#0, %scan3A_86#1 : f32
    %add3A_89 = arith.addf %add3A_88, %scan3A_86#2 : f32
    %add3A_90 = arith.addf %add3A_89, %scan3A_86#3 : f32
    %iota3A = tpu.iota {dimensions = array<i32: 0>} : vector<16xi32>
    %eq3A = arith.constant 0 : i32
    %eq3A_91 = vector.broadcast %eq3A : i32 to vector<16xi32>
    %eq3A_92 = arith.cmpi eq, %iota3A, %eq3A_91 : vector<16xi32>
    %jit3A = arith.constant 0.000000e+00 : f32
    %broadcast_in_dim3A = vector.broadcast %add3A_90 : f32 to vector<16xf32>
    %broadcast_in_dim3A_93 = vector.broadcast %jit3A : f32 to vector<16xf32>
    %select_n3A = arith.select %eq3A_92, %broadcast_in_dim3A, %broadcast_in_dim3A_93 : vector<16xi1>, vector<16xf32>
    %swap3A = arith.constant 0 : index
    %swap3A_94 = tpu.vector_load %arg7[%swap3A] {strides = array<i32>} : memref<16xf32, #tpu.memory_space<vmem>>, vector<16xf32>,
    %swap3A_95 = vector.shape_cast %swap3A_94 : vector<16xf32> to vector<16xf32>
    %swap3A_96 = vector.shape_cast %select_n3A : vector<16xf32> to vector<16xf32>
    tpu.vector_store %arg7[%swap3A], %swap3A_96 {strides = array<i32>} : memref<16xf32, #tpu.memory_space<vmem>>, vector<16xf32>,
    "tpu.region"() ({
      %run_scoped3A = tpu.sem_alloc : memref<!tpu.dma_semaphore, #tpu.memory_space<semaphore_mem>>
      %dma_start3A_97 = arith.constant 0 : i32
      %dma_start3A_98 = tpu.memref_slice %arg4[%add3A, %dma_start3A_97] : memref<32x16xf32, #tpu.memory_space<hbm>> -> memref<1x16xf32, #tpu.memory_space<hbm>>
      %dma_start3A_99 = tpu.memref_squeeze %dma_start3A_98 : memref<1x16xf32, #tpu.memory_space<hbm>> -> memref<16xf32, #tpu.memory_space<hbm>>
      %dma_start3A_100 = arith.constant 0 : i32
      %dma_start3A_101 = tpu.memref_slice %arg4[%add3A, %dma_start3A_100] : memref<32x16xf32, #tpu.memory_space<hbm>> -> memref<1x16xf32, #tpu.memory_space<hbm>>
      %dma_start3A_102 = tpu.memref_squeeze %dma_start3A_101 : memref<1x16xf32, #tpu.memory_space<hbm>> -> memref<16xf32, #tpu.memory_space<hbm>>
      tpu.enqueue_dma source(%arg7 : memref<16xf32, #tpu.memory_space<vmem>>) target(%dma_start3A_102 : memref<16xf32, #tpu.memory_space<hbm>>) target_semaphore(%run_scoped3A : memref<!tpu.dma_semaphore, #tpu.memory_space<semaphore_mem>>)
      %dma_wait3A_103 = arith.constant 0 : i32
      %dma_wait3A_104 = tpu.memref_slice %arg4[%add3A, %dma_wait3A_103] : memref<32x16xf32, #tpu.memory_space<hbm>> -> memref<1x16xf32, #tpu.memory_space<hbm>>
      %dma_wait3A_105 = tpu.memref_squeeze %dma_wait3A_104 : memref<1x16xf32, #tpu.memory_space<hbm>> -> memref<16xf32, #tpu.memory_space<hbm>>
      %dma_wait3A_106 = arith.constant 0 : i32
      %dma_wait3A_107 = tpu.memref_slice %arg4[%add3A, %dma_wait3A_106] : memref<32x16xf32, #tpu.memory_space<hbm>> -> memref<1x16xf32, #tpu.memory_space<hbm>>
      %dma_wait3A_108 = tpu.memref_squeeze %dma_wait3A_107 : memref<1x16xf32, #tpu.memory_space<hbm>> -> memref<16xf32, #tpu.memory_space<hbm>>
      tpu.wait_dma2 semaphore(%run_scoped3A : memref<!tpu.dma_semaphore, #tpu.memory_space<semaphore_mem>>) src(%arg7 : memref<16xf32, #tpu.memory_space<vmem>>) dst(%dma_wait3A_108 : memref<16xf32, #tpu.memory_space<hbm>>)
      tpu.yield
    }) : () -> ()
    return
  }
}

</mosaic_0001>

<sc_bundles>
// kernel: kernel.3.cloned.1.call-start
scs
__scs_entry_jumppad:
0x0: {  	(pc) =	sbr.rel $0x88, $3  }
0x1: {  	(tag) =	ssettag $0x0;
	lr =	simm.s32 $0x1  }
0x2: {  	[smem:$0x3F9E] =	sst lr;
	_ =	strace $0xD0000000  }
0x3: {  	_ = 	snop  }
0x4: {  	_ = 	snop  }
0x5: {  	_ = 	snop  }
0x6: {  	_ = 	snop  }
0x7: {  	_ = 	snop  }
__scs_overlays_trampoline_lowered:
0x8: {  	[smem:$0x3FAD] =	sst s0  }
0x9: {  	[smem:$0x3FAE] =	sst s1  }
0xa: {  	[smem:$0x3FAF] =	sst s2  }
0xb: {  	[smem:$0x3FB0] =	sst s3  }
0xc: {  	[smem:$0x3FB1] =	sst s4  }
0xd: {  	[smem:$0x3FB2] =	sst s5  }
0xe: {  	[smem:$0x3FB3] =	sst s6  }
0xf: {  	[smem:$0x3FB4] =	sst s7  }
0x10: {  	[smem:$0x3FB5] =	sst s8  }
0x11: {  	[smem:$0x3FB6] =	sst s9;
	s0 =	simm.s32 @!p0 $0x0  }
0x12: {  	s1 =	sld [smem:$0x3F9C];
	s0 =	simm.s32 @p0 $0x1  }
0x13: {  	[smem:$0x3FB7] =	sst s0;
	s0 =	simm.s32 @!p1 $0x0  }
0x14: {  	s2 =	sld [smem:$0x3F9B];
	s0 =	simm.s32 @p1 $0x1  }
0x15: {  	[smem:$0x3FB8] =	sst s0;
	s0 =	simm.s32 @!p2 $0x0  }
0x16: {  	s3 =	sld [smem:$0x3FDB];
	s0 =	simm.s32 @p2 $0x1  }
0x17: {  	s4 =	simm.s32 $0x1BF5;
	[smem:$0x3FBA] =	sst s0  }
0x18: {  	s0 =	sld [smem:$0x3F9D];
	_ =	swait.ge [sflag:s4], $0x0  }
0x19: {  	s7 =	sld [smem:$0x3F9E]  }
0x1a: {  	s8 =	sadd.s32 $0xFFFFE003, lr  }
0x1b: {  	s9 =	sadd.s32 $0xFFFFFEF7, lr;
	s5 =	simm.s32 $0xFFFFFFFF;
	p2 =	slt.u32 s8, $0xFFFFF086  }
0x1c: {  	p1 =	slt.u32 s9, $0xF7A;
	s5 =	simm.s32 @!p2 $0x0  }
0x1d: {  	s5 =	simm.s32 @p1 $0x1;
	p0 =	seq.s32 s7, s2  }
0x1e: {  	s7 =	smul.u32 @!p0 $0xF7A, s2;
	p2 =	seq.s32 @!p0 s5, $0x0  }
0x1f: {  	s9 =	smul.u32 $0xF7A, s1;
	s8 =	simm.s32 @!p0 $0x1BF5;
	p2 =	por !p2, p0  }
0x20: {  	[sflag:s8] =	ssyncset.s32 @!p0 $0xFFFFF086;
	s6 =	sadd.s32 @!p0 s3, s7;
	s7 =	simm.s32 @!p0 $0x108  }
0x21: {  	s3 =	sadd.s32 s3, s9;
	s6 =	sadd.s32 @!p0 $0x88, s6;
	s7 =	simm.s32 @p2 $0x1082  }
0x22: {  	[simem:s7], [sflag:s8] =	dma.local @!p0 [hbm:s6], $0xF7A  }
0x23: {  	s9 =	sor.u32 $0xD0000000, s2;
	s6 =	simm.s32 $0x108;
	_ =	swait.ge @!p0 [sflag:s8], $0x0  }
0x24: {  	s3 =	sadd.s32 $0x88, s3;
	s6 =	simm.s32 @!p1 $0x1082;
	[sflag:s4] =	ssyncset.s32 $0xFFFFF086  }
0x25: {  	[simem:s6], [sflag:s4] =	dma.local [hbm:s3], $0xF7A  }
0x26: {  	[smem:$0x3F9E] =	sst s1;
	(tag) =	ssettag s2;
	_ =	strace s9  }
0x27: {  	s1 =	sld [smem:$0x3FAE]  }
0x28: {  	s2 =	sld [smem:$0x3FAF]  }
0x29: {  	s4 =	sld [smem:$0x3FB1]  }
0x2a: {  	p0 =	seq.s32 s5, $0x0;
	s5 =	sld [smem:$0x3FB2]  }
0x2b: {  	s6 =	sld [smem:$0x3FB3]  }
0x2c: {  	s7 =	sld [smem:$0x3FB4]  }
0x2d: {  	s3 =	simm.s32 $0x108;
	s8 =	sld [smem:$0x3FB5]  }
0x2e: {  	s3 =	simm.s32 @!p0 $0x1082;
	s9 =	sld [smem:$0x3FB6]  }
0x2f: {  	lr =	sadd.s32 s0, s3;
	s0 =	sld [smem:$0x3FAD]  }
0x30: {  	s3 =	sld [smem:$0x3FB0]  }
0x31: {  	[smem:$0x3FB9] =	sst s10  }
0x32: {  	s10 =	sld [smem:$0x3FB7];
	_ =	sdelay $0x3  }
0x33: {  	p0 =	seq.s32 s10, $0x1;
	s10 =	sld [smem:$0x3FB9];
	_ =	sdelay $0x3  }
0x34: {  	[smem:$0x3FB9] =	sst s10  }
0x35: {  	s10 =	sld [smem:$0x3FB8];
	_ =	sdelay $0x3  }
0x36: {  	p1 =	seq.s32 s10, $0x1;
	s10 =	sld [smem:$0x3FB9];
	_ =	sdelay $0x3  }
0x37: {  	[smem:$0x3FB9] =	sst s10  }
0x38: {  	s10 =	sld [smem:$0x3FBA]  }
0x39: {  	_ = 	snop;
	(pc) =	sbr.ind lr, $3  }
0x3a: {  	_ = 	snop  }
0x3b: {  	_ = 	snop  }
0x3c: {  	p2 =	seq.s32 s10, $0x1;
	s10 =	sld [smem:$0x3FB9]  }
0x3d: {  	_ =	shalt  }
0x3e: {  	_ =	shalt  }
0x3f: {  	_ =	shalt  }
0x40: {  	_ =	shalt  }
0x41: {  	_ =	shalt  }
0x42: {  	_ =	shalt  }
0x43: {  	_ =	shalt  }
0x44: {  	_ =	shalt  }
0x45: {  	_ =	shalt  }
0x46: {  	_ =	shalt  }
0x47: {  	_ =	shalt  }
0x48: {  	_ =	shalt  }
0x49: {  	_ =	shalt  }
0x4a: {  	_ =	shalt  }
0x4b: {  	_ =	shalt  }
0x4c: {  	_ =	shalt  }
0x4d: {  	_ =	shalt  }
0x4e: {  	_ =	shalt  }
0x4f: {  	_ =	shalt  }
0x50: {  	_ =	shalt  }
0x51: {  	_ =	shalt  }
0x52: {  	_ =	shalt  }
0x53: {  	_ =	shalt  }
0x54: {  	_ =	shalt  }
0x55: {  	_ =	shalt  }
0x56: {  	_ =	shalt  }
0x57: {  	_ =	shalt  }
0x58: {  	_ =	shalt  }
0x59: {  	_ =	shalt  }
0x5a: {  	_ =	shalt  }
0x5b: {  	_ =	shalt  }
0x5c: {  	_ =	shalt  }
0x5d: {  	_ =	shalt  }
0x5e: {  	_ =	shalt  }
0x5f: {  	_ =	shalt  }
0x60: {  	_ =	shalt  }
0x61: {  	_ =	shalt  }
0x62: {  	_ =	shalt  }
0x63: {  	_ =	shalt  }
0x64: {  	_ =	shalt  }
0x65: {  	_ =	shalt  }
0x66: {  	_ =	shalt  }
0x67: {  	_ =	shalt  }
0x68: {  	_ =	shalt  }
0x69: {  	_ =	shalt  }
0x6a: {  	_ =	shalt  }
0x6b: {  	_ =	shalt  }
0x6c: {  	_ =	shalt  }
0x6d: {  	_ =	shalt  }
0x6e: {  	_ =	shalt  }
0x6f: {  	_ =	shalt  }
0x70: {  	_ =	shalt  }
0x71: {  	_ =	shalt  }
0x72: {  	_ =	shalt  }
0x73: {  	_ =	shalt  }
0x74: {  	_ =	shalt  }
0x75: {  	_ =	shalt  }
0x76: {  	_ =	shalt  }
0x77: {  	_ =	shalt  }
0x78: {  	_ =	shalt  }
0x79: {  	_ =	shalt  }
0x7a: {  	_ =	shalt  }
0x7b: {  	_ =	shalt  }
0x7c: {  	_ =	shalt  }
0x7d: {  	_ =	shalt  }
0x7e: {  	_ =	shalt  }
0x7f: {  	_ =	shalt  }
0x80: {  	_ =	shalt  }
0x81: {  	_ =	shalt  }
0x82: {  	_ =	shalt  }
0x83: {  	_ =	shalt  }
0x84: {  	_ =	shalt  }
0x85: {  	_ =	shalt  }
0x86: {  	_ =	shalt  }
0x87: {  	_ =	shalt  }
.Lfunc_end0:
.L_simem_size_0:
called_computation_lowered:
.L_overlay_start_0:
0x88: {  	s2 =	sld [smem:$0x3FD9]  }
0x89: {  	s3 =	sld [smem:$0x3FFE];
	_ =	sdelay $0x1  }
0x8a: {  	s1 =	srdreg.scid  }
0x8b: {  	s0 =	sand.u32 $0x1, s1  }
0x8c: {  	s17 =	sshll.u32 s0, $0xA;
	s2 =	sadd.s32 s3, s2  }
0x8d: {  	s2 =	sadd.s32 s2, s17  }
0x8e: {  	[smem:$0x3FC5] =	sst s2  }
0x8f: {  	_ = 	snop  }
0x90: {  	s2 =	sld [smem:$0x3FC9];
	(tm) =	ssettm $0x1  }
0x91: {  	s18 =	sld [smem:$0x3FFB];
	_ =	sdelay $0x3  }
0x92: {  	_ =	strace s18  }
0x93: {  	s3 =	sld [smem:$0x3FFC];
	_ =	sdelay $0x3  }
0x94: {  	_ =	strace s3  }
0x95: {  	s3 =	sld [smem:$0x3FFD];
	_ =	sdelay $0x3  }
0x96: {  	_ =	strace s3  }
0x97: {  	_ =	strace $0x8FFFFFFF  }
0x98: {  	s19 =	sld [smem:$0x3FDB];
	_ =	sdelay $0x1  }
0x99: {  	s4 =	simm.s32 $_scs_section_size  }
0x9a: {  	s5 =	simm.s32 $_size__tile_overlayer_lowered;
	s6 =	simm.s32 $_tile_overlayer_lowered  }
0x9b: {  	s22 =	simm.s32 $0x1BFF;
	s21 =	sshll.u32 s6, $0x1;
	s3 =	sadd.s32 s4, s19  }
0x9c: {  	s7 =	simm.s32 $0x0;
	s20 =	sshll.u32 s5, $0x1;
	s5 =	sadd.s32 s21, s3  }
0x9d: {  	[timem:s7], [sflag:s22] =	dma.local [hbm:s5], s20  }
0x9e: {  	_ =	swait.ge [sflag:s22], s20  }
0x9f: {  	s4 =	ssub.s32 $0x0, s20;
	[sflag:s22] =	ssyncset.done $0x0  }
0xa0: {  	[sflag:s22] =	ssyncadd.s32 s4;
	_ =	sdelay $0x1  }
0xa1: {  	s23 =	simm.s32 $0x1B8B  }
0xa2: {  	_ =	swait.ge [sflag:s23], $0x1  }
0xa3: {  	[sflag:s23] =	ssyncset.done $0x0  }
0xa4: {  	s25 =	simm.s32 $0x1B8E;
	s24 =	sld [smem:$0x3FFE];
	[sflag:s23] =	ssyncadd.s32 $0xFFFFFFFF  }
0xa5: {  	s26 =	simm.s32 $execute0_lowered;
	[smem:$0x3FD2] =	sst s25  }
0xa6: {  	s5 =	sshll.u32 s26, $0x1;
	_ =	strace $0x80000046;
	[dreg:$0x1] =	wrdreg $0xFFFFFFFF  }
0xa7: {  	s28 =	simm.s32 $_size_execute0_lowered;
	s3 =	sadd.s32 s3, s5;
	[dreg:$0x0] =	wrdreg $0x0  }
0xa8: {  	s5 =	sshll.u32 s28, $0x1;
	[dreg:$0x2] =	wrdreg s3  }
0xa9: {  	[dreg:$0x3] =	wrdreg s5  }
0xaa: {  	[dreg:$0x4] =	wrdreg $0xC0  }
0xab: {  	_ =	task [dreg:s7], $0x5FFFF  }
0xac: {  	[dreg:$0x1] =	wrdreg $0xFFFFFFFF  }
0xad: {  	[dreg:$0x0] =	wrdreg $0x60  }
0xae: {  	[dreg:$0x2] =	wrdreg s2  }
0xaf: {  	[dreg:$0x3] =	wrdreg s24  }
0xb0: {  	[dreg:$0x4] =	wrdreg $0x9  }
0xb1: {  	_ =	task.clear_ibuf [dreg:s7], $0x5FFFF;
	_ =	strace $0x90000046  }
0xb2: {  	s29 =	simm.s32 $0x9;
	_ =	strace $0x80000048  }
0xb3: {  	_ =	swait.ge [sflag:s29], $0x1  }
0xb4: {  	[sflag:s29] =	ssyncadd.s32 $0xFFFFFFFF  }
0xb5: {  	_ =	strace $0x90000048  }
0xb6: {  	_ =	sfence  }
0xb7: {  	s30 =	sld [smem:$0x0];
	_ =	sdelay $0x2  }
0xb8: {  	s31 =	sshll.u32 s1, $0xD;
	s1 =	sshrl.u32 s1, $0x2  }
0xb9: {  	s3 =	sand.u32 $0x4000, s31;
	s1 =	sadd.s32 s1, s30  }
0xba: {  	s0 =	sor.u32 s3, s0;
	s1 =	sshll.u32 s1, $0x11  }
0xbb: {  	s0 =	sor.u32 s1, s0  }
0xbc: {  	s0 =	sadd.s32 $0x8F2B, s0  }
0xbd: {  	[sflag:s0] =	ssyncadd.remote.s32 $0x1  }
0xbe: {  	_ =	sfence.sel $0xFFFF  }
0xbf: {  	[dreg:$0x0] =	wrdreg $0xFFFFFFFF;
	(pc) =	sbr.abs _section_cstart, $3  }
0xc0: {  	[dreg:$0x1] =	wrdreg $0xFFFFFFFF  }
0xc1: {  	_ =	task.clear_ibuf [dreg:s7], $0x2FFFF;
	_ =	strace $0x9FFFFFFF  }
0xc2: {  	(tm) =	ssettm $0x7FFFFFFF  }
0xc3: {  	_ =	shalt  }
tec
execute0_lowered:
.L_overlay_start_1:
0x0: {  	(tag) =	ssettag $0x1  }
0x1: {  	s1 =	srdreg.scid;
	s2 =	stileid.u32  }
0x2: {  	s0 =	rddreg [dreg:$0x0];
	s1 =	sand.u32 $0x1, s1;
	s3 =	sshll.u32 s2, $0x1  }
0x3: {  	s7 =	rddreg [dreg:$0x1];
	s8 =	simm.s32 $0x0;
	s3 =	sor.u32 s1, s3  }
0x4: {  	[smem:$0x7FF] =	sst s8;
	s4 =	sshll.u32 s3, $0x4  }
0x5: {  	s24 =	sshll.u32 s3, $0x11;
	s25 =	sshll.u32 s3, $0xD;
	s3 =	sshll.u32 s3, $0xA  }
0x6: {  	_ =	strace $0x80000047;
	s0 =	sadd.s32 s0, s3;
	[dreg:$0x4] =	wrdreg s25  }
0x7: {  	s1 =	ssub.s32 $0x2, s1;
	s28 =	sor.u32 $0x200, s25;
	[dreg:$0x6] =	wrdreg s0  }
0x8: {  	s5 =	sshrl.u32 s1, $0x1;
	s26 =	sadd.s32 s7, s24;
	[dreg:$0x7] =	wrdreg s28  }
0x9: {  	s6 =	sadd.s32 s4, s7;
	[dreg:$0x5] =	wrdreg s26;
	s29 =	sadd.s32 $0x1F000, s26  }
0xa: {  	s1 =	ssub.s32 s1, s5;
	s30 =	sadd.s32 $0x400000, s6;
	[dreg:$0x8] =	wrdreg s29  }
0xb: {  	s31 =	smax.u32 s1, $0x1;
	[dreg:$0x9] =	wrdreg s30  }
0xc: {  	vm0 =	vcmask $0x300;
	s2 =	simm.s32 $0x0;
	s1 =	simm.s32 $0x3;
	[dreg:$0xa] =	wrdreg s31  }
.LBB2_1:
0xd: {  	[dreg:$0xb] =	wrdreg s2  }
0xe: {  	s0 =	rddreg [dreg:$0x6];
	s31 =	simm.s32 $0x2000  }
0xf: {  	[tilespmem:s8], [sflag:$0x3] =	stream.linear.gather [hbm4b:s0+s8], $0x2000, $0x38;
	[tilespmem:$0x12080] =	vst v63  }
0x10: {  	s22 =	simm.f32 $0.0e+00;
	s19 =	simm.f32 $0.0e+00;
	_ =	swait.ge [sflag:s1], $0x2000  }
0x11: {  	s23 =	simm.f32 $0.0e+00;
	s21 =	simm.f32 $0.0e+00;
	[sflag:s1] =	ssyncset.done $0x0  }
0x12: {  	s18 =	simm.s32 $0x0;
	s30 =	rddreg [dreg:$0x5];
	[sflag:s1] =	ssyncadd.s32 $0xFFFFE000  }
0x13: {  	[tilespmem:s31], [sflag:$0x1] =	stream.linear.gather [hbm4b:s30+s8], $0x8000, $0x38;
	[tilespmem:$0x12080] =	vst v63  }
.LBB2_2:
0x14: {  	s24 =	sshll.u32 s18, $0x9  }
0x15: {  	s0 =	rddreg [dreg:$0x4];
	s20 =	sor.u32 $0x100, s24  }
0x16: {  	s1 =	rddreg [dreg:$0x1];
	s0 =	sadd.s32 s0, s20  }
0x17: {  	s17 =	simm.s32 $0x0;
	s2 =	simm.s32 $0xA000;
	s0 =	sshll.u32 s0, $0x4  }
0x18: {  	s25 =	simm.s32 $0x1;
	s26 =	sand.u32 $0x3FFFFE00, s24;
	s0 =	sadd.s32 s1, s0  }
0x19: {  	[tilespmem:s2], [sflag:$0x2] =	stream.linear.gather [hbm4b:s0+s17], $0x8000, $0x38;
	[tilespmem:$0x12080] =	vst v63  }
0x1a: {  	_ =	swait.ge [sflag:s25], $0x8000;
	[dreg:$0x3] =	wrdreg s26  }
0x1b: {  	s3 =	sand.u32 $0x80, s17;
	s0 =	rddreg [dreg:$0x3]  }
0x1c: {  	s1 =	sand.u32 $0x70, s17;
	[sflag:s25] =	ssyncset.done $0x0;
	s0 =	sadd.s32 s3, s0  }
0x1d: {  	[sflag:s25] =	ssyncadd.s32 $0xFFFF8000;
	s0 =	sadd.s32 s1, s0  }
0x1e: {  	v0 =	vld [tilespmem:s0+$0x0];
	_ =	sdelay $0x4  }
0x1f: {  	(v2sf) =	vpush v0, $0xE  }
0x20: {  	(v2sf) =	vpush v0, $0xF  }
0x21: {  	(v2sf) =	vpush v0, $0xB  }
0x22: {  	(v2sf) =	vpush v0, $0x3;
	_ =	sdelay $0x1  }
0x23: {  	(v2sf) =	vpush v0, $0x2;
	_ =	sdelay $0x1  }
0x24: {  	(v2sf) =	vpush v0, $0x1;
	_ =	sdelay $0x1  }
0x25: {  	(v2sf) =	vpush v0, $0x0;
	_ =	sdelay $0x1  }
0x26: {  	(v2sf) =	vpush v0, $0x4;
	_ =	sdelay $0x1  }
0x27: {  	(v2sf) =	vpush v0, $0x5  }
0x28: {  	(v2sf) =	vpush v0, $0x6  }
0x29: {  	s28 =	simm.s32 $0x0;
	s3 =	spop (v2sf)  }
0x2a: {  	s26 =	simm.s32 $0x10;
	s25 =	simm.s32 $0x2000;
	(v2sf) =	vpush v0, $0x7;
	s4 =	spop (v2sf)  }
0x2b: {  	s0 =	sand.u32 $0x7F, s3;
	s1 =	sshll.u32 s3, $0x2;
	s5 =	spop (v2sf)  }
0x2c: {  	s10 =	sand.u32 $0x7F, s4;
	s3 =	sshll.u32 s4, $0x2;
	s9 =	spop (v2sf)  }
0x2d: {  	s8 =	sshll.u32 s5, $0x2;
	s10 =	sshll.u32 s10, $0x2;
	s5 =	sand.u32 $0x7F, s5  }
0x2e: {  	s3 =	sand.u32 $0xFFFFFE00, s3;
	s6 =	spop (v2sf);
	s16 =	sand.u32 $0xFFFFFE00, s8  }
0x2f: {  	s30 =	sshll.u32 s9, $0x2;
	s8 =	sand.u32 $0xFFFFFE00, s1;
	s9 =	sand.u32 $0x7F, s9  }
0x30: {  	(v2sf) =	vpush v0, $0xA;
	s5 =	sshll.u32 s5, $0x2;
	s3 =	sor.u32 s10, s3;
	s29 =	spop (v2sf)  }
0x31: {  	(v2sf) =	vpush v0, $0x9;
	s30 =	sand.u32 $0xFFFFFE00, s30;
	s9 =	sshll.u32 s9, $0x2;
	s5 =	sor.u32 s5, s16  }
0x32: {  	s3 =	sshra.s32 s3, $0x2;
	s31 =	sshll.u32 s29, $0x2;
	s11 =	spop (v2sf)  }
0x33: {  	s29 =	sand.u32 $0x7F, s29;
	s9 =	sor.u32 s9, s30;
	s3 =	sadd.s32 $0x0, s3  }
0x34: {  	s31 =	sand.u32 $0xFFFFFE00, s31;
	s1 =	sand.u32 $0x7F, s11;
	s17 =	spop (v2sf)  }
0x35: {  	s29 =	sshll.u32 s29, $0x2;
	s11 =	sshll.u32 s11, $0x2;
	s9 =	sshra.s32 s9, $0x2  }
0x36: {  	s12 =	spop (v2sf);
	s13 =	sor.u32 s29, s31;
	s9 =	sadd.s32 $0x0, s9  }
0x37: {  	s29 =	spop (v2sf);
	s7 =	sshll.u32 s12, $0x2;
	s12 =	sand.u32 $0x7F, s12  }
0x38: {  	s13 =	sshra.s32 s13, $0x2;
	s30 =	sand.u32 $0x7F, s29;
	s29 =	sshll.u32 s29, $0x2  }
0x39: {  	(v2sf) =	vpush v0, $0x8;
	s31 =	spop (v2sf);
	s29 =	sand.u32 $0xFFFFFE00, s29;
	s30 =	sshll.u32 s30, $0x2  }
0x3a: {  	s30 =	sor.u32 s30, s29;
	s29 =	sand.u32 $0x7F, s31;
	s31 =	sshll.u32 s31, $0x2  }
0x3b: {  	(v2sf) =	vpush v0, $0xD;
	s12 =	sshll.u32 s12, $0x2;
	s31 =	sand.u32 $0xFFFFFE00, s31;
	s29 =	sshll.u32 s29, $0x2  }
0x3c: {  	s2 =	sor.u32 s29, s31;
	s29 =	sand.u32 $0x7F, s17;
	s17 =	sshll.u32 s17, $0x2  }
0x3d: {  	s13 =	sadd.s32 $0x0, s13;
	s29 =	sshll.u32 s29, $0x2;
	s17 =	sand.u32 $0xFFFFFE00, s17  }
0x3e: {  	s2 =	sshra.s32 s2, $0x2;
	s29 =	sor.u32 s29, s17;
	s17 =	sand.u32 $0xFFFFFE00, s7  }
0x3f: {  	s7 =	sand.u32 $0x7F, s6;
	s31 =	sor.u32 s12, s17;
	s14 =	spop (v2sf)  }
0x40: {  	s15 =	spop (v2sf);
	s4 =	sand.u32 $0x7F, s14;
	s16 =	sshll.u32 s14, $0x2  }
0x41: {  	v1 =	vld [tilespmem:s13+$0x2080];
	s14 =	sshra.s32 s30, $0x2;
	s30 =	sshll.u32 s1, $0x2;
	s1 =	sand.u32 $0xFFFFFE00, s11  }
0x42: {  	s17 =	sand.u32 $0x7F, s15;
	s12 =	sshll.u32 s15, $0x2;
	s16 =	sand.u32 $0xFFFFFE00, s16  }
0x43: {  	v2 =	vld [tilespmem:s9+$0x2180];
	s12 =	sand.u32 $0xFFFFFE00, s12;
	s10 =	sshll.u32 s17, $0x2;
	s17 =	sadd.s32 $0x0, s14  }
0x44: {  	s10 =	sor.u32 s10, s12;
	s12 =	sshll.u32 s4, $0x2;
	v3 =	vld [tilespmem:s17+$0x2300];
	s4 =	sadd.s32 $0x0, s2  }
0x45: {  	s15 =	sshll.u32 s0, $0x2;
	s0 =	sshll.u32 s7, $0x2;
	s7 =	sshra.s32 s5, $0x2;
	v4 =	vld [tilespmem:s4+$0x2380]  }
0x46: {  	(v2sf) =	vpush v1, $0x0;
	s5 =	sor.u32 s15, s8;
	s15 =	sshll.u32 s6, $0x2;
	s2 =	sadd.s32 $0x0, s7  }
0x47: {  	(v2sf) =	vpush v0, $0xC;
	s8 =	sand.u32 $0xFFFFFE00, s15;
	s12 =	sor.u32 s12, s16;
	s10 =	sshra.s32 s10, $0x2  }
0x48: {  	v0 =	vld [tilespmem:s3+$0x2780];
	(v2sf) =	vpush v2, $0x0;
	s11 =	sshra.s32 s12, $0x2;
	s12 =	spop (v2sf);
	s10 =	sadd.s32 $0x0, s10  }
0x49: {  	v1 =	vld [tilespmem:s2+$0x2580];
	s13 =	sand.u32 $0x7F, s12;
	s14 =	sadd.s32 $0x0, s11;
	s17 =	sshll.u32 s12, $0x2;
	(v2sf) =	vpush v3, $0x0  }
0x4a: {  	s9 =	spop (v2sf);
	s16 =	sshll.u32 s13, $0x2;
	v2 =	vld [tilespmem:s14+$0x2500];
	s3 =	sand.u32 $0xFFFFFE00, s17;
	(v2sf) =	vpush v4, $0x0  }
.LBB2_3:
0x4b: {  	_ =	sdelay $0x8  }
0x4c: {  	s3 =	sor.u32 s16, s3  }
0x4d: {  	s1 =	sor.u32 s30, s1;
	s3 =	sshra.s32 s3, $0x2;
	s2 =	spop (v2sf);
	(v2sf) =	vpush v1, $0x0;
	v1 =	vld [tilespmem:s10+$0x2480]  }
0x4e: {  	s1 =	sshra.s32 s1, $0x2;
	s3 =	sadd.s32 s28, s3  }
0x4f: {  	s5 =	sshra.s32 s5, $0x2;
	s1 =	sadd.s32 s28, s1;
	(v2sf) =	vpush v2, $0x0;
	v2 =	vld [tilespmem:s3+$0x2400]  }
0x50: {  	s6 =	rddreg [dreg:$0x3];
	s17 =	sshll.u32 s9, $0x2;
	s5 =	sadd.s32 s28, s5;
	v3 =	vld [tilespmem:s1+$0x2000]  }
0x51: {  	s4 =	sand.u32 $0x7F, s9;
	s0 =	sor.u32 s0, s8;
	v4 =	vld [tilespmem:s5+$0x2700];
	s11 =	spop (v2sf)  }
0x52: {  	s0 =	sshra.s32 s0, $0x2;
	s2 =	smax.f32 s2, $9.999999970e-07;
	s7 =	spop (v2sf);
	(v2sf) =	vpush v1, $0x0  }
0x53: {  	s1 =	sshll.u32 s4, $0x2;
	s2 =	smin.f32 s2, $9.999989860e-01;
	s9 =	smax.f32 s7, $9.999999970e-07  }
0x54: {  	s3 =	sand.u32 $0xFFFFFE00, s17;
	s8 =	smin.f32 s9, $9.999989860e-01;
	s9 =	spop (v2sf);
	(v2sf) =	vpush v2, $0x0  }
0x55: {  	s0 =	sadd.s32 s28, s0;
	s3 =	sor.u32 s1, s3;
	s2 =	ssub.f32 $1.000000000e+00, s2;
	(v2sf) =	vpush v3, $0x0  }
0x56: {  	s16 =	sshra.s32 s31, $0x2;
	s3 =	sshra.s32 s3, $0x2;
	v1 =	vld [tilespmem:s0+$0x2100];
	s13 =	spop (v2sf);
	(v2sf) =	vpush v4, $0x0  }
0x57: {  	s16 =	sadd.s32 s28, s16;
	s3 =	sadd.s32 s28, s3;
	s1 =	sadd.f32 s2, s23  }
0x58: {  	s12 =	sshll.u32 s11, $0x2;
	s11 =	sand.u32 $0x7F, s11;
	s2 =	ssub.f32 $1.000000000e+00, s8;
	v2 =	vld [tilespmem:s3+$0x2680];
	(v2sf) =	vpush v0, $0x0  }
0x59: {  	s12 =	sand.u32 $0xFFFFFE00, s12;
	s0 =	sshll.u32 s11, $0x2;
	s8 =	smax.f32 s13, $9.999999970e-07  }
0x5a: {  	s0 =	sor.u32 s0, s12;
	s17 =	smin.f32 s8, $9.999989860e-01;
	s2 =	sadd.f32 s2, s22  }
0x5b: {  	s5 =	smax.f32 s9, $9.999999970e-07;
	s0 =	sshra.s32 s0, $0x2;
	s3 =	ssub.f32 $1.000000000e+00, s17;
	v0 =	vld [tilespmem:s16+$0x2280];
	(v2sf) =	vpush v1, $0x0  }
0x5c: {  	s5 =	smin.f32 s5, $9.999989860e-01;
	s0 =	sadd.s32 s28, s0;
	s23 =	spop (v2sf)  }
0x5d: {  	v62 =	vld [tilespmem:s0+$0x2600];
	s2 =	sadd.f32 s3, s2;
	(v2sf) =	vpush v2, $0x0;
	s0 =	smax.f32 s23, $9.999999970e-07  }
0x5e: {  	s7 =	spop (v2sf);
	s4 =	smin.f32 s0, $9.999989860e-01  }
0x5f: {  	s14 =	sshra.s32 s29, $0x2;
	s0 =	ssub.f32 $1.000000000e+00, s5;
	s10 =	smax.f32 s7, $9.999999970e-07  }
0x60: {  	s15 =	sadd.s32 s28, s14;
	(v2sf) =	vpush v0, $0x0;
	s5 =	smin.f32 s10, $9.999989860e-01;
	s8 =	ssub.f32 $1.000000000e+00, s4  }
0x61: {  	s12 =	sand.u32 $0x80, s26;
	s22 =	ssub.f32 $1.000000000e+00, s5;
	s11 =	spop (v2sf)  }
0x62: {  	s13 =	sand.u32 $0x70, s26;
	v3 =	vld [tilespmem:s15+$0x2200];
	s23 =	sadd.f32 s8, s2;
	s9 =	smax.f32 s11, $9.999999970e-07  }
0x63: {  	s6 =	sadd.s32 s12, s6;
	(v2sf) =	vpush v62, $0x0;
	s16 =	spop (v2sf);
	s15 =	smin.f32 s9, $9.999989860e-01  }
0x64: {  	s14 =	sadd.s32 s13, s6;
	s17 =	spop (v2sf);
	s10 =	smax.f32 s16, $9.999999970e-07  }
0x65: {  	v0 =	vld [tilespmem:s14+$0x0];
	s4 =	spop (v2sf);
	s7 =	ssub.f32 $1.000000000e+00, s15  }
0x66: {  	s3 =	smax.f32 s17, $9.999999970e-07;
	s10 =	smin.f32 s10, $9.999989860e-01  }
0x67: {  	(v2sf) =	vpush v3, $0x0;
	s5 =	smax.f32 s4, $9.999999970e-07;
	s9 =	spop (v2sf)  }
0x68: {  	s3 =	smin.f32 s3, $9.999989860e-01;
	s10 =	ssub.f32 $1.000000000e+00, s10  }
0x69: {  	s2 =	smin.f32 s5, $9.999989860e-01;
	s6 =	smax.f32 s9, $9.999999970e-07  }
0x6a: {  	(v2sf) =	vpush v0, $0xE;
	s11 =	spop (v2sf);
	s3 =	ssub.f32 $1.000000000e+00, s3  }
0x6b: {  	(v2sf) =	vpush v0, $0xF;
	s6 =	smin.f32 s6, $9.999989860e-01;
	s29 =	ssub.f32 $1.000000000e+00, s2  }
0x6c: {  	s13 =	smax.f32 s11, $9.999999970e-07;
	s12 =	spop (v2sf);
	(v2sf) =	vpush v0, $0xB  }
0x6d: {  	s8 =	ssub.f32 $1.000000000e+00, s6;
	s6 =	smin.f32 s13, $9.999989860e-01;
	(v2sf) =	vpush v0, $0x3  }
0x6e: {  	s6 =	ssub.f32 $1.000000000e+00, s6;
	(v2sf) =	vpush v0, $0x2  }
0x6f: {  	s3 =	sadd.f32 s3, s21;
	s14 =	spop (v2sf);
	(v2sf) =	vpush v0, $0x1  }
0x70: {  	s6 =	sadd.f32 s6, s19;
	s2 =	smax.f32 s12, $9.999999970e-07  }
0x71: {  	s2 =	smin.f32 s2, $9.999989860e-01;
	s9 =	smax.f32 s14, $9.999999970e-07  }
0x72: {  	s15 =	spop (v2sf);
	s0 =	sadd.f32 s0, s6  }
0x73: {  	s9 =	smin.f32 s9, $9.999989860e-01;
	s2 =	ssub.f32 $1.000000000e+00, s2;
	(v2sf) =	vpush v0, $0x0  }
0x74: {  	s11 =	smax.f32 s15, $9.999999970e-07;
	s16 =	ssub.f32 $1.000000000e+00, s9  }
0x75: {  	s9 =	smin.f32 s11, $9.999989860e-01;
	s0 =	sadd.f32 s22, s0  }
0x76: {  	s30 =	smov.u32 s25;
	s17 =	spop (v2sf);
	s1 =	sadd.f32 s16, s1  }
0x77: {  	p0 =	sne.s32 s25, $0x1E000;
	s22 =	sadd.f32 s8, s23;
	s11 =	smax.f32 s17, $9.999999970e-07  }
0x78: {  	s25 =	sadd.s32 $0x2000, s25;
	(v2sf) =	vpush v0, $0x4;
	s11 =	smin.f32 s11, $9.999989860e-01;
	s5 =	sadd.f32 s7, s1  }
0x79: {  	s26 =	sadd.s32 $0x10, s26;
	(v2sf) =	vpush v0, $0x5;
	s4 =	ssub.f32 $1.000000000e+00, s11;
	s7 =	spop (v2sf)  }
0x7a: {  	s28 =	sshra.s32 s30, $0x2;
	s9 =	ssub.f32 $1.000000000e+00, s9;
	s13 =	spop (v2sf)  }
0x7b: {  	s12 =	sand.u32 $0x7F, s7;
	(v2sf) =	vpush v0, $0x6;
	s1 =	sadd.f32 s4, s3;
	s21 =	spop (v2sf)  }
0x7c: {  	s4 =	sshll.u32 s7, $0x2;
	s23 =	sadd.f32 s2, s5;
	s19 =	spop (v2sf)  }
0x7d: {  	s17 =	sand.u32 $0x7F, s13;
	s6 =	sand.u32 $0xFFFFFE00, s4;
	s16 =	spop (v2sf)  }
0x7e: {  	s8 =	sshll.u32 s12, $0x2;
	s14 =	sshll.u32 s21, $0x2;
	s7 =	spop (v2sf);
	(v2sf) =	vpush v0, $0x7  }
0x7f: {  	s5 =	sand.u32 $0x7F, s21;
	s31 =	sand.u32 $0xFFFFFE00, s14;
	s14 =	sadd.f32 s10, s1  }
0x80: {  	s15 =	sshll.u32 s19, $0x2;
	s10 =	sand.u32 $0x7F, s19;
	s19 =	sadd.f32 s29, s0  }
0x81: {  	s5 =	sshll.u32 s5, $0x2;
	s3 =	sand.u32 $0xFFFFFE00, s15;
	s15 =	sand.u32 $0x7F, s16  }
0x82: {  	s30 =	sshll.u32 s7, $0x2;
	s4 =	spop (v2sf);
	s11 =	sand.u32 $0x7F, s7;
	(v2sf) =	vpush v0, $0xA  }
0x83: {  	s0 =	sshll.u32 s15, $0x2;
	s7 =	sand.u32 $0xFFFFFE00, s30;
	s1 =	sand.u32 $0x7F, s4  }
0x84: {  	s4 =	sshll.u32 s4, $0x2;
	s11 =	sshll.u32 s11, $0x2;
	(v2sf) =	vpush v0, $0x9;
	s30 =	sshll.u32 s1, $0x2  }
0x85: {  	s7 =	sor.u32 s11, s7;
	s1 =	sand.u32 $0xFFFFFE00, s4;
	s4 =	sshll.u32 s10, $0x2  }
0x86: {  	s10 =	sshll.u32 s17, $0x2;
	s12 =	sshra.s32 s7, $0x2;
	s7 =	sshll.u32 s13, $0x2  }
0x87: {  	s13 =	spop (v2sf);
	s4 =	sor.u32 s4, s3;
	s2 =	sadd.s32 s28, s12  }
0x88: {  	s17 =	sand.u32 $0x7F, s13;
	s21 =	spop (v2sf);
	s11 =	sshll.u32 s13, $0x2  }
0x89: {  	s12 =	sshll.u32 s17, $0x2;
	s15 =	sshll.u32 s21, $0x2;
	s13 =	sand.u32 $0x7F, s21  }
0x8a: {  	v1 =	vld [tilespmem:s2+$0x2080];
	s21 =	sadd.f32 s9, s14;
	s2 =	sshra.s32 s4, $0x2;
	s17 =	spop (v2sf);
	(v2sf) =	vpush v0, $0x8  }
0x8b: {  	s9 =	sand.u32 $0xFFFFFE00, s11;
	s3 =	sand.u32 $0xFFFFFE00, s15;
	s13 =	sshll.u32 s13, $0x2  }
0x8c: {  	s2 =	sadd.s32 s28, s2;
	s15 =	sand.u32 $0x7F, s17;
	s4 =	sshll.u32 s17, $0x2  }
0x8d: {  	s4 =	sand.u32 $0xFFFFFE00, s4;
	s11 =	sshll.u32 s15, $0x2;
	s17 =	spop (v2sf);
	(v2sf) =	vpush v0, $0xD  }
0x8e: {  	s29 =	sor.u32 s12, s9;
	s12 =	sor.u32 s5, s31;
	s11 =	sor.u32 s11, s4  }
0x8f: {  	v2 =	vld [tilespmem:s2+$0x2180];
	s31 =	sor.u32 s13, s3;
	s14 =	sshra.s32 s12, $0x2;
	s2 =	sshra.s32 s11, $0x2  }
0x90: {  	s2 =	sadd.s32 s28, s2;
	s15 =	sand.u32 $0x7F, s17;
	s17 =	sshll.u32 s17, $0x2  }
0x91: {  	s5 =	spop (v2sf);
	s11 =	sand.u32 $0xFFFFFE00, s17;
	s4 =	sshll.u32 s15, $0x2  }
0x92: {  	s15 =	sadd.s32 s28, s14;
	s17 =	sand.u32 $0xFFFFFE00, s7;
	s7 =	sand.u32 $0x7F, s5  }
0x93: {  	s9 =	spop (v2sf);
	s4 =	sor.u32 s4, s11;
	s3 =	sor.u32 s10, s17  }
0x94: {  	s17 =	sshll.u32 s16, $0x2;
	s11 =	sshra.s32 s4, $0x2;
	s4 =	sshll.u32 s5, $0x2  }
0x95: {  	v3 =	vld [tilespmem:s2+$0x2300];
	s5 =	sshll.u32 s7, $0x2;
	s3 =	sshra.s32 s3, $0x2;
	s2 =	sadd.s32 s28, s11  }
0x96: {  	s11 =	sand.u32 $0x7F, s9;
	s4 =	sand.u32 $0xFFFFFE00, s4;
	s3 =	sadd.s32 s28, s3  }
0x97: {  	v63 =	vld [tilespmem:s2+$0x2380];
	s2 =	sshll.u32 s9, $0x2;
	s7 =	sshll.u32 s11, $0x2;
	s4 =	sor.u32 s5, s4  }
.Ltmp0:
0x98: {  	(v2sf) =	vpush v1, $0x0;
	s5 =	sor.u32 s8, s6;
	s8 =	sand.u32 $0xFFFFFE00, s17;
	(pc) =	sbr.rel @p0 .LBB2_3-.Ltmp0, $4  }
0x99: {  	(v2sf) =	vpush v0, $0xC;
	s2 =	sand.u32 $0xFFFFFE00, s2;
	s12 =	sshra.s32 s4, $0x2;
	s13 =	spop (v2sf)  }
0x9a: {  	(v2sf) =	vpush v2, $0x0;
	v1 =	vld [tilespmem:s15+$0x2580];
	s2 =	sor.u32 s7, s2;
	s14 =	sand.u32 $0x7F, s13;
	s15 =	sadd.s32 s28, s12  }
0x9b: {  	(v2sf) =	vpush v3, $0x0;
	v0 =	vld [tilespmem:s3+$0x2780];
	s4 =	sshll.u32 s13, $0x2;
	s2 =	sshra.s32 s2, $0x2;
	s16 =	sshll.u32 s14, $0x2  }
0x9c: {  	v2 =	vld [tilespmem:s15+$0x2500];
	s3 =	sand.u32 $0xFFFFFE00, s4;
	s10 =	sadd.s32 s28, s2;
	(v2sf) =	vpush v63, $0x0;
	s9 =	spop (v2sf)  }
0x9d: {  	_ =	sdelay $0x5  }
0x9e: {  	v3 =	vld [tilespmem:s10+$0x2480]  }
0x9f: {  	(v2sf) =	vpush v1, $0x0  }
0xa0: {  	s1 =	sor.u32 s30, s1;
	s2 =	sor.u32 s16, s3  }
0xa1: {  	s4 =	sshra.s32 s5, $0x2;
	s10 =	sshll.u32 s9, $0x2;
	s7 =	sand.u32 $0x7F, s9  }
0xa2: {  	s0 =	sor.u32 s0, s8;
	s2 =	sshra.s32 s2, $0x2;
	s3 =	spop (v2sf);
	(v2sf) =	vpush v2, $0x0  }
0xa3: {  	s16 =	sshra.s32 s31, $0x2;
	s1 =	sshra.s32 s1, $0x2;
	s2 =	sadd.s32 s28, s2;
	(v2sf) =	vpush v3, $0x0  }
0xa4: {  	s26 =	sshra.s32 s29, $0x2;
	s11 =	sand.u32 $0xFFFFFE00, s10;
	s1 =	sadd.s32 s28, s1;
	v1 =	vld [tilespmem:s2+$0x2400]  }
0xa5: {  	s7 =	sshll.u32 s7, $0x2;
	s13 =	sadd.s32 s28, s4;
	s0 =	sshra.s32 s0, $0x2;
	v2 =	vld [tilespmem:s1+$0x2000]  }
0xa6: {  	s25 =	sadd.s32 s28, s16;
	s0 =	sadd.s32 s28, s0;
	s6 =	spop (v2sf);
	v3 =	vld [tilespmem:s13+$0x2700]  }
0xa7: {  	s2 =	sor.u32 s7, s11;
	s12 =	sshll.u32 s6, $0x2;
	s15 =	sand.u32 $0x7F, s6  }
0xa8: {  	s2 =	sshra.s32 s2, $0x2;
	s14 =	sand.u32 $0xFFFFFE00, s12;
	s1 =	sshll.u32 s15, $0x2  }
0xa9: {  	v4 =	vld [tilespmem:s0+$0x2100];
	s17 =	sadd.s32 s28, s2;
	(v2sf) =	vpush v1, $0x0;
	s7 =	spop (v2sf);
	s1 =	sor.u32 s1, s14  }
0xaa: {  	s5 =	smax.f32 s3, $9.999999970e-07;
	v1 =	vld [tilespmem:s17+$0x2680];
	s8 =	spop (v2sf);
	s1 =	sshra.s32 s1, $0x2;
	(v2sf) =	vpush v2, $0x0  }
0xab: {  	s6 =	smin.f32 s5, $9.999989860e-01;
	s9 =	spop (v2sf);
	v2 =	vld [tilespmem:s25+$0x2280];
	s4 =	sadd.s32 s28, s1;
	(v2sf) =	vpush v3, $0x0  }
0xac: {  	s2 =	sadd.s32 s28, s26;
	s0 =	ssub.f32 $1.000000000e+00, s6;
	s3 =	smax.f32 s9, $9.999999970e-07;
	v3 =	vld [tilespmem:s4+$0x2600]  }
0xad: {  	s1 =	smax.f32 s7, $9.999999970e-07;
	s3 =	smin.f32 s3, $9.999989860e-01;
	(v2sf) =	vpush v0, $0x0;
	v0 =	vld [tilespmem:s2+$0x2200]  }
0xae: {  	s4 =	sadd.f32 s0, s23;
	s10 =	spop (v2sf);
	(v2sf) =	vpush v4, $0x0  }
0xaf: {  	s1 =	smin.f32 s1, $9.999989860e-01;
	s3 =	ssub.f32 $1.000000000e+00, s3;
	(v2sf) =	vpush v1, $0x0  }
0xb0: {  	s1 =	ssub.f32 $1.000000000e+00, s1;
	s0 =	smax.f32 s10, $9.999999970e-07;
	(v2sf) =	vpush v2, $0x0  }
0xb1: {  	s13 =	smin.f32 s0, $9.999989860e-01;
	s11 =	spop (v2sf);
	(v2sf) =	vpush v3, $0x0  }
0xb2: {  	s1 =	sadd.f32 s1, s22;
	s12 =	spop (v2sf);
	(v2sf) =	vpush v0, $0x0  }
0xb3: {  	s2 =	smax.f32 s8, $9.999999970e-07;
	s16 =	ssub.f32 $1.000000000e+00, s13  }
0xb4: {  	s2 =	smin.f32 s2, $9.999989860e-01;
	s1 =	sadd.f32 s3, s1  }
0xb5: {  	s0 =	ssub.f32 $1.000000000e+00, s2  }
0xb6: {  	s26 =	simm.s32 $0x2000;
	s1 =	sadd.f32 s16, s1  }
0xb7: {  	s25 =	simm.s32 $0x0;
	s15 =	smax.f32 s12, $9.999999970e-07;
	s12 =	rddreg [dreg:$0x7]  }
0xb8: {  	s7 =	spop (v2sf);
	s5 =	smin.f32 s15, $9.999989860e-01;
	s12 =	sadd.s32 s24, s12  }
0xb9: {  	s15 =	rddreg [dreg:$0x1];
	s12 =	sshll.u32 s12, $0x4;
	s3 =	spop (v2sf)  }
0xba: {  	s14 =	smax.f32 s11, $9.999999970e-07;
	s12 =	sadd.s32 s15, s12;
	s17 =	spop (v2sf)  }
0xbb: {  	[tilespmem:s26], [sflag:$0x1] =	stream.linear.gather [hbm4b:s12+s25], $0x8000, $0x38;
	[tilespmem:$0x12080] =	vst v63  }
0xbc: {  	s2 =	smin.f32 s14, $9.999989860e-01;
	s22 =	spop (v2sf)  }
0xbd: {  	s2 =	ssub.f32 $1.000000000e+00, s2;
	s10 =	spop (v2sf)  }
0xbe: {  	s7 =	smax.f32 s7, $9.999999970e-07;
	s23 =	spop (v2sf)  }
0xbf: {  	s5 =	ssub.f32 $1.000000000e+00, s5;
	s11 =	spop (v2sf)  }
0xc0: {  	s7 =	smin.f32 s7, $9.999989860e-01;
	s13 =	spop (v2sf)  }
0xc1: {  	s8 =	smax.f32 s17, $9.999999970e-07;
	s17 =	simm.s32 $0x2;
	s14 =	spop (v2sf)  }
0xc2: {  	s9 =	smax.f32 s22, $9.999999970e-07;
	s22 =	sand.u32 $0x80, s25;
	_ =	swait.ge [sflag:s17], $0x8000  }
0xc3: {  	s15 =	sand.u32 $0x70, s25;
	s12 =	sadd.s32 s22, s20;
	[sflag:s17] =	ssyncset.done $0x0  }
0xc4: {  	s3 =	smax.f32 s3, $9.999999970e-07;
	s12 =	sadd.s32 s15, s12;
	[sflag:s17] =	ssyncadd.s32 $0xFFFF8000  }
0xc5: {  	s7 =	ssub.f32 $1.000000000e+00, s7;
	s3 =	smin.f32 s3, $9.999989860e-01;
	v0 =	vld [tilespmem:s12+$0x0]  }
0xc6: {  	s8 =	smin.f32 s8, $9.999989860e-01;
	s3 =	ssub.f32 $1.000000000e+00, s3  }
0xc7: {  	s9 =	smin.f32 s9, $9.999989860e-01;
	s8 =	ssub.f32 $1.000000000e+00, s8  }
0xc8: {  	s6 =	smax.f32 s10, $9.999999970e-07;
	s9 =	ssub.f32 $1.000000000e+00, s9  }
0xc9: {  	s6 =	smin.f32 s6, $9.999989860e-01;
	s10 =	smax.f32 s23, $9.999999970e-07  }
0xca: {  	s3 =	sadd.f32 s3, s21;
	s11 =	smax.f32 s11, $9.999999970e-07;
	(v2sf) =	vpush v0, $0xF  }
0xcb: {  	s6 =	ssub.f32 $1.000000000e+00, s6;
	s10 =	smin.f32 s10, $9.999989860e-01;
	(v2sf) =	vpush v0, $0x7  }
0xcc: {  	s11 =	smin.f32 s11, $9.999989860e-01;
	s10 =	ssub.f32 $1.000000000e+00, s10;
	(v2sf) =	vpush v0, $0x4  }
0xcd: {  	s11 =	ssub.f32 $1.000000000e+00, s11;
	(v2sf) =	vpush v0, $0x3  }
0xce: {  	s6 =	sadd.f32 s6, s19  }
0xcf: {  	s19 =	sadd.f32 s9, s1;
	(v2sf) =	vpush v0, $0x2  }
0xd0: {  	s4 =	sadd.f32 s11, s4;
	(v2sf) =	vpush v0, $0x1  }
0xd1: {  	s0 =	sadd.f32 s0, s6;
	s25 =	smax.f32 s13, $9.999999970e-07  }
0xd2: {  	s23 =	smax.f32 s14, $9.999999970e-07;
	s4 =	sadd.f32 s5, s4;
	(v2sf) =	vpush v0, $0x5  }
0xd3: {  	s0 =	sadd.f32 s2, s0;
	s24 =	smin.f32 s23, $9.999989860e-01  }
0xd4: {  	s26 =	smin.f32 s25, $9.999989860e-01;
	s5 =	ssub.f32 $1.000000000e+00, s24;
	(v2sf) =	vpush v0, $0x0  }
0xd5: {  	s2 =	ssub.f32 $1.000000000e+00, s26  }
0xd6: {  	s3 =	sadd.f32 s5, s3;
	(v2sf) =	vpush v0, $0x6  }
0xd7: {  	s21 =	sadd.f32 s8, s0  }
0xd8: {  	s22 =	simm.s32 $0x2000;
	s25 =	simm.s32 $0x0;
	s3 =	sadd.f32 s7, s3  }
0xd9: {  	s23 =	simm.s32 $0x10;
	s26 =	sadd.f32 s10, s4;
	s4 =	spop (v2sf)  }
0xda: {  	s24 =	sadd.f32 s2, s3;
	s0 =	spop (v2sf);
	(v2sf) =	vpush v0, $0x9;
	s29 =	sand.u32 $0x7F, s4  }
0xdb: {  	s31 =	sshll.u32 s4, $0x2;
	s6 =	spop (v2sf);
	s12 =	sand.u32 $0x7F, s0  }
0xdc: {  	s0 =	sshll.u32 s0, $0x2;
	s13 =	spop (v2sf);
	s5 =	sand.u32 $0x7F, s6  }
0xdd: {  	(v2sf) =	vpush v0, $0xA;
	s3 =	sshll.u32 s12, $0x2;
	s2 =	sshll.u32 s6, $0x2;
	s0 =	sand.u32 $0xFFFFFE00, s0  }
0xde: {  	(v2sf) =	vpush v0, $0x8;
	s28 =	sand.u32 $0x7F, s13;
	s14 =	spop (v2sf);
	s30 =	sshll.u32 s13, $0x2  }
0xdf: {  	s2 =	sand.u32 $0xFFFFFE00, s2;
	(v2sf) =	vpush v0, $0xE;
	s5 =	sshll.u32 s5, $0x2;
	s16 =	spop (v2sf)  }
0xe0: {  	s15 =	sand.u32 $0x7F, s14;
	(v2sf) =	vpush v0, $0xB;
	s2 =	sor.u32 s5, s2;
	s17 =	sshll.u32 s16, $0x2  }
0xe1: {  	s1 =	sshll.u32 s15, $0x2;
	s8 =	sand.u32 $0x7F, s16;
	s10 =	spop (v2sf)  }
0xe2: {  	s9 =	sand.u32 $0xFFFFFE00, s17;
	s7 =	sshll.u32 s8, $0x2;
	s11 =	sand.u32 $0x7F, s10  }
0xe3: {  	s12 =	sshll.u32 s10, $0x2;
	s13 =	spop (v2sf);
	s8 =	sshll.u32 s14, $0x2  }
0xe4: {  	s7 =	sor.u32 s7, s9;
	s9 =	sand.u32 $0xFFFFFE00, s12;
	s14 =	sshll.u32 s11, $0x2  }
0xe5: {  	s15 =	spop (v2sf);
	s16 =	sand.u32 $0x7F, s13;
	s4 =	sshll.u32 s13, $0x2  }
0xe6: {  	(v2sf) =	vpush v0, $0xD;
	s7 =	sshra.s32 s7, $0x2;
	s17 =	sand.u32 $0x7F, s15;
	s10 =	sshll.u32 s15, $0x2  }
0xe7: {  	s6 =	sor.u32 s14, s9;
	s10 =	sand.u32 $0xFFFFFE00, s10;
	s9 =	sshll.u32 s17, $0x2  }
0xe8: {  	s4 =	sand.u32 $0xFFFFFE00, s4;
	s12 =	sshll.u32 s16, $0x2;
	s9 =	sor.u32 s9, s10  }
0xe9: {  	s7 =	sadd.s32 $0x0, s7;
	s9 =	sshra.s32 s9, $0x2;
	s13 =	spop (v2sf)  }
0xea: {  	v1 =	vld [tilespmem:s7+$0xA080];
	s9 =	sadd.s32 $0x0, s9;
	s14 =	sand.u32 $0x7F, s13;
	s11 =	sshll.u32 s13, $0x2  }
0xeb: {  	s4 =	sor.u32 s12, s4;
	v2 =	vld [tilespmem:s9+$0xA300];
	s10 =	sshll.u32 s14, $0x2;
	s11 =	sand.u32 $0xFFFFFE00, s11  }
0xec: {  	s6 =	sshra.s32 s6, $0x2;
	s16 =	spop (v2sf);
	s10 =	sor.u32 s10, s11  }
0xed: {  	s4 =	sshra.s32 s4, $0x2;
	s12 =	spop (v2sf);
	s15 =	sshra.s32 s10, $0x2  }
0xee: {  	s17 =	sand.u32 $0x7F, s16;
	s5 =	sadd.s32 $0x0, s15;
	s15 =	spop (v2sf);
	(v2sf) =	vpush v0, $0xC  }
0xef: {  	s6 =	sadd.s32 $0x0, s6;
	s11 =	sshll.u32 s17, $0x2;
	s17 =	spop (v2sf);
	(v2sf) =	vpush v1, $0x0  }
0xf0: {  	s0 =	sor.u32 s3, s0;
	s2 =	sshra.s32 s2, $0x2;
	s4 =	sadd.s32 $0x0, s4;
	v3 =	vld [tilespmem:s6+$0xA280];
	(v2sf) =	vpush v2, $0x0  }
0xf1: {  	s2 =	sadd.s32 $0x0, s2;
	v63 =	vld [tilespmem:s4+$0xA000];
	s13 =	sand.u32 $0x7F, s12;
	s3 =	sshll.u32 s12, $0x2  }
0xf2: {  	s10 =	sshll.u32 s16, $0x2;
	s3 =	sand.u32 $0xFFFFFE00, s3;
	s16 =	sshra.s32 s0, $0x2  }
0xf3: {  	s7 =	sshll.u32 s13, $0x2;
	s13 =	sand.u32 $0xFFFFFE00, s8;
	s10 =	sand.u32 $0xFFFFFE00, s10;
	v5 =	vld [tilespmem:s5+$0xA480]  }
0xf4: {  	s4 =	sadd.s32 $0x0, s16;
	s3 =	sor.u32 s7, s3;
	s14 =	sor.u32 s11, s10  }
0xf5: {  	s1 =	sor.u32 s1, s13;
	s0 =	sshra.s32 s14, $0x2;
	s14 =	spop (v2sf);
	(v2sf) =	vpush v3, $0x0  }
0xf6: {  	s6 =	sshra.s32 s3, $0x2;
	s9 =	sand.u32 $0x7F, s15;
	s11 =	sshll.u32 s15, $0x2;
	(v2sf) =	vpush v63, $0x0  }
0xf7: {  	v0 =	vld [tilespmem:s4+$0xA380];
	s1 =	sshra.s32 s1, $0x2;
	s12 =	sand.u32 $0x7F, s17;
	s5 =	sshll.u32 s9, $0x2  }
0xf8: {  	s15 =	sshll.u32 s17, $0x2;
	s8 =	sand.u32 $0xFFFFFE00, s11;
	s1 =	sadd.s32 $0x0, s1;
	(v2sf) =	vpush v5, $0x0  }
0xf9: {  	s16 =	sshll.u32 s12, $0x2;
	s3 =	sand.u32 $0xFFFFFE00, s15;
	s17 =	sand.u32 $0x7F, s14  }
0xfa: {  	v1 =	vld [tilespmem:s2+$0xA200];
	s9 =	sshll.u32 s14, $0x2;
	s3 =	sor.u32 s16, s3;
	s10 =	sshll.u32 s17, $0x2  }
.LBB2_5:
0xfb: {  	s2 =	sshra.s32 s3, $0x2  }
0xfc: {  	s3 =	sor.u32 s5, s8;
	s4 =	sand.u32 $0xFFFFFE00, s31;
	(v2sf) =	vpush v0, $0x0;
	s31 =	smov.u32 s22  }
0xfd: {  	s5 =	sand.u32 $0xFFFFFE00, s9;
	s7 =	sshll.u32 s29, $0x2;
	s8 =	spop (v2sf)  }
0xfe: {  	s5 =	sor.u32 s10, s5;
	s4 =	sor.u32 s7, s4;
	s7 =	spop (v2sf)  }
0xff: {  	s3 =	sshra.s32 s3, $0x2;
	s5 =	sshra.s32 s5, $0x2;
	(v2sf) =	vpush v1, $0x0;
	s9 =	spop (v2sf)  }
0x100: {  	s4 =	sshra.s32 s4, $0x2;
	s5 =	sadd.s32 s25, s5;
	v0 =	vld [tilespmem:s1+$0xA100];
	s1 =	smax.f32 s9, $9.999999970e-07  }
0x101: {  	s3 =	sadd.s32 s25, s3;
	s9 =	sshll.u32 s8, $0x2;
	s1 =	smin.f32 s1, $9.999989860e-01  }
0x102: {  	s6 =	sadd.s32 s25, s6;
	s2 =	sadd.s32 s25, s2;
	s8 =	sand.u32 $0x7F, s8;
	v1 =	vld [tilespmem:s5+$0xA680]  }
0x103: {  	s4 =	sadd.s32 s25, s4;
	s5 =	sshll.u32 s28, $0x2;
	v2 =	vld [tilespmem:s2+$0xA580];
	s2 =	sand.u32 $0xFFFFFE00, s9  }
0x104: {  	s8 =	sshll.u32 s8, $0x2;
	s9 =	sand.u32 $0xFFFFFE00, s30;
	v3 =	vld [tilespmem:s3+$0xA700];
	s3 =	spop (v2sf)  }
0x105: {  	s7 =	smax.f32 s7, $9.999999970e-07;
	s2 =	sor.u32 s8, s2;
	v4 =	vld [tilespmem:s4+$0xA780];
	s4 =	spop (v2sf);
	(v2sf) =	vpush v0, $0x0  }
0x106: {  	s7 =	smin.f32 s7, $9.999989860e-01;
	s5 =	sor.u32 s5, s9;
	s2 =	sshra.s32 s2, $0x2;
	v0 =	vld [tilespmem:s6+$0xA400]  }
0x107: {  	s6 =	ssub.f32 $1.000000000e+00, s7;
	s2 =	sadd.s32 s25, s2;
	s7 =	spop (v2sf);
	(v2sf) =	vpush v1, $0x0  }
0x108: {  	s5 =	sshra.s32 s5, $0x2;
	s3 =	smax.f32 s3, $9.999999970e-07;
	s7 =	smax.f32 s7, $9.999999970e-07;
	v1 =	vld [tilespmem:s2+$0xA600];
	(v2sf) =	vpush v2, $0x0  }
0x109: {  	s2 =	smax.f32 s4, $9.999999970e-07;
	s4 =	sadd.s32 s25, s5;
	s5 =	smin.f32 s7, $9.999989860e-01;
	(v2sf) =	vpush v3, $0x0  }
0x10a: {  	p0 =	sne.s32 s22, $0x1E000;
	s3 =	smin.f32 s3, $9.999989860e-01;
	s2 =	smin.f32 s2, $9.999989860e-01;
	v2 =	vld [tilespmem:s4+$0xA180]  }
0x10b: {  	s22 =	sadd.s32 $0x2000, s22;
	s3 =	ssub.f32 $1.000000000e+00, s3;
	s4 =	spop (v2sf)  }
0x10c: {  	s6 =	sadd.f32 s6, s26;
	s4 =	smax.f32 s4, $9.999999970e-07;
	(v2sf) =	vpush v0, $0x0  }
0x10d: {  	s0 =	sadd.s32 s25, s0;
	s1 =	ssub.f32 $1.000000000e+00, s1;
	(v2sf) =	vpush v1, $0x0  }
0x10e: {  	s6 =	sadd.f32 s3, s6;
	v0 =	vld [tilespmem:s0+$0xA500];
	s0 =	spop (v2sf);
	(v2sf) =	vpush v4, $0x0  }
0x10f: {  	s2 =	ssub.f32 $1.000000000e+00, s2;
	s0 =	smax.f32 s0, $9.999999970e-07  }
0x110: {  	s3 =	smin.f32 s4, $9.999989860e-01;
	s0 =	smin.f32 s0, $9.999989860e-01  }
0x111: {  	(v2sf) =	vpush v2, $0x0  }
0x112: {  	s4 =	sand.u32 $0x80, s23  }
0x113: {  	s7 =	sand.u32 $0x70, s23;
	s4 =	sadd.s32 s4, s20;
	s8 =	ssub.f32 $1.000000000e+00, s3;
	(v2sf) =	vpush v0, $0x0  }
0x114: {  	s3 =	sadd.s32 s7, s4;
	s0 =	ssub.f32 $1.000000000e+00, s0;
	s4 =	spop (v2sf)  }
0x115: {  	v0 =	vld [tilespmem:s3+$0x0];
	s3 =	smax.f32 s4, $9.999999970e-07  }
0x116: {  	s4 =	ssub.f32 $1.000000000e+00, s5;
	s5 =	spop (v2sf)  }
0x117: {  	s3 =	smin.f32 s3, $9.999989860e-01;
	s7 =	spop (v2sf)  }
0x118: {  	s2 =	sadd.f32 s2, s24;
	s9 =	spop (v2sf)  }
0x119: {  	s3 =	ssub.f32 $1.000000000e+00, s3;
	s7 =	smax.f32 s7, $9.999999970e-07  }
0x11a: {  	s0 =	sadd.f32 s0, s2;
	s2 =	smin.f32 s7, $9.999989860e-01;
	(v2sf) =	vpush v0, $0xF  }
0x11b: {  	s5 =	smax.f32 s5, $9.999999970e-07;
	(v2sf) =	vpush v0, $0x7;
	s7 =	spop (v2sf)  }
0x11c: {  	s5 =	smin.f32 s5, $9.999989860e-01;
	(v2sf) =	vpush v0, $0x4;
	s10 =	spop (v2sf)  }
0x11d: {  	(v2sf) =	vpush v0, $0x3;
	s10 =	smax.f32 s10, $9.999999970e-07;
	s11 =	spop (v2sf)  }
0x11e: {  	(v2sf) =	vpush v0, $0x2;
	s10 =	smin.f32 s10, $9.999989860e-01;
	s11 =	smax.f32 s11, $9.999999970e-07  }
0x11f: {  	s9 =	smax.f32 s9, $9.999999970e-07;
	(v2sf) =	vpush v0, $0x1;
	s11 =	smin.f32 s11, $9.999989860e-01  }
0x120: {  	s16 =	ssub.f32 $1.000000000e+00, s5;
	s5 =	spop (v2sf)  }
0x121: {  	s24 =	sadd.f32 s4, s6;
	s5 =	smax.f32 s5, $9.999999970e-07  }
0x122: {  	s2 =	ssub.f32 $1.000000000e+00, s2;
	(v2sf) =	vpush v0, $0x5;
	s4 =	spop (v2sf)  }
0x123: {  	s3 =	sadd.f32 s3, s21;
	s5 =	smin.f32 s5, $9.999989860e-01  }
0x124: {  	s6 =	ssub.f32 $1.000000000e+00, s5;
	s4 =	smax.f32 s4, $9.999999970e-07  }
0x125: {  	s9 =	smin.f32 s9, $9.999989860e-01;
	s5 =	ssub.f32 $1.000000000e+00, s10;
	(v2sf) =	vpush v0, $0x0  }
0x126: {  	s4 =	smin.f32 s4, $9.999989860e-01;
	s10 =	sadd.f32 s6, s19  }
0x127: {  	s1 =	sadd.f32 s1, s3;
	s3 =	smax.f32 s7, $9.999999970e-07;
	(v2sf) =	vpush v0, $0x6  }
0x128: {  	s23 =	sadd.s32 $0x10, s23;
	s3 =	smin.f32 s3, $9.999989860e-01;
	s4 =	ssub.f32 $1.000000000e+00, s4  }
0x129: {  	s25 =	sshra.s32 s31, $0x2;
	s3 =	ssub.f32 $1.000000000e+00, s3;
	s7 =	spop (v2sf)  }
0x12a: {  	s8 =	sadd.f32 s8, s10;
	s29 =	sand.u32 $0x7F, s7;
	s6 =	spop (v2sf)  }
0x12b: {  	s4 =	sadd.f32 s4, s1;
	s12 =	sand.u32 $0x7F, s6;
	s13 =	spop (v2sf);
	(v2sf) =	vpush v0, $0x9  }
0x12c: {  	s9 =	ssub.f32 $1.000000000e+00, s9;
	s10 =	sand.u32 $0x7F, s13;
	s14 =	spop (v2sf)  }
0x12d: {  	s11 =	ssub.f32 $1.000000000e+00, s11;
	s28 =	sand.u32 $0x7F, s14;
	s15 =	spop (v2sf)  }
0x12e: {  	s31 =	sshll.u32 s7, $0x2;
	s1 =	sand.u32 $0x7F, s15;
	s7 =	spop (v2sf)  }
0x12f: {  	s21 =	sadd.f32 s9, s4;
	s17 =	sshll.u32 s7, $0x2;
	s1 =	sshll.u32 s1, $0x2  }
0x130: {  	s2 =	sadd.f32 s2, s8;
	s9 =	sshll.u32 s12, $0x2;
	s4 =	sand.u32 $0xFFFFFE00, s17  }
0x131: {  	s0 =	sadd.f32 s3, s0;
	s7 =	sand.u32 $0x7F, s7;
	s8 =	spop (v2sf)  }
0x132: {  	s19 =	sadd.f32 s11, s2;
	s3 =	sshll.u32 s7, $0x2;
	s7 =	sand.u32 $0x7F, s8;
	(v2sf) =	vpush v0, $0xA  }
0x133: {  	s2 =	sor.u32 s3, s4;
	s3 =	sshll.u32 s13, $0x2;
	s4 =	sshll.u32 s8, $0x2;
	(v2sf) =	vpush v0, $0x8  }
0x134: {  	s26 =	sadd.f32 s16, s24;
	s30 =	sshll.u32 s14, $0x2;
	s11 =	spop (v2sf)  }
0x135: {  	s24 =	sadd.f32 s5, s0;
	s3 =	sand.u32 $0xFFFFFE00, s3;
	s4 =	sand.u32 $0xFFFFFE00, s4  }
0x136: {  	s0 =	sshra.s32 s2, $0x2;
	s8 =	sshll.u32 s15, $0x2;
	s2 =	spop (v2sf);
	(v2sf) =	vpush v0, $0xE  }
0x137: {  	s7 =	sshll.u32 s7, $0x2;
	s5 =	sand.u32 $0x7F, s11;
	s12 =	sand.u32 $0x7F, s2  }
0x138: {  	s0 =	sadd.s32 s25, s0;
	s11 =	sshll.u32 s11, $0x2;
	s2 =	sshll.u32 s2, $0x2;
	(v2sf) =	vpush v0, $0xB  }
0x139: {  	s11 =	sand.u32 $0xFFFFFE00, s11;
	s2 =	sand.u32 $0xFFFFFE00, s2;
	s12 =	sshll.u32 s12, $0x2  }
0x13a: {  	s2 =	sor.u32 s12, s2;
	v1 =	vld [tilespmem:s0+$0xA080];
	s0 =	sor.u32 s7, s4;
	s4 =	spop (v2sf);
	(v2sf) =	vpush v0, $0xD  }
0x13b: {  	s5 =	sshll.u32 s5, $0x2;
	s2 =	sshra.s32 s2, $0x2;
	s7 =	sand.u32 $0x7F, s4  }
0x13c: {  	s2 =	sadd.s32 s25, s2;
	s4 =	sshll.u32 s4, $0x2;
	s7 =	sshll.u32 s7, $0x2  }
0x13d: {  	s10 =	sshll.u32 s10, $0x2;
	s5 =	sor.u32 s5, s11;
	v2 =	vld [tilespmem:s2+$0xA300];
	s2 =	sand.u32 $0xFFFFFE00, s4  }
0x13e: {  	s4 =	sshra.s32 s5, $0x2;
	s5 =	sshll.u32 s6, $0x2;
	s2 =	sor.u32 s7, s2  }
0x13f: {  	s3 =	sor.u32 s10, s3;
	s5 =	sand.u32 $0xFFFFFE00, s5;
	s2 =	sshra.s32 s2, $0x2  }
0x140: {  	s3 =	sshra.s32 s3, $0x2;
	s0 =	sshra.s32 s0, $0x2;
	s2 =	sadd.s32 s25, s2;
	(v2sf) =	vpush v0, $0xC  }
0x141: {  	s0 =	sadd.s32 s25, s0;
	s4 =	sadd.s32 s25, s4;
	(v2sf) =	vpush v1, $0x0;
	s6 =	spop (v2sf)  }
0x142: {  	s3 =	sadd.s32 s25, s3;
	v0 =	vld [tilespmem:s0+$0xA280];
	s0 =	sand.u32 $0x7F, s6;
	(v2sf) =	vpush v2, $0x0;
	s7 =	spop (v2sf)  }
0x143: {  	v1 =	vld [tilespmem:s4+$0xA000];
	s4 =	sor.u32 s9, s5;
	s5 =	sshll.u32 s6, $0x2  }
0x144: {  	s0 =	sshll.u32 s0, $0x2;
	s6 =	sand.u32 $0x7F, s7;
	s7 =	sshll.u32 s7, $0x2  }
0x145: {  	s5 =	sand.u32 $0xFFFFFE00, s5;
	s7 =	sand.u32 $0xFFFFFE00, s7  }
0x146: {  	v2 =	vld [tilespmem:s2+$0xA480];
	s0 =	sor.u32 s0, s5;
	s2 =	spop (v2sf);
	s5 =	sshll.u32 s6, $0x2  }
0x147: {  	s4 =	sshra.s32 s4, $0x2;
	s0 =	sshra.s32 s0, $0x2;
	s5 =	sor.u32 s5, s7  }
0x148: {  	s4 =	sadd.s32 s25, s4;
	(v2sf) =	vpush v0, $0x0;
	s7 =	spop (v2sf);
	s6 =	sshra.s32 s5, $0x2  }
0x149: {  	v0 =	vld [tilespmem:s4+$0xA380];
	s4 =	sand.u32 $0x7F, s2;
	s2 =	sshll.u32 s2, $0x2;
	(v2sf) =	vpush v1, $0x0;
	s9 =	sand.u32 $0x7F, s7  }
.Ltmp1:
0x14a: {  	s5 =	sshll.u32 s4, $0x2;
	s4 =	spop (v2sf);
	(pc) =	sbr.rel @p0 .LBB2_5-.Ltmp1, $4  }
0x14b: {  	s10 =	sand.u32 $0xFFFFFE00, s8;
	s11 =	sshll.u32 s9, $0x2;
	s8 =	sand.u32 $0xFFFFFE00, s2;
	(v2sf) =	vpush v2, $0x0  }
0x14c: {  	s1 =	sor.u32 s1, s10;
	s2 =	sshll.u32 s7, $0x2;
	s9 =	sshll.u32 s4, $0x2  }
0x14d: {  	s1 =	sshra.s32 s1, $0x2;
	s2 =	sand.u32 $0xFFFFFE00, s2;
	s4 =	sand.u32 $0x7F, s4;
	v1 =	vld [tilespmem:s3+$0xA200]  }
0x14e: {  	s1 =	sadd.s32 s25, s1;
	s10 =	sshll.u32 s4, $0x2;
	s3 =	sor.u32 s11, s2  }
0x14f: {  	s2 =	sand.u32 $0xFFFFFE00, s9  }
0x150: {  	s3 =	sshra.s32 s3, $0x2;
	s4 =	sor.u32 s5, s8;
	s13 =	sand.u32 $0xFFFFFE00, s31  }
0x151: {  	s7 =	sshll.u32 s29, $0x2;
	v57 =	vld [tilespmem:s1+$0xA100];
	s14 =	spop (v2sf);
	s2 =	sor.u32 s10, s2  }
0x152: {  	(v2sf) =	vpush v0, $0x0;
	s23 =	sadd.s32 s25, s6;
	s28 =	sshll.u32 s28, $0x2;
	s2 =	sshra.s32 s2, $0x2  }
0x153: {  	s29 =	sand.u32 $0xFFFFFE00, s30;
	s5 =	sor.u32 s7, s13;
	s2 =	sadd.s32 s25, s2  }
0x154: {  	s15 =	spop (v2sf);
	s4 =	sshra.s32 s4, $0x2;
	s3 =	sadd.s32 s25, s3;
	v58 =	vld [tilespmem:s2+$0xA680]  }
0x155: {  	s16 =	sshll.u32 s14, $0x2;
	s1 =	sand.u32 $0x7F, s14;
	s4 =	sadd.s32 s25, s4;
	v2 =	vld [tilespmem:s3+$0xA580];
	(v2sf) =	vpush v1, $0x0  }
0x156: {  	s17 =	spop (v2sf);
	s1 =	sshll.u32 s1, $0x2;
	s2 =	sand.u32 $0xFFFFFE00, s16;
	(v2sf) =	vpush v57, $0x0  }
0x157: {  	s20 =	sshra.s32 s5, $0x2;
	s31 =	smax.f32 s15, $9.999999970e-07;
	v3 =	vld [tilespmem:s4+$0xA700];
	s1 =	sor.u32 s1, s2  }
0x158: {  	s3 =	smax.f32 s17, $9.999999970e-07;
	s7 =	smin.f32 s31, $9.999989860e-01;
	s1 =	sshra.s32 s1, $0x2  }
0x159: {  	v59 =	vld [tilespmem:s23+$0xA400];
	s22 =	smin.f32 s3, $9.999989860e-01;
	s3 =	ssub.f32 $1.000000000e+00, s7;
	s1 =	sadd.s32 s25, s1;
	(v2sf) =	vpush v58, $0x0  }
0x15a: {  	s5 =	sor.u32 s28, s29;
	s2 =	ssub.f32 $1.000000000e+00, s22;
	v60 =	vld [tilespmem:s1+$0xA600];
	s6 =	spop (v2sf);
	(v2sf) =	vpush v2, $0x0  }
0x15b: {  	s30 =	sadd.s32 s25, s20;
	s3 =	sadd.f32 s3, s26;
	s9 =	spop (v2sf)  }
0x15c: {  	s8 =	sshra.s32 s5, $0x2;
	v61 =	vld [tilespmem:s30+$0xA780];
	s1 =	smax.f32 s6, $9.999999970e-07;
	s5 =	smax.f32 s9, $9.999999970e-07;
	(v2sf) =	vpush v3, $0x0  }
0x15d: {  	s4 =	sadd.s32 s25, s8;
	s1 =	smin.f32 s1, $9.999989860e-01;
	s10 =	spop (v2sf)  }
0x15e: {  	v62 =	vld [tilespmem:s4+$0xA180];
	s5 =	smin.f32 s5, $9.999989860e-01;
	s1 =	ssub.f32 $1.000000000e+00, s1;
	(v2sf) =	vpush v59, $0x0  }
0x15f: {  	s11 =	smax.f32 s10, $9.999999970e-07;
	s5 =	ssub.f32 $1.000000000e+00, s5;
	(v2sf) =	vpush v60, $0x0  }
0x160: {  	s4 =	smin.f32 s11, $9.999989860e-01;
	s1 =	sadd.f32 s1, s3  }
0x161: {  	s0 =	sadd.s32 s25, s0;
	(v2sf) =	vpush v61, $0x0;
	s4 =	ssub.f32 $1.000000000e+00, s4;
	s12 =	spop (v2sf)  }
0x162: {  	v63 =	vld [tilespmem:s0+$0xA500];
	s5 =	sadd.f32 s5, s24;
	s0 =	smax.f32 s12, $9.999999970e-07  }
0x163: {  	(v2sf) =	vpush v62, $0x0;
	s1 =	sadd.f32 s4, s1;
	s0 =	smin.f32 s0, $9.999989860e-01  }
0x164: {  	s13 =	spop (v2sf);
	s0 =	ssub.f32 $1.000000000e+00, s0  }
0x165: {  	s3 =	smax.f32 s13, $9.999999970e-07;
	s14 =	spop (v2sf)  }
0x166: {  	s3 =	smin.f32 s3, $9.999989860e-01;
	s6 =	smax.f32 s14, $9.999999970e-07  }
0x167: {  	s3 =	ssub.f32 $1.000000000e+00, s3;
	s6 =	smin.f32 s6, $9.999989860e-01  }
0x168: {  	(v2sf) =	vpush v63, $0x0;
	s6 =	ssub.f32 $1.000000000e+00, s6;
	s15 =	spop (v2sf)  }
0x169: {  	s3 =	sadd.f32 s3, s5;
	s16 =	spop (v2sf)  }
0x16a: {  	s7 =	smax.f32 s15, $9.999999970e-07;
	s6 =	sadd.f32 s6, s21  }
0x16b: {  	s17 =	spop (v2sf);
	s8 =	smax.f32 s16, $9.999999970e-07  }
0x16c: {  	s7 =	smin.f32 s7, $9.999989860e-01;
	s20 =	smin.f32 s8, $9.999989860e-01  }
0x16d: {  	s22 =	spop (v2sf);
	s7 =	ssub.f32 $1.000000000e+00, s7  }
0x16e: {  	s2 =	sadd.f32 s2, s6;
	s23 =	spop (v2sf)  }
0x16f: {  	s5 =	ssub.f32 $1.000000000e+00, s20;
	s26 =	smax.f32 s22, $9.999999970e-07  }
0x170: {  	s10 =	smax.f32 s23, $9.999999970e-07;
	s11 =	spop (v2sf)  }
0x171: {  	s6 =	smin.f32 s26, $9.999989860e-01;
	s23 =	sadd.f32 s7, s1  }
0x172: {  	s10 =	smin.f32 s10, $9.999989860e-01;
	s12 =	spop (v2sf)  }
0x173: {  	s11 =	smax.f32 s11, $9.999999970e-07;
	s6 =	ssub.f32 $1.000000000e+00, s6  }
0x174: {  	s10 =	ssub.f32 $1.000000000e+00, s10;
	s30 =	smin.f32 s11, $9.999989860e-01  }
0x175: {  	s24 =	smax.f32 s12, $9.999999970e-07;
	s8 =	ssub.f32 $1.000000000e+00, s30  }
0x176: {  	s4 =	smin.f32 s24, $9.999989860e-01;
	s31 =	sadd.f32 s6, s3  }
0x177: {  	s25 =	spop (v2sf);
	s4 =	ssub.f32 $1.000000000e+00, s4  }
0x178: {  	s12 =	smax.f32 s25, $9.999999970e-07;
	s21 =	sadd.f32 s10, s31  }
0x179: {  	s4 =	sadd.f32 s4, s19;
	s12 =	smin.f32 s12, $9.999989860e-01  }
0x17a: {  	s18 =	sadd.s32 $0x1, s18;
	s9 =	smax.f32 s17, $9.999999970e-07;
	s28 =	ssub.f32 $1.000000000e+00, s12  }
0x17b: {  	p0 =	sne.s32 s18, $0xF;
	s29 =	smin.f32 s9, $9.999989860e-01;
	s0 =	sadd.f32 s0, s4  }
.Ltmp2:
0x17c: {  	s4 =	ssub.f32 $1.000000000e+00, s29;
	(pc) =	sbr.rel @p0 .LBB2_2-.Ltmp2, $4  }
0x17d: {  	s2 =	sadd.f32 s28, s2  }
0x17e: {  	s0 =	sadd.f32 s5, s0  }
0x17f: {  	s19 =	sadd.f32 s4, s2  }
0x180: {  	s22 =	sadd.f32 s8, s0  }
0x181: {  	s0 =	simm.s32 $0x0  }
0x182: {  	s1 =	rddreg [dreg:$0x8];
	s2 =	simm.s32 $0xA000;
	s29 =	simm.s32 $0x1  }
0x183: {  	[tilespmem:s2], [sflag:$0x2] =	stream.linear.gather [hbm4b:s1+s0], $0x8000, $0x38;
	[tilespmem:$0x12080] =	vst v63  }
0x184: {  	_ =	swait.ge [sflag:s29], $0x8000  }
0x185: {  	[sflag:s29] =	ssyncset.done $0x0  }
0x186: {  	s0 =	sand.u32 $0xF0, s0;
	[sflag:s29] =	ssyncadd.s32 $0xFFFF8000  }
0x187: {  	v0 =	vld [tilespmem:s0+$0x1E00];
	_ =	sdelay $0x4  }
0x188: {  	(v2sf) =	vpush v0, $0xC  }
0x189: {  	(v2sf) =	vpush v0, $0x5  }
0x18a: {  	(v2sf) =	vpush v0, $0x4;
	_ =	sdelay $0x1  }
0x18b: {  	(v2sf) =	vpush v0, $0x3  }
0x18c: {  	(v2sf) =	vpush v0, $0x2;
	_ =	sdelay $0x1  }
0x18d: {  	(v2sf) =	vpush v0, $0x1;
	_ =	sdelay $0x2  }
0x18e: {  	(v2sf) =	vpush v0, $0x0;
	_ =	sdelay $0x2  }
0x18f: {  	(v2sf) =	vpush v0, $0x6  }
0x190: {  	s18 =	simm.s32 $0x2000  }
0x191: {  	s20 =	simm.s32 $0x10;
	s24 =	simm.s32 $0x0;
	s30 =	spop (v2sf)  }
0x192: {  	(v2sf) =	vpush v0, $0x9;
	s31 =	sand.u32 $0x7F, s30;
	s0 =	sshll.u32 s30, $0x2;
	s11 =	spop (v2sf)  }
0x193: {  	s3 =	sand.u32 $0x7F, s11;
	s4 =	sshll.u32 s11, $0x2;
	s5 =	spop (v2sf)  }
0x194: {  	s25 =	sand.u32 $0xFFFFFE00, s0;
	s12 =	sshll.u32 s5, $0x2;
	s3 =	sshll.u32 s3, $0x2  }
0x195: {  	s6 =	spop (v2sf);
	s4 =	sand.u32 $0xFFFFFE00, s4;
	s5 =	sand.u32 $0x7F, s5  }
0x196: {  	(v2sf) =	vpush v0, $0xA;
	s1 =	sand.u32 $0xFFFFFE00, s12;
	s7 =	spop (v2sf);
	s10 =	sand.u32 $0x7F, s6  }
0x197: {  	s3 =	sor.u32 s3, s4;
	s6 =	sshll.u32 s6, $0x2;
	s5 =	sshll.u32 s5, $0x2  }
0x198: {  	s8 =	sand.u32 $0x7F, s7;
	s13 =	spop (v2sf);
	s7 =	sshll.u32 s7, $0x2  }
0x199: {  	s3 =	sshra.s32 s3, $0x2;
	s6 =	sand.u32 $0xFFFFFE00, s6;
	s10 =	sshll.u32 s10, $0x2  }
0x19a: {  	s1 =	sor.u32 s5, s1;
	s9 =	sshll.u32 s13, $0x2;
	s8 =	sshll.u32 s8, $0x2  }
0x19b: {  	(v2sf) =	vpush v0, $0x7;
	s14 =	spop (v2sf);
	s0 =	sand.u32 $0x7F, s13;
	s7 =	sand.u32 $0xFFFFFE00, s7  }
0x19c: {  	s3 =	sadd.s32 $0x0, s3;
	s6 =	sor.u32 s10, s6;
	s1 =	sshra.s32 s1, $0x2  }
0x19d: {  	(v2sf) =	vpush v0, $0xB;
	s9 =	sand.u32 $0xFFFFFE00, s9;
	s11 =	sand.u32 $0x7F, s14;
	s0 =	sshll.u32 s0, $0x2  }
0x19e: {  	s12 =	spop (v2sf);
	s4 =	sshll.u32 s14, $0x2;
	s6 =	sshra.s32 s6, $0x2  }
0x19f: {  	(v2sf) =	vpush v0, $0x8;
	s1 =	sadd.s32 $0x0, s1;
	s11 =	sshll.u32 s11, $0x2;
	s0 =	sor.u32 s0, s9  }
0x1a0: {  	s15 =	sand.u32 $0x7F, s12;
	s16 =	sand.u32 $0xFFFFFE00, s4;
	s17 =	sshll.u32 s12, $0x2  }
0x1a1: {  	(v2sf) =	vpush v0, $0xD;
	s26 =	spop (v2sf);
	s13 =	sshra.s32 s0, $0x2;
	s9 =	sshll.u32 s15, $0x2  }
0x1a2: {  	(v2sf) =	vpush v0, $0xE;
	s0 =	sor.u32 s11, s16;
	s14 =	sshll.u32 s26, $0x2;
	s11 =	sand.u32 $0x7F, s26  }
0x1a3: {  	s28 =	sshra.s32 s0, $0x2;
	s0 =	sshll.u32 s31, $0x2;
	s31 =	sadd.s32 $0x0, s13  }
0x1a4: {  	s4 =	sand.u32 $0xFFFFFE00, s17;
	s14 =	sand.u32 $0xFFFFFE00, s14;
	s11 =	sshll.u32 s11, $0x2;
	v1 =	vld [tilespmem:s31+$0x2080]  }
0x1a5: {  	s29 =	spop (v2sf);
	s17 =	sor.u32 s8, s7;
	s11 =	sor.u32 s11, s14  }
0x1a6: {  	v2 =	vld [tilespmem:s3+$0x2280];
	s4 =	sor.u32 s9, s4;
	s30 =	sand.u32 $0x7F, s29;
	s11 =	sshra.s32 s11, $0x2  }
0x1a7: {  	s15 =	sshll.u32 s29, $0x2;
	s4 =	sshra.s32 s4, $0x2;
	s16 =	sadd.s32 $0x0, s11  }
0x1a8: {  	(v2sf) =	vpush v0, $0xF;
	s9 =	sshll.u32 s30, $0x2;
	s15 =	sand.u32 $0xFFFFFE00, s15;
	s4 =	sadd.s32 $0x0, s4;
	v3 =	vld [tilespmem:s16+$0x2480]  }
0x1a9: {  	s6 =	sadd.s32 $0x0, s6;
	s5 =	sshra.s32 s17, $0x2;
	s9 =	sor.u32 s9, s15;
	v4 =	vld [tilespmem:s4+$0x2300];
	(v2sf) =	vpush v1, $0x0  }
0x1aa: {  	v5 =	vld [tilespmem:s6+$0x2180];
	s5 =	sadd.s32 $0x0, s5;
	s8 =	sshra.s32 s9, $0x2;
	s26 =	spop (v2sf)  }
0x1ab: {  	s11 =	sadd.s32 $0x0, s28;
	s9 =	sadd.s32 $0x0, s8;
	s7 =	sshll.u32 s26, $0x2;
	(v2sf) =	vpush v2, $0x0  }
0x1ac: {  	v1 =	vld [tilespmem:s1+$0x2200];
	s28 =	sand.u32 $0x7F, s26;
	s30 =	spop (v2sf);
	s29 =	sand.u32 $0xFFFFFE00, s7  }
0x1ad: {  	s2 =	sshll.u32 s28, $0x2;
	s31 =	sand.u32 $0x7F, s30;
	s7 =	sshll.u32 s30, $0x2;
	(v2sf) =	vpush v3, $0x0  }
0x1ae: {  	s10 =	spop (v2sf);
	s2 =	sor.u32 s2, s29;
	s7 =	sand.u32 $0xFFFFFE00, s7;
	(v2sf) =	vpush v4, $0x0  }
0x1af: {  	s3 =	sshll.u32 s31, $0x2;
	s12 =	sand.u32 $0x7F, s10;
	s14 =	sshll.u32 s10, $0x2;
	(v2sf) =	vpush v5, $0x0  }
0x1b0: {  	v6 =	vld [tilespmem:s9+$0x2500];
	s16 =	spop (v2sf);
	s2 =	sshra.s32 s2, $0x2;
	s3 =	sor.u32 s3, s7  }
0x1b1: {  	s15 =	sshll.u32 s12, $0x2;
	s3 =	sshra.s32 s3, $0x2;
	s6 =	spop (v2sf);
	(v2sf) =	vpush v1, $0x0  }
0x1b2: {  	v0 =	vld [tilespmem:s11+$0x2000];
	s2 =	sadd.s32 $0x0, s2;
	s13 =	sadd.s32 $0x0, s3;
	s3 =	sand.u32 $0xFFFFFE00, s14  }
0x1b3: {  	s17 =	sand.u32 $0x7F, s16;
	s28 =	sshll.u32 s16, $0x2;
	v2 =	vld [tilespmem:s2+$0x2380];
	s26 =	sor.u32 s15, s3  }
0x1b4: {  	v3 =	vld [tilespmem:s5+$0x2100];
	s30 =	sand.u32 $0xFFFFFE00, s28;
	s31 =	sshll.u32 s17, $0x2;
	s29 =	sshra.s32 s26, $0x2  }
0x1b5: {  	s5 =	sor.u32 s31, s30;
	v1 =	vld [tilespmem:s13+$0x2580];
	s3 =	sand.u32 $0x7F, s6;
	(v2sf) =	vpush v6, $0x0;
	s1 =	sadd.s32 $0x0, s29  }
.LBB2_8:
0x1b6: {  	s2 =	sshll.u32 s6, $0x2  }
0x1b7: {  	s3 =	sshll.u32 s3, $0x2;
	s4 =	spop (v2sf);
	s26 =	smov.u32 s18  }
0x1b8: {  	s2 =	sand.u32 $0xFFFFFE00, s2;
	s6 =	sshll.u32 s4, $0x2;
	s7 =	spop (v2sf);
	(v2sf) =	vpush v2, $0x0  }
0x1b9: {  	s5 =	sshra.s32 s5, $0x2;
	s4 =	sand.u32 $0x7F, s4;
	s7 =	smax.f32 s7, $9.999999970e-07  }
0x1ba: {  	s0 =	sor.u32 s0, s25;
	s7 =	smin.f32 s7, $9.999989860e-01;
	s8 =	spop (v2sf)  }
0x1bb: {  	s7 =	ssub.f32 $1.000000000e+00, s7;
	s8 =	smax.f32 s8, $9.999999970e-07;
	v2 =	vld [tilespmem:s1+$0x2400];
	s1 =	sor.u32 s3, s2;
	(v2sf) =	vpush v3, $0x0  }
0x1bc: {  	s2 =	smin.f32 s8, $9.999989860e-01;
	s1 =	sshra.s32 s1, $0x2;
	(v2sf) =	vpush v0, $0x0;
	s3 =	spop (v2sf)  }
0x1bd: {  	s3 =	smax.f32 s3, $9.999999970e-07;
	s1 =	sadd.s32 s24, s1;
	s8 =	spop (v2sf)  }
0x1be: {  	s5 =	sadd.s32 s24, s5;
	s8 =	smax.f32 s8, $9.999999970e-07;
	v0 =	vld [tilespmem:s1+$0x2700];
	s1 =	spop (v2sf);
	(v2sf) =	vpush v1, $0x0  }
0x1bf: {  	s4 =	sshll.u32 s4, $0x2;
	s3 =	smin.f32 s3, $9.999989860e-01;
	v1 =	vld [tilespmem:s5+$0x2680];
	s5 =	sand.u32 $0xFFFFFE00, s6  }
0x1c0: {  	s6 =	sadd.f32 s7, s23;
	s4 =	sor.u32 s4, s5;
	s5 =	spop (v2sf);
	(v2sf) =	vpush v2, $0x0  }
0x1c1: {  	s0 =	sshra.s32 s0, $0x2;
	s1 =	smax.f32 s1, $9.999999970e-07;
	s4 =	sshra.s32 s4, $0x2  }
0x1c2: {  	p0 =	sne.s32 s18, $0x1E000;
	s5 =	smax.f32 s5, $9.999999970e-07;
	s4 =	sadd.s32 s24, s4  }
0x1c3: {  	s0 =	sadd.s32 s24, s0;
	s2 =	ssub.f32 $1.000000000e+00, s2;
	s5 =	smin.f32 s5, $9.999989860e-01;
	v2 =	vld [tilespmem:s4+$0x2780];
	(v2sf) =	vpush v0, $0x0  }
0x1c4: {  	s18 =	sadd.s32 $0x2000, s18;
	s3 =	ssub.f32 $1.000000000e+00, s3;
	s4 =	smin.f32 s1, $9.999989860e-01;
	v0 =	vld [tilespmem:s0+$0x2600];
	(v2sf) =	vpush v1, $0x0  }
0x1c5: {  	s2 =	sadd.f32 s2, s6;
	s0 =	spop (v2sf)  }
0x1c6: {  	s6 =	smin.f32 s8, $9.999989860e-01;
	s0 =	smax.f32 s0, $9.999999970e-07  }
0x1c7: {  	s0 =	smin.f32 s0, $9.999989860e-01;
	s1 =	spop (v2sf)  }
0x1c8: {  	s7 =	smax.f32 s1, $9.999999970e-07;
	s0 =	ssub.f32 $1.000000000e+00, s0  }
0x1c9: {  	s1 =	ssub.f32 $1.000000000e+00, s5;
	s5 =	smin.f32 s7, $9.999989860e-01;
	(v2sf) =	vpush v0, $0x0  }
0x1ca: {  	s4 =	ssub.f32 $1.000000000e+00, s4;
	s7 =	spop (v2sf)  }
0x1cb: {  	s7 =	smax.f32 s7, $9.999999970e-07;
	s8 =	spop (v2sf)  }
0x1cc: {  	s8 =	smax.f32 s8, $9.999999970e-07;
	s7 =	smin.f32 s7, $9.999989860e-01;
	(v2sf) =	vpush v2, $0x0  }
0x1cd: {  	s6 =	ssub.f32 $1.000000000e+00, s6;
	s9 =	spop (v2sf)  }
0x1ce: {  	s5 =	ssub.f32 $1.000000000e+00, s5;
	s9 =	smax.f32 s9, $9.999999970e-07  }
0x1cf: {  	s8 =	smin.f32 s8, $9.999989860e-01;
	s10 =	spop (v2sf)  }
0x1d0: {  	s4 =	sadd.f32 s4, s22;
	s10 =	smax.f32 s10, $9.999999970e-07  }
0x1d1: {  	s11 =	sand.u32 $0xF0, s20;
	s8 =	ssub.f32 $1.000000000e+00, s8;
	s9 =	smin.f32 s9, $9.999989860e-01  }
0x1d2: {  	s7 =	ssub.f32 $1.000000000e+00, s7;
	v0 =	vld [tilespmem:s11+$0x1E00];
	s11 =	spop (v2sf)  }
0x1d3: {  	s8 =	sadd.f32 s8, s21;
	s12 =	spop (v2sf)  }
0x1d4: {  	s7 =	sadd.f32 s7, s19;
	s12 =	smax.f32 s12, $9.999999970e-07  }
0x1d5: {  	s2 =	sadd.f32 s3, s2;
	s3 =	smin.f32 s12, $9.999989860e-01  }
0x1d6: {  	s10 =	smin.f32 s10, $9.999989860e-01;
	s11 =	smax.f32 s11, $9.999999970e-07  }
0x1d7: {  	s10 =	ssub.f32 $1.000000000e+00, s10;
	s11 =	smin.f32 s11, $9.999989860e-01;
	(v2sf) =	vpush v0, $0xC  }
0x1d8: {  	s6 =	sadd.f32 s6, s7;
	(v2sf) =	vpush v0, $0x5;
	s7 =	spop (v2sf)  }
0x1d9: {  	s9 =	ssub.f32 $1.000000000e+00, s9;
	(v2sf) =	vpush v0, $0x4;
	s7 =	smax.f32 s7, $9.999999970e-07  }
0x1da: {  	s4 =	sadd.f32 s5, s4;
	(v2sf) =	vpush v0, $0x3;
	s5 =	smin.f32 s7, $9.999989860e-01  }
0x1db: {  	s1 =	sadd.f32 s1, s8;
	(v2sf) =	vpush v0, $0x2;
	s7 =	spop (v2sf)  }
0x1dc: {  	s0 =	sadd.f32 s0, s6;
	(v2sf) =	vpush v0, $0x1;
	s6 =	smax.f32 s7, $9.999999970e-07  }
0x1dd: {  	s5 =	ssub.f32 $1.000000000e+00, s5;
	s6 =	smin.f32 s6, $9.999989860e-01  }
0x1de: {  	s3 =	ssub.f32 $1.000000000e+00, s3;
	(v2sf) =	vpush v0, $0x0  }
0x1df: {  	s4 =	sadd.f32 s9, s4  }
0x1e0: {  	s6 =	ssub.f32 $1.000000000e+00, s6;
	(v2sf) =	vpush v0, $0x6  }
0x1e1: {  	s7 =	ssub.f32 $1.000000000e+00, s11  }
0x1e2: {  	s1 =	sadd.f32 s10, s1  }
0x1e3: {  	s23 =	sadd.f32 s3, s2  }
0x1e4: {  	s19 =	sadd.f32 s7, s0;
	(v2sf) =	vpush v0, $0x9  }
0x1e5: {  	s20 =	sadd.s32 $0x10, s20;
	s22 =	sadd.f32 s6, s4;
	(v2sf) =	vpush v0, $0xA  }
0x1e6: {  	s24 =	sshra.s32 s26, $0x2;
	s21 =	sadd.f32 s5, s1;
	s2 =	spop (v2sf)  }
0x1e7: {  	s1 =	spop (v2sf)  }
0x1e8: {  	s0 =	sand.u32 $0x7F, s2;
	s2 =	sshll.u32 s2, $0x2;
	s3 =	sand.u32 $0x7F, s1  }
0x1e9: {  	s4 =	sshll.u32 s1, $0x2;
	s8 =	spop (v2sf);
	s25 =	sand.u32 $0xFFFFFE00, s2  }
0x1ea: {  	s1 =	sshll.u32 s8, $0x2;
	s3 =	sshll.u32 s3, $0x2;
	s9 =	spop (v2sf)  }
0x1eb: {  	s4 =	sand.u32 $0xFFFFFE00, s4;
	s1 =	sand.u32 $0xFFFFFE00, s1;
	s5 =	spop (v2sf)  }
0x1ec: {  	s0 =	sshll.u32 s0, $0x2;
	s6 =	sand.u32 $0x7F, s5;
	s2 =	spop (v2sf)  }
0x1ed: {  	s10 =	sand.u32 $0x7F, s9;
	s7 =	sshll.u32 s2, $0x2;
	s6 =	sshll.u32 s6, $0x2  }
0x1ee: {  	s3 =	sor.u32 s3, s4;
	s7 =	sand.u32 $0xFFFFFE00, s7;
	s4 =	spop (v2sf)  }
0x1ef: {  	s5 =	sshll.u32 s5, $0x2;
	s3 =	sshra.s32 s3, $0x2;
	s2 =	sand.u32 $0x7F, s2  }
0x1f0: {  	s2 =	sshll.u32 s2, $0x2;
	s11 =	sand.u32 $0x7F, s4;
	s12 =	spop (v2sf);
	(v2sf) =	vpush v0, $0x7  }
0x1f1: {  	s2 =	sor.u32 s2, s7;
	s11 =	sshll.u32 s11, $0x2;
	s7 =	sand.u32 $0x7F, s12  }
0x1f2: {  	s5 =	sand.u32 $0xFFFFFE00, s5;
	s4 =	sshll.u32 s4, $0x2;
	s2 =	sshra.s32 s2, $0x2;
	(v2sf) =	vpush v0, $0xB  }
0x1f3: {  	s4 =	sand.u32 $0xFFFFFE00, s4;
	s12 =	sshll.u32 s12, $0x2;
	s7 =	sshll.u32 s7, $0x2  }
0x1f4: {  	s4 =	sor.u32 s11, s4;
	s11 =	sand.u32 $0xFFFFFE00, s12;
	s12 =	spop (v2sf)  }
0x1f5: {  	s4 =	sshra.s32 s4, $0x2;
	s13 =	sshll.u32 s12, $0x2;
	s14 =	spop (v2sf)  }
0x1f6: {  	s3 =	sadd.s32 s24, s3;
	s7 =	sor.u32 s7, s11;
	s11 =	sand.u32 $0x7F, s14;
	(v2sf) =	vpush v0, $0x8  }
0x1f7: {  	s8 =	sand.u32 $0x7F, s8;
	v1 =	vld [tilespmem:s3+$0x2280];
	s3 =	sshll.u32 s14, $0x2;
	s11 =	sshll.u32 s11, $0x2  }
0x1f8: {  	s2 =	sadd.s32 s24, s2;
	s12 =	sand.u32 $0x7F, s12;
	s3 =	sand.u32 $0xFFFFFE00, s3;
	(v2sf) =	vpush v0, $0xD  }
0x1f9: {  	s12 =	sshll.u32 s12, $0x2;
	v2 =	vld [tilespmem:s2+$0x2080];
	s2 =	sand.u32 $0xFFFFFE00, s13;
	s3 =	sor.u32 s11, s3  }
0x1fa: {  	s9 =	sshll.u32 s9, $0x2;
	s7 =	sshra.s32 s7, $0x2;
	s2 =	sor.u32 s12, s2;
	(v2sf) =	vpush v0, $0xE  }
0x1fb: {  	s9 =	sand.u32 $0xFFFFFE00, s9;
	s10 =	sshll.u32 s10, $0x2;
	s2 =	sshra.s32 s2, $0x2  }
0x1fc: {  	s8 =	sshll.u32 s8, $0x2;
	s9 =	sor.u32 s10, s9;
	s2 =	sadd.s32 s24, s2  }
0x1fd: {  	s1 =	sor.u32 s8, s1;
	s9 =	sshra.s32 s9, $0x2;
	s7 =	sadd.s32 s24, s7;
	v3 =	vld [tilespmem:s2+$0x2480];
	(v2sf) =	vpush v0, $0xF  }
0x1fe: {  	s1 =	sshra.s32 s1, $0x2;
	s2 =	sadd.s32 s24, s4;
	s4 =	sadd.s32 s24, s9;
	v4 =	vld [tilespmem:s7+$0x2300];
	(v2sf) =	vpush v2, $0x0  }
0x1ff: {  	s5 =	sor.u32 s6, s5;
	s1 =	sadd.s32 s24, s1;
	v2 =	vld [tilespmem:s4+$0x2180];
	s4 =	spop (v2sf)  }
0x200: {  	s3 =	sshra.s32 s3, $0x2;
	v0 =	vld [tilespmem:s2+$0x2000];
	s2 =	sand.u32 $0x7F, s4;
	s4 =	sshll.u32 s4, $0x2;
	(v2sf) =	vpush v1, $0x0  }
0x201: {  	v1 =	vld [tilespmem:s1+$0x2200];
	s1 =	sand.u32 $0xFFFFFE00, s4;
	s2 =	sshll.u32 s2, $0x2;
	s4 =	spop (v2sf)  }
0x202: {  	s1 =	sor.u32 s2, s1;
	s2 =	sand.u32 $0x7F, s4;
	s4 =	sshll.u32 s4, $0x2;
	(v2sf) =	vpush v3, $0x0  }
0x203: {  	s1 =	sshra.s32 s1, $0x2;
	s4 =	sand.u32 $0xFFFFFE00, s4;
	s2 =	sshll.u32 s2, $0x2;
	(v2sf) =	vpush v4, $0x0  }
0x204: {  	s1 =	sadd.s32 s24, s1;
	s2 =	sor.u32 s2, s4;
	(v2sf) =	vpush v2, $0x0;
	s4 =	sshra.s32 s5, $0x2  }
0x205: {  	v2 =	vld [tilespmem:s1+$0x2380];
	s1 =	sadd.s32 s24, s3;
	s2 =	sshra.s32 s2, $0x2;
	s3 =	spop (v2sf)  }
0x206: {  	s5 =	sand.u32 $0x7F, s3;
	v4 =	vld [tilespmem:s1+$0x2500];
	s1 =	sadd.s32 s24, s2;
	(v2sf) =	vpush v1, $0x0;
	s2 =	sshll.u32 s3, $0x2  }
.Ltmp3:
0x207: {  	s3 =	sshll.u32 s5, $0x2;
	v1 =	vld [tilespmem:s1+$0x2580];
	s1 =	spop (v2sf);
	(pc) =	sbr.rel @p0 .LBB2_8-.Ltmp3, $4  }
0x208: {  	s4 =	sadd.s32 s24, s4;
	s2 =	sand.u32 $0xFFFFFE00, s2;
	s5 =	sand.u32 $0x7F, s1  }
0x209: {  	s2 =	sor.u32 s3, s2;
	s1 =	sshll.u32 s1, $0x2;
	v3 =	vld [tilespmem:s4+$0x2100];
	s6 =	spop (v2sf)  }
0x20a: {  	s2 =	sshra.s32 s2, $0x2;
	s3 =	sand.u32 $0xFFFFFE00, s1;
	s4 =	sshll.u32 s5, $0x2  }
0x20b: {  	s1 =	sadd.s32 s24, s2;
	s5 =	sor.u32 s4, s3;
	s3 =	sand.u32 $0x7F, s6;
	(v2sf) =	vpush v4, $0x0  }
0x20c: {  	s2 =	sshll.u32 s6, $0x2  }
0x20d: {  	s3 =	sshll.u32 s3, $0x2;
	s4 =	spop (v2sf);
	s2 =	sand.u32 $0xFFFFFE00, s2  }
0x20e: {  	s5 =	sshra.s32 s5, $0x2;
	s0 =	sor.u32 s0, s25;
	s2 =	sor.u32 s3, s2  }
0x20f: {  	s10 =	sshll.u32 s4, $0x2;
	s11 =	sand.u32 $0x7F, s4;
	s2 =	sshra.s32 s2, $0x2  }
0x210: {  	(v2sf) =	vpush v2, $0x0;
	v2 =	vld [tilespmem:s1+$0x2400];
	s13 =	sand.u32 $0xFFFFFE00, s10;
	s3 =	sshll.u32 s11, $0x2;
	s12 =	sadd.s32 s24, s2  }
0x211: {  	s14 =	sadd.s32 s24, s5;
	s0 =	sshra.s32 s0, $0x2;
	s15 =	sor.u32 s3, s13;
	v4 =	vld [tilespmem:s12+$0x2700]  }
0x212: {  	s16 =	spop (v2sf);
	(v2sf) =	vpush v3, $0x0;
	v3 =	vld [tilespmem:s14+$0x2680];
	s0 =	sadd.s32 s24, s0;
	s1 =	sshra.s32 s15, $0x2  }
0x213: {  	(v2sf) =	vpush v0, $0x0;
	v0 =	vld [tilespmem:s0+$0x2600];
	s1 =	sadd.s32 s24, s1  }
0x214: {  	s18 =	spop (v2sf);
	(v2sf) =	vpush v1, $0x0;
	v1 =	vld [tilespmem:s1+$0x2780]  }
0x215: {  	s2 =	smax.f32 s16, $9.999999970e-07;
	s20 =	smax.f32 s18, $9.999999970e-07;
	(v2sf) =	vpush v2, $0x0  }
0x216: {  	s17 =	smin.f32 s2, $9.999989860e-01;
	s24 =	spop (v2sf);
	(v2sf) =	vpush v4, $0x0  }
0x217: {  	s0 =	ssub.f32 $1.000000000e+00, s17;
	s25 =	spop (v2sf);
	(v2sf) =	vpush v3, $0x0  }
0x218: {  	s1 =	smin.f32 s20, $9.999989860e-01;
	s26 =	spop (v2sf);
	(v2sf) =	vpush v0, $0x0  }
0x219: {  	s2 =	smax.f32 s24, $9.999999970e-07;
	s28 =	spop (v2sf);
	(v2sf) =	vpush v1, $0x0  }
0x21a: {  	s3 =	smax.f32 s25, $9.999999970e-07;
	s1 =	ssub.f32 $1.000000000e+00, s1  }
0x21b: {  	s2 =	smin.f32 s2, $9.999989860e-01;
	s0 =	sadd.f32 s0, s23  }
0x21c: {  	s4 =	smax.f32 s26, $9.999999970e-07;
	s2 =	ssub.f32 $1.000000000e+00, s2  }
0x21d: {  	s3 =	smin.f32 s3, $9.999989860e-01;
	s4 =	smin.f32 s4, $9.999989860e-01  }
0x21e: {  	s3 =	ssub.f32 $1.000000000e+00, s3;
	s5 =	smax.f32 s28, $9.999999970e-07  }
0x21f: {  	s0 =	sadd.f32 s1, s0;
	s29 =	spop (v2sf)  }
0x220: {  	s4 =	ssub.f32 $1.000000000e+00, s4;
	s30 =	spop (v2sf)  }
0x221: {  	s5 =	smin.f32 s5, $9.999989860e-01;
	s7 =	spop (v2sf)  }
0x222: {  	s5 =	ssub.f32 $1.000000000e+00, s5;
	s8 =	spop (v2sf)  }
0x223: {  	s4 =	sadd.f32 s4, s22;
	s9 =	spop (v2sf)  }
0x224: {  	s0 =	sadd.f32 s2, s0;
	s10 =	spop (v2sf)  }
0x225: {  	s1 =	smax.f32 s29, $9.999999970e-07;
	s11 =	spop (v2sf)  }
0x226: {  	s16 =	simm.s32 $0x2;
	s1 =	smin.f32 s1, $9.999989860e-01;
	s12 =	spop (v2sf)  }
0x227: {  	s15 =	simm.s32 $0x0;
	s6 =	smax.f32 s30, $9.999999970e-07;
	s13 =	spop (v2sf)  }
0x228: {  	s15 =	sand.u32 $0xF0, s15;
	s6 =	smin.f32 s6, $9.999989860e-01;
	s14 =	spop (v2sf)  }
0x229: {  	s1 =	ssub.f32 $1.000000000e+00, s1;
	s7 =	smax.f32 s7, $9.999999970e-07;
	_ =	swait.ge [sflag:s16], $0x8000  }
0x22a: {  	s6 =	ssub.f32 $1.000000000e+00, s6;
	s7 =	smin.f32 s7, $9.999989860e-01;
	[sflag:s16] =	ssyncset.done $0x0  }
0x22b: {  	s8 =	smax.f32 s8, $9.999999970e-07;
	s7 =	ssub.f32 $1.000000000e+00, s7;
	[sflag:s16] =	ssyncadd.s32 $0xFFFF8000  }
0x22c: {  	s8 =	smin.f32 s8, $9.999989860e-01;
	s4 =	sadd.f32 s6, s4;
	v0 =	vld [tilespmem:s15+$0x1F00]  }
0x22d: {  	s9 =	smax.f32 s9, $9.999999970e-07;
	s8 =	ssub.f32 $1.000000000e+00, s8  }
0x22e: {  	s9 =	smin.f32 s9, $9.999989860e-01;
	s7 =	sadd.f32 s7, s19  }
0x22f: {  	s10 =	smax.f32 s10, $9.999999970e-07;
	s9 =	ssub.f32 $1.000000000e+00, s9  }
0x230: {  	s31 =	smin.f32 s10, $9.999989860e-01;
	s8 =	sadd.f32 s8, s21  }
0x231: {  	s2 =	ssub.f32 $1.000000000e+00, s31;
	(v2sf) =	vpush v0, $0xC  }
0x232: {  	s3 =	sadd.f32 s3, s7;
	(v2sf) =	vpush v0, $0x5  }
0x233: {  	s4 =	sadd.f32 s9, s4;
	(v2sf) =	vpush v0, $0x4  }
0x234: {  	s5 =	sadd.f32 s5, s8;
	(v2sf) =	vpush v0, $0x3  }
0x235: {  	s1 =	sadd.f32 s1, s3  }
0x236: {  	s10 =	smax.f32 s12, $9.999999970e-07;
	s2 =	sadd.f32 s2, s5;
	(v2sf) =	vpush v0, $0x2  }
0x237: {  	s7 =	smin.f32 s10, $9.999989860e-01;
	s12 =	smax.f32 s13, $9.999999970e-07  }
0x238: {  	s13 =	smax.f32 s11, $9.999999970e-07;
	s6 =	smin.f32 s12, $9.999989860e-01;
	(v2sf) =	vpush v0, $0x1  }
0x239: {  	s14 =	smax.f32 s14, $9.999999970e-07;
	s7 =	ssub.f32 $1.000000000e+00, s7  }
0x23a: {  	s3 =	smin.f32 s13, $9.999989860e-01;
	s6 =	ssub.f32 $1.000000000e+00, s6  }
0x23b: {  	s8 =	smin.f32 s14, $9.999989860e-01;
	s3 =	ssub.f32 $1.000000000e+00, s3;
	(v2sf) =	vpush v0, $0x0  }
0x23c: {  	s8 =	ssub.f32 $1.000000000e+00, s8  }
0x23d: {  	s24 =	sadd.f32 s7, s0  }
0x23e: {  	s18 =	sadd.f32 s3, s1;
	(v2sf) =	vpush v0, $0x6  }
0x23f: {  	s23 =	simm.s32 $0x0;
	s22 =	simm.s32 $0x10;
	s19 =	sadd.f32 s6, s2  }
0x240: {  	s21 =	simm.s32 $0x2000;
	s20 =	sadd.f32 s8, s4;
	s15 =	spop (v2sf)  }
0x241: {  	(v2sf) =	vpush v0, $0x9;
	s1 =	sand.u32 $0x7F, s15;
	s16 =	sshll.u32 s15, $0x2;
	s17 =	spop (v2sf)  }
0x242: {  	s25 =	sand.u32 $0x7F, s17;
	s26 =	sshll.u32 s17, $0x2;
	s5 =	spop (v2sf)  }
0x243: {  	s28 =	sshll.u32 s5, $0x2;
	s3 =	sshll.u32 s25, $0x2;
	s6 =	spop (v2sf)  }
0x244: {  	s4 =	sand.u32 $0xFFFFFE00, s26;
	s25 =	sand.u32 $0xFFFFFE00, s16;
	s26 =	sshll.u32 s1, $0x2  }
0x245: {  	(v2sf) =	vpush v0, $0xA;
	s5 =	sand.u32 $0x7F, s5;
	s0 =	sand.u32 $0xFFFFFE00, s28;
	s29 =	spop (v2sf)  }
0x246: {  	s10 =	sand.u32 $0x7F, s6;
	s3 =	sor.u32 s3, s4;
	s6 =	sshll.u32 s6, $0x2  }
0x247: {  	s5 =	sshll.u32 s5, $0x2;
	s30 =	sand.u32 $0x7F, s29;
	s31 =	spop (v2sf)  }
0x248: {  	(v2sf) =	vpush v0, $0x7;
	s7 =	sshll.u32 s29, $0x2;
	s3 =	sshra.s32 s3, $0x2;
	s6 =	sand.u32 $0xFFFFFE00, s6  }
0x249: {  	(v2sf) =	vpush v0, $0xB;
	s10 =	sshll.u32 s10, $0x2;
	s0 =	sor.u32 s5, s0;
	s11 =	sshll.u32 s31, $0x2  }
0x24a: {  	s8 =	sshll.u32 s30, $0x2;
	s12 =	spop (v2sf);
	s2 =	sand.u32 $0x7F, s31  }
0x24b: {  	s7 =	sand.u32 $0xFFFFFE00, s7;
	s3 =	sadd.s32 $0x0, s3;
	(v2sf) =	vpush v0, $0x8;
	s6 =	sor.u32 s10, s6  }
0x24c: {  	s0 =	sshra.s32 s0, $0x2;
	s9 =	sand.u32 $0xFFFFFE00, s11;
	s13 =	sand.u32 $0x7F, s12  }
0x24d: {  	s2 =	sshll.u32 s2, $0x2;
	s14 =	spop (v2sf);
	s4 =	sshll.u32 s12, $0x2  }
0x24e: {  	(v2sf) =	vpush v0, $0xD;
	s6 =	sshra.s32 s6, $0x2;
	s0 =	sadd.s32 $0x0, s0;
	s11 =	sshll.u32 s13, $0x2  }
0x24f: {  	s2 =	sor.u32 s2, s9;
	s15 =	sand.u32 $0x7F, s14;
	s4 =	sand.u32 $0xFFFFFE00, s4  }
0x250: {  	s12 =	sshll.u32 s14, $0x2;
	s17 =	spop (v2sf);
	s6 =	sadd.s32 $0x0, s6  }
0x251: {  	(v2sf) =	vpush v0, $0xE;
	s2 =	sshra.s32 s2, $0x2;
	s9 =	sshll.u32 s15, $0x2;
	s16 =	sand.u32 $0xFFFFFE00, s12  }
0x252: {  	s28 =	sshll.u32 s17, $0x2;
	s12 =	sand.u32 $0x7F, s17;
	s31 =	sadd.s32 $0x0, s2  }
0x253: {  	s4 =	sor.u32 s11, s4;
	s13 =	sand.u32 $0xFFFFFE00, s28;
	s2 =	sshll.u32 s12, $0x2;
	v1 =	vld [tilespmem:s31+$0xA080]  }
0x254: {  	s29 =	spop (v2sf);
	s9 =	sor.u32 s9, s16;
	s2 =	sor.u32 s2, s13  }
0x255: {  	v2 =	vld [tilespmem:s3+$0xA280];
	s30 =	sand.u32 $0x7F, s29;
	s14 =	sshll.u32 s29, $0x2;
	s2 =	sshra.s32 s2, $0x2  }
0x256: {  	s11 =	sshll.u32 s30, $0x2;
	s9 =	sshra.s32 s9, $0x2;
	s2 =	sadd.s32 $0x0, s2  }
0x257: {  	(v2sf) =	vpush v0, $0xF;
	s15 =	sand.u32 $0xFFFFFE00, s14;
	s9 =	sadd.s32 $0x0, s9;
	v3 =	vld [tilespmem:s2+$0xA480];
	s17 =	spop (v2sf)  }
0x258: {  	s4 =	sshra.s32 s4, $0x2;
	s11 =	sor.u32 s11, s15;
	v4 =	vld [tilespmem:s9+$0xA300];
	s30 =	spop (v2sf);
	(v2sf) =	vpush v1, $0x0  }
0x259: {  	v5 =	vld [tilespmem:s6+$0xA180];
	s16 =	sor.u32 s8, s7;
	s4 =	sadd.s32 $0x0, s4;
	s9 =	sshra.s32 s11, $0x2  }
0x25a: {  	s28 =	sand.u32 $0x7F, s17;
	s7 =	sshll.u32 s17, $0x2;
	s11 =	spop (v2sf);
	(v2sf) =	vpush v2, $0x0  }
0x25b: {  	s5 =	sshra.s32 s16, $0x2;
	s29 =	sand.u32 $0xFFFFFE00, s7;
	s1 =	sshll.u32 s28, $0x2;
	v1 =	vld [tilespmem:s0+$0xA200]  }
0x25c: {  	s16 =	sadd.s32 $0x0, s5;
	s10 =	sadd.s32 $0x0, s9;
	s1 =	sor.u32 s1, s29;
	(v2sf) =	vpush v3, $0x0  }
0x25d: {  	s31 =	sand.u32 $0x7F, s30;
	s8 =	sshll.u32 s30, $0x2;
	s15 =	spop (v2sf);
	(v2sf) =	vpush v4, $0x0  }
0x25e: {  	s1 =	sshra.s32 s1, $0x2;
	s12 =	sand.u32 $0x7F, s11;
	s13 =	sshll.u32 s11, $0x2;
	(v2sf) =	vpush v5, $0x0  }
0x25f: {  	v6 =	vld [tilespmem:s10+$0xA500];
	s3 =	sand.u32 $0xFFFFFE00, s8;
	s14 =	sshll.u32 s12, $0x2;
	s0 =	sand.u32 $0xFFFFFE00, s13  }
0x260: {  	s2 =	sshll.u32 s31, $0x2;
	s28 =	sor.u32 s14, s0;
	s0 =	spop (v2sf);
	(v2sf) =	vpush v1, $0x0  }
0x261: {  	v0 =	vld [tilespmem:s4+$0xA000];
	s1 =	sadd.s32 $0x0, s1;
	s2 =	sor.u32 s2, s3;
	s29 =	sshll.u32 s15, $0x2  }
0x262: {  	s17 =	sand.u32 $0x7F, s15;
	s2 =	sshra.s32 s2, $0x2;
	v2 =	vld [tilespmem:s1+$0xA380];
	s30 =	sand.u32 $0xFFFFFE00, s29  }
0x263: {  	v3 =	vld [tilespmem:s16+$0xA100];
	s31 =	sshll.u32 s17, $0x2;
	s2 =	sadd.s32 $0x0, s2;
	s1 =	sshra.s32 s28, $0x2  }
0x264: {  	s5 =	sor.u32 s31, s30;
	s3 =	sand.u32 $0x7F, s0;
	v1 =	vld [tilespmem:s2+$0xA580];
	s1 =	sadd.s32 $0x0, s1;
	(v2sf) =	vpush v6, $0x0  }
.LBB2_10:
0x265: {  	s2 =	sshll.u32 s0, $0x2  }
0x266: {  	s3 =	sshll.u32 s3, $0x2;
	s4 =	spop (v2sf);
	s0 =	smov.u32 s21  }
0x267: {  	s2 =	sand.u32 $0xFFFFFE00, s2;
	s6 =	sshll.u32 s4, $0x2;
	s7 =	spop (v2sf);
	(v2sf) =	vpush v2, $0x0  }
0x268: {  	s5 =	sshra.s32 s5, $0x2;
	s4 =	sand.u32 $0x7F, s4;
	s7 =	smax.f32 s7, $9.999999970e-07  }
0x269: {  	s8 =	sor.u32 s26, s25;
	s7 =	smin.f32 s7, $9.999989860e-01;
	s9 =	spop (v2sf)  }
0x26a: {  	s7 =	ssub.f32 $1.000000000e+00, s7;
	s9 =	smax.f32 s9, $9.999999970e-07;
	v2 =	vld [tilespmem:s1+$0xA400];
	s1 =	sor.u32 s3, s2;
	(v2sf) =	vpush v3, $0x0  }
0x26b: {  	s2 =	smin.f32 s9, $9.999989860e-01;
	s1 =	sshra.s32 s1, $0x2;
	(v2sf) =	vpush v0, $0x0;
	s3 =	spop (v2sf)  }
0x26c: {  	s3 =	smax.f32 s3, $9.999999970e-07;
	s1 =	sadd.s32 s23, s1;
	s9 =	spop (v2sf)  }
0x26d: {  	s5 =	sadd.s32 s23, s5;
	s9 =	smax.f32 s9, $9.999999970e-07;
	v0 =	vld [tilespmem:s1+$0xA700];
	s1 =	spop (v2sf);
	(v2sf) =	vpush v1, $0x0  }
0x26e: {  	s4 =	sshll.u32 s4, $0x2;
	s3 =	smin.f32 s3, $9.999989860e-01;
	v1 =	vld [tilespmem:s5+$0xA680];
	s5 =	sand.u32 $0xFFFFFE00, s6  }
0x26f: {  	s6 =	sadd.f32 s7, s24;
	s4 =	sor.u32 s4, s5;
	s5 =	spop (v2sf);
	(v2sf) =	vpush v2, $0x0  }
0x270: {  	s1 =	smax.f32 s1, $9.999999970e-07;
	s7 =	sshra.s32 s8, $0x2;
	s4 =	sshra.s32 s4, $0x2  }
0x271: {  	p0 =	sne.s32 s21, $0x1E000;
	s5 =	smax.f32 s5, $9.999999970e-07;
	s4 =	sadd.s32 s23, s4  }
0x272: {  	s2 =	ssub.f32 $1.000000000e+00, s2;
	s7 =	sadd.s32 s23, s7;
	s5 =	smin.f32 s5, $9.999989860e-01;
	v2 =	vld [tilespmem:s4+$0xA780];
	(v2sf) =	vpush v0, $0x0  }
0x273: {  	s21 =	sadd.s32 $0x2000, s21;
	s3 =	ssub.f32 $1.000000000e+00, s3;
	s4 =	smin.f32 s1, $9.999989860e-01;
	v0 =	vld [tilespmem:s7+$0xA600];
	(v2sf) =	vpush v1, $0x0  }
0x274: {  	s2 =	sadd.f32 s2, s6;
	s1 =	spop (v2sf)  }
0x275: {  	s6 =	smin.f32 s9, $9.999989860e-01;
	s1 =	smax.f32 s1, $9.999999970e-07  }
0x276: {  	s1 =	smin.f32 s1, $9.999989860e-01;
	s7 =	spop (v2sf)  }
0x277: {  	s7 =	smax.f32 s7, $9.999999970e-07;
	s1 =	ssub.f32 $1.000000000e+00, s1  }
0x278: {  	s5 =	ssub.f32 $1.000000000e+00, s5;
	s7 =	smin.f32 s7, $9.999989860e-01;
	(v2sf) =	vpush v0, $0x0  }
0x279: {  	s4 =	ssub.f32 $1.000000000e+00, s4;
	s8 =	spop (v2sf)  }
0x27a: {  	s8 =	smax.f32 s8, $9.999999970e-07;
	s9 =	spop (v2sf)  }
0x27b: {  	s9 =	smax.f32 s9, $9.999999970e-07;
	s8 =	smin.f32 s8, $9.999989860e-01;
	(v2sf) =	vpush v2, $0x0  }
0x27c: {  	s6 =	ssub.f32 $1.000000000e+00, s6;
	s10 =	spop (v2sf)  }
0x27d: {  	s7 =	ssub.f32 $1.000000000e+00, s7;
	s10 =	smax.f32 s10, $9.999999970e-07  }
0x27e: {  	s9 =	smin.f32 s9, $9.999989860e-01;
	s11 =	spop (v2sf)  }
0x27f: {  	s4 =	sadd.f32 s4, s20;
	s11 =	smax.f32 s11, $9.999999970e-07  }
0x280: {  	s12 =	sand.u32 $0xF0, s22;
	s9 =	ssub.f32 $1.000000000e+00, s9;
	s10 =	smin.f32 s10, $9.999989860e-01  }
0x281: {  	s8 =	ssub.f32 $1.000000000e+00, s8;
	v0 =	vld [tilespmem:s12+$0x1F00];
	s12 =	spop (v2sf)  }
0x282: {  	s9 =	sadd.f32 s9, s19;
	s13 =	spop (v2sf)  }
0x283: {  	s8 =	sadd.f32 s8, s18;
	s13 =	smax.f32 s13, $9.999999970e-07  }
0x284: {  	s2 =	sadd.f32 s3, s2;
	s3 =	smin.f32 s13, $9.999989860e-01  }
0x285: {  	s11 =	smin.f32 s11, $9.999989860e-01;
	s12 =	smax.f32 s12, $9.999999970e-07  }
0x286: {  	s11 =	ssub.f32 $1.000000000e+00, s11;
	s12 =	smin.f32 s12, $9.999989860e-01;
	(v2sf) =	vpush v0, $0xC  }
0x287: {  	s6 =	sadd.f32 s6, s8;
	(v2sf) =	vpush v0, $0x5;
	s8 =	spop (v2sf)  }
0x288: {  	s10 =	ssub.f32 $1.000000000e+00, s10;
	(v2sf) =	vpush v0, $0x4;
	s8 =	smax.f32 s8, $9.999999970e-07  }
0x289: {  	s4 =	sadd.f32 s7, s4;
	(v2sf) =	vpush v0, $0x3;
	s7 =	smin.f32 s8, $9.999989860e-01  }
0x28a: {  	s5 =	sadd.f32 s5, s9;
	(v2sf) =	vpush v0, $0x2;
	s8 =	spop (v2sf)  }
0x28b: {  	s1 =	sadd.f32 s1, s6;
	(v2sf) =	vpush v0, $0x1;
	s6 =	smax.f32 s8, $9.999999970e-07  }
0x28c: {  	s7 =	ssub.f32 $1.000000000e+00, s7;
	s6 =	smin.f32 s6, $9.999989860e-01  }
0x28d: {  	s3 =	ssub.f32 $1.000000000e+00, s3;
	(v2sf) =	vpush v0, $0x0  }
0x28e: {  	s4 =	sadd.f32 s10, s4  }
0x28f: {  	s6 =	ssub.f32 $1.000000000e+00, s6;
	(v2sf) =	vpush v0, $0x6  }
0x290: {  	s8 =	ssub.f32 $1.000000000e+00, s12  }
0x291: {  	s5 =	sadd.f32 s11, s5  }
0x292: {  	s24 =	sadd.f32 s3, s2  }
0x293: {  	s18 =	sadd.f32 s8, s1;
	(v2sf) =	vpush v0, $0x9  }
0x294: {  	s22 =	sadd.s32 $0x10, s22;
	s20 =	sadd.f32 s6, s4;
	(v2sf) =	vpush v0, $0xA  }
0x295: {  	s23 =	sshra.s32 s0, $0x2;
	s19 =	sadd.f32 s7, s5;
	s0 =	spop (v2sf)  }
0x296: {  	s5 =	sand.u32 $0x7F, s0;
	s1 =	sshll.u32 s0, $0x2;
	s0 =	spop (v2sf)  }
0x297: {  	s2 =	sand.u32 $0x7F, s0  }
0x298: {  	s3 =	sshll.u32 s0, $0x2;
	s6 =	spop (v2sf);
	s25 =	sand.u32 $0xFFFFFE00, s1  }
0x299: {  	s0 =	sshll.u32 s6, $0x2;
	s2 =	sshll.u32 s2, $0x2;
	s8 =	spop (v2sf)  }
0x29a: {  	s3 =	sand.u32 $0xFFFFFE00, s3;
	s0 =	sand.u32 $0xFFFFFE00, s0;
	s4 =	spop (v2sf)  }
0x29b: {  	s26 =	sshll.u32 s5, $0x2;
	s7 =	sand.u32 $0x7F, s4;
	s9 =	spop (v2sf)  }
0x29c: {  	s10 =	sshll.u32 s9, $0x2;
	s1 =	sshll.u32 s7, $0x2;
	s7 =	sand.u32 $0x7F, s8  }
0x29d: {  	s2 =	sor.u32 s2, s3;
	s10 =	sand.u32 $0xFFFFFE00, s10;
	s3 =	spop (v2sf)  }
0x29e: {  	s4 =	sshll.u32 s4, $0x2;
	s2 =	sshra.s32 s2, $0x2;
	s9 =	sand.u32 $0x7F, s9  }
0x29f: {  	s9 =	sshll.u32 s9, $0x2;
	s11 =	sand.u32 $0x7F, s3;
	s12 =	spop (v2sf);
	(v2sf) =	vpush v0, $0x7  }
0x2a0: {  	s9 =	sor.u32 s9, s10;
	s11 =	sshll.u32 s11, $0x2;
	s10 =	sand.u32 $0x7F, s12  }
0x2a1: {  	s4 =	sand.u32 $0xFFFFFE00, s4;
	s3 =	sshll.u32 s3, $0x2;
	s9 =	sshra.s32 s9, $0x2;
	(v2sf) =	vpush v0, $0xB  }
0x2a2: {  	s3 =	sand.u32 $0xFFFFFE00, s3;
	s12 =	sshll.u32 s12, $0x2;
	s10 =	sshll.u32 s10, $0x2  }
0x2a3: {  	s3 =	sor.u32 s11, s3;
	s11 =	sand.u32 $0xFFFFFE00, s12;
	s12 =	spop (v2sf)  }
0x2a4: {  	s3 =	sshra.s32 s3, $0x2;
	s13 =	sshll.u32 s12, $0x2;
	s14 =	spop (v2sf)  }
0x2a5: {  	s2 =	sadd.s32 s23, s2;
	s10 =	sor.u32 s10, s11;
	s11 =	sand.u32 $0x7F, s14;
	(v2sf) =	vpush v0, $0x8  }
0x2a6: {  	s6 =	sand.u32 $0x7F, s6;
	v1 =	vld [tilespmem:s2+$0xA280];
	s2 =	sshll.u32 s14, $0x2;
	s11 =	sshll.u32 s11, $0x2  }
0x2a7: {  	s5 =	sadd.s32 s23, s9;
	s9 =	sand.u32 $0x7F, s12;
	s2 =	sand.u32 $0xFFFFFE00, s2;
	(v2sf) =	vpush v0, $0xD  }
0x2a8: {  	s9 =	sshll.u32 s9, $0x2;
	v2 =	vld [tilespmem:s5+$0xA080];
	s5 =	sand.u32 $0xFFFFFE00, s13;
	s2 =	sor.u32 s11, s2  }
0x2a9: {  	s8 =	sshll.u32 s8, $0x2;
	s10 =	sshra.s32 s10, $0x2;
	s5 =	sor.u32 s9, s5;
	(v2sf) =	vpush v0, $0xE  }
0x2aa: {  	s8 =	sand.u32 $0xFFFFFE00, s8;
	s7 =	sshll.u32 s7, $0x2;
	s5 =	sshra.s32 s5, $0x2  }
0x2ab: {  	s6 =	sshll.u32 s6, $0x2;
	s7 =	sor.u32 s7, s8;
	s5 =	sadd.s32 s23, s5  }
0x2ac: {  	s0 =	sor.u32 s6, s0;
	s7 =	sshra.s32 s7, $0x2;
	s8 =	sadd.s32 s23, s10;
	v3 =	vld [tilespmem:s5+$0xA480];
	(v2sf) =	vpush v0, $0xF  }
0x2ad: {  	s0 =	sshra.s32 s0, $0x2;
	s3 =	sadd.s32 s23, s3;
	s5 =	sadd.s32 s23, s7;
	v4 =	vld [tilespmem:s8+$0xA300];
	(v2sf) =	vpush v2, $0x0  }
0x2ae: {  	s1 =	sor.u32 s1, s4;
	s0 =	sadd.s32 s23, s0;
	v2 =	vld [tilespmem:s5+$0xA180];
	s4 =	spop (v2sf)  }
0x2af: {  	s1 =	sshra.s32 s1, $0x2;
	v0 =	vld [tilespmem:s3+$0xA000];
	s3 =	sand.u32 $0x7F, s4;
	s4 =	sshll.u32 s4, $0x2;
	(v2sf) =	vpush v1, $0x0  }
0x2b0: {  	v1 =	vld [tilespmem:s0+$0xA200];
	s0 =	sand.u32 $0xFFFFFE00, s4;
	s3 =	sshll.u32 s3, $0x2;
	s4 =	spop (v2sf)  }
0x2b1: {  	s0 =	sor.u32 s3, s0;
	s3 =	sand.u32 $0x7F, s4;
	s4 =	sshll.u32 s4, $0x2;
	(v2sf) =	vpush v3, $0x0  }
0x2b2: {  	s0 =	sshra.s32 s0, $0x2;
	s4 =	sand.u32 $0xFFFFFE00, s4;
	s3 =	sshll.u32 s3, $0x2;
	(v2sf) =	vpush v4, $0x0  }
0x2b3: {  	s2 =	sshra.s32 s2, $0x2;
	s0 =	sadd.s32 s23, s0;
	s3 =	sor.u32 s3, s4;
	(v2sf) =	vpush v2, $0x0  }
0x2b4: {  	v2 =	vld [tilespmem:s0+$0xA380];
	s0 =	sadd.s32 s23, s2;
	s2 =	sshra.s32 s3, $0x2;
	s3 =	spop (v2sf)  }
0x2b5: {  	s4 =	sand.u32 $0x7F, s3;
	v4 =	vld [tilespmem:s0+$0xA500];
	s0 =	sadd.s32 s23, s2;
	(v2sf) =	vpush v1, $0x0;
	s2 =	sshll.u32 s3, $0x2  }
.Ltmp4:
0x2b6: {  	s3 =	sshll.u32 s4, $0x2;
	v1 =	vld [tilespmem:s0+$0xA580];
	s0 =	spop (v2sf);
	(pc) =	sbr.rel @p0 .LBB2_10-.Ltmp4, $4  }
0x2b7: {  	s1 =	sadd.s32 s23, s1;
	s2 =	sand.u32 $0xFFFFFE00, s2;
	s4 =	sand.u32 $0x7F, s0  }
0x2b8: {  	v3 =	vld [tilespmem:s1+$0xA100];
	s1 =	sor.u32 s3, s2;
	s2 =	sshll.u32 s0, $0x2;
	s0 =	spop (v2sf)  }
0x2b9: {  	s3 =	sshll.u32 s4, $0x2;
	s1 =	sshra.s32 s1, $0x2;
	s2 =	sand.u32 $0xFFFFFE00, s2  }
0x2ba: {  	s1 =	sadd.s32 s23, s1;
	s5 =	sor.u32 s3, s2;
	s3 =	sand.u32 $0x7F, s0;
	(v2sf) =	vpush v4, $0x0  }
0x2bb: {  	s16 =	spop (v2sf)  }
0x2bc: {  	s6 =	spop (v2sf)  }
0x2bd: {  	s0 =	sshll.u32 s0, $0x2;
	s2 =	sshll.u32 s3, $0x2;
	(v2sf) =	vpush v2, $0x0;
	s6 =	smax.f32 s6, $9.999999970e-07  }
0x2be: {  	s5 =	sshra.s32 s5, $0x2;
	s6 =	smin.f32 s6, $9.999989860e-01;
	s17 =	spop (v2sf)  }
0x2bf: {  	v58 =	vld [tilespmem:s1+$0xA400];
	s0 =	sand.u32 $0xFFFFFE00, s0;
	(v2sf) =	vpush v3, $0x0;
	s21 =	ssub.f32 $1.000000000e+00, s6;
	s1 =	smax.f32 s17, $9.999999970e-07  }
0x2c0: {  	s0 =	sor.u32 s2, s0;
	(v2sf) =	vpush v0, $0x0;
	s1 =	smin.f32 s1, $9.999989860e-01;
	s22 =	spop (v2sf)  }
0x2c1: {  	s0 =	sshra.s32 s0, $0x2;
	s6 =	smax.f32 s22, $9.999999970e-07;
	s2 =	sadd.f32 s21, s24  }
0x2c2: {  	s0 =	sadd.s32 s23, s0;
	s28 =	spop (v2sf);
	s1 =	ssub.f32 $1.000000000e+00, s1  }
0x2c3: {  	s7 =	sor.u32 s26, s25;
	v59 =	vld [tilespmem:s0+$0xA700];
	(v2sf) =	vpush v1, $0x0;
	s0 =	smax.f32 s28, $9.999999970e-07;
	s29 =	smin.f32 s6, $9.999989860e-01  }
0x2c4: {  	s4 =	sshll.u32 s16, $0x2;
	s8 =	spop (v2sf);
	s31 =	ssub.f32 $1.000000000e+00, s29  }
0x2c5: {  	s3 =	sand.u32 $0x7F, s16;
	s8 =	smax.f32 s8, $9.999999970e-07;
	s1 =	sadd.f32 s1, s2  }
0x2c6: {  	s5 =	sadd.s32 s23, s5;
	(v2sf) =	vpush v58, $0x0;
	s0 =	smin.f32 s0, $9.999989860e-01;
	s30 =	spop (v2sf)  }
0x2c7: {  	s7 =	sshra.s32 s7, $0x2;
	v60 =	vld [tilespmem:s5+$0xA680];
	s8 =	smin.f32 s8, $9.999989860e-01;
	s0 =	ssub.f32 $1.000000000e+00, s0  }
0x2c8: {  	s4 =	sand.u32 $0xFFFFFE00, s4;
	s6 =	smax.f32 s30, $9.999999970e-07;
	s16 =	ssub.f32 $1.000000000e+00, s8  }
0x2c9: {  	s3 =	sshll.u32 s3, $0x2;
	s1 =	sadd.f32 s31, s1;
	s6 =	smin.f32 s6, $9.999989860e-01  }
0x2ca: {  	s7 =	sadd.s32 s23, s7;
	s3 =	sor.u32 s3, s4;
	s14 =	ssub.f32 $1.000000000e+00, s6  }
0x2cb: {  	v61 =	vld [tilespmem:s7+$0xA600];
	s3 =	sshra.s32 s3, $0x2;
	(v2sf) =	vpush v59, $0x0;
	s7 =	sadd.f32 s16, s20;
	s11 =	spop (v2sf)  }
0x2cc: {  	s3 =	sadd.s32 s23, s3;
	(v2sf) =	vpush v60, $0x0;
	s12 =	smax.f32 s11, $9.999999970e-07;
	s13 =	spop (v2sf)  }
0x2cd: {  	v62 =	vld [tilespmem:s3+$0xA780];
	s2 =	smin.f32 s12, $9.999989860e-01;
	s3 =	smax.f32 s13, $9.999999970e-07  }
0x2ce: {  	s2 =	ssub.f32 $1.000000000e+00, s2;
	s15 =	spop (v2sf)  }
0x2cf: {  	s3 =	smin.f32 s3, $9.999989860e-01;
	s17 =	spop (v2sf)  }
0x2d0: {  	(v2sf) =	vpush v61, $0x0;
	s6 =	smax.f32 s15, $9.999999970e-07;
	s3 =	ssub.f32 $1.000000000e+00, s3  }
0x2d1: {  	s8 =	smax.f32 s17, $9.999999970e-07;
	s6 =	smin.f32 s6, $9.999989860e-01  }
0x2d2: {  	s9 =	spop (v2sf);
	s6 =	ssub.f32 $1.000000000e+00, s6  }
0x2d3: {  	(v2sf) =	vpush v62, $0x0;
	s8 =	smin.f32 s8, $9.999989860e-01;
	s3 =	sadd.f32 s3, s7  }
0x2d4: {  	s9 =	smax.f32 s9, $9.999999970e-07;
	s8 =	ssub.f32 $1.000000000e+00, s8  }
0x2d5: {  	s10 =	spop (v2sf);
	s6 =	sadd.f32 s6, s18  }
0x2d6: {  	s9 =	smin.f32 s9, $9.999989860e-01;
	s8 =	sadd.f32 s8, s19  }
0x2d7: {  	s10 =	smax.f32 s10, $9.999999970e-07;
	s9 =	ssub.f32 $1.000000000e+00, s9  }
0x2d8: {  	s20 =	smin.f32 s10, $9.999989860e-01;
	s0 =	sadd.f32 s0, s6  }
0x2d9: {  	s4 =	ssub.f32 $1.000000000e+00, s20  }
0x2da: {  	s11 =	spop (v2sf);
	s5 =	sadd.f32 s14, s8  }
0x2db: {  	s3 =	sadd.f32 s9, s3;
	s12 =	spop (v2sf)  }
0x2dc: {  	s22 =	smax.f32 s11, $9.999999970e-07;
	s0 =	sadd.f32 s2, s0  }
0x2dd: {  	s21 =	smax.f32 s12, $9.999999970e-07;
	s6 =	smin.f32 s22, $9.999989860e-01  }
0x2de: {  	s4 =	sadd.f32 s4, s5;
	s10 =	smin.f32 s21, $9.999989860e-01  }
0x2df: {  	s6 =	ssub.f32 $1.000000000e+00, s6;
	s23 =	spop (v2sf)  }
0x2e0: {  	s26 =	ssub.f32 $1.000000000e+00, s10;
	s24 =	smax.f32 s23, $9.999999970e-07  }
0x2e1: {  	s0 =	sadd.f32 s6, s0;
	s7 =	smin.f32 s24, $9.999989860e-01  }
0x2e2: {  	s25 =	spop (v2sf);
	s7 =	ssub.f32 $1.000000000e+00, s7  }
0x2e3: {  	s2 =	smax.f32 s25, $9.999999970e-07;
	s1 =	sadd.f32 s26, s1  }
0x2e4: {  	s2 =	smin.f32 s2, $9.999989860e-01;
	s4 =	sadd.f32 s7, s4  }
0x2e5: {  	s2 =	ssub.f32 $1.000000000e+00, s2  }
0x2e6: {  	s1 =	sadd.f32 s1, s4  }
0x2e7: {  	s2 =	sadd.f32 s2, s3  }
0x2e8: {  	s0 =	sadd.f32 s0, s1;
	_ =	sdelay $0x1  }
0x2e9: {  	s0 =	sadd.f32 s2, s0;
	_ =	sdelay $0x1  }
0x2ea: {  	v63 =	vmov s0  }
0x2eb: {  	s28 =	rddreg [dreg:$0x9];
	v0 =	vnsel vm0, $0x0, v63  }
0x2ec: {  	s29 =	simm.s32 $0x12000;
	s8 =	simm.s32 $0x0;
	s1 =	simm.s32 $0x3;
	[tilespmem:$0x12000] =	vst v0  }
0x2ed: {  	[hbm4b:s28+s8] =	stream.linear.scatter [tilespmem:s29], [sflag:$0x3], $0x80, $0x38;
	[tilespmem:$0x12080] =	vst v63  }
0x2ee: {  	_ =	swait.ge [sflag:s1], $0x80  }
0x2ef: {  	s30 =	rddreg [dreg:$0xb]  }
0x2f0: {  	s31 =	rddreg [dreg:$0xa];
	s2 =	sadd.s32 $0x1, s30  }
0x2f1: {  	p0 =	sne.s32 s2, s31  }
.Ltmp5:
0x2f2: {  	_ = 	snop;
	(pc) =	sbr.rel @p0 .LBB2_1-.Ltmp5, $3  }
0x2f3: {  	_ =	sdelay $0x1  }
0x2f4: {  	[sflag:s1] =	ssyncset.done $0x0  }
0x2f5: {  	[sflag:s1] =	ssyncadd.s32 $0xFFFFFF80  }
0x2f6: {  	_ =	sfence.sel $0x180000  }
0x2f7: {  	[bflag:$0x0] =	sbarrier.arrive $0xFFFF  }
0x2f8: {  	_ =	strace $0x90000047  }
0x2f9: {  	s0 =	stileid.u32;
	[bflag:$0x2] =	sbarrier.arrive $0xFFFF  }
0x2fa: {  	p0 =	sne.s32 s0, $0x0;
	s0 =	rddreg [dreg:$0x2]  }
0x2fb: {  	s0 =	sadd.s32 @!p0 $0x100000, s0  }
0x2fc: {  	[sflag:s0] =	ssyncadd.tile.s32 @!p0 $0x1;
	_ =	shalt  }
.Lfunc_end2:
_tile_overlayer_lowered:
.L_overlay_start_2:
0x2fd: {  	(tag) =	ssettag $0x2  }
0x2fe: {  	s0 =	rddreg [dreg:$0x0];
	s2 =	stileid.u32  }
0x2ff: {  	s1 =	rddreg [dreg:$0x1];
	p0 =	sne.s32 s2, $0x0  }
0x300: {  	s3 =	rddreg [dreg:$0x2];
	[bflag:$0x3] =	sbarrier.arrive $0xFFFF;
	s2 =	simm.s32 @!p0 $0x1C03  }
0x301: {  	[timem:s3], [sflag:s2] =	dma.local @!p0 [hbm:s0], s1  }
0x302: {  	s0 =	simm.s32 @!p0 $0x3  }
0x303: {  	_ =	swait.ge @!p0 [sflag:s0], s1  }
0x304: {  	s1 =	ssub.s32 @!p0 $0x0, s1;
	[sflag:s0] =	ssyncset.done @!p0 $0x0  }
0x305: {  	[sflag:s0] =	ssyncadd.s32 @!p0 s1  }
0x306: {  	[bflag:$0x3] =	sbarrier.arrive $0xFFFF  }
0x307: {  	_ =	shalt  }

</sc_bundles>
